<compile_context>
chip_gen: v7x
topology: tpu7x:2x2x1
jax: 0.10.2.dev20260603
libtpu: 0.0.44.dev20260713+nightly
codegen_flags: <defaults>
</compile_context>

<pallas_src>
import functools

import jax
import jax.numpy as jnp
from jax import lax
from jax.experimental import pallas as pl
from jax.experimental.pallas import tpu as pltpu
from jax.experimental.pallas import tpu_sc as plsc

N = 10000
E = 320000
IN, HID, MID = 128, 256, 64

NP = 10240
NTILES = 32
KIDX = 128
R = -(-E // (NTILES * KIDX))
EP = NTILES * KIDX * R
R2 = EP // (16 * KIDX)
RPT = NP // 16
BN = 1024


def _mesh():
    return plsc.VectorSubcoreMesh(core_axis_name="c", subcore_axis_name="s")


_SC_PARAMS = pltpu.CompilerParams(use_tc_tiling_on_sc=False)



def _make_agg(FH, CH):

    @functools.partial(
        pl.kernel,
        out_type=jax.ShapeDtypeStruct((2, NP, FH), jnp.float32),
        mesh=_mesh(),
        compiler_params=_SC_PARAMS,
        scratch_types=[
            pltpu.VMEM((R2, KIDX), jnp.int32),
            pltpu.VMEM((R2, KIDX), jnp.int32),
            pltpu.VMEM((KIDX, FH), jnp.float32),
            pltpu.VMEM((CH, FH), jnp.float32),
            pltpu.VMEM_SHARED((NP, FH), jnp.float32),
            pltpu.SemaphoreType.DMA,
        ],
    )
    def agg(table, srcw, dstw, out, src_v, dst_v, rows_v, obuf, acc, sem):
        c = lax.axis_index("c")
        s = lax.axis_index("s")
        pltpu.sync_copy(srcw.at[c, s], src_v)
        pltpu.sync_copy(dstw.at[s], dst_v)

        zv = jnp.zeros((16,), jnp.float32)

        def zrow(i, carry):
            for j in range(FH // 16):
                obuf[i, pl.ds(j * 16, 16)] = zv
            return carry

        lax.fori_loop(0, CH, zrow, 0)
        for k in range(RPT // CH):
            pltpu.sync_copy(obuf, acc.at[pl.ds(s * RPT + k * CH, CH)])
        plsc.subcore_barrier()

        def body(r, carry):
            pltpu.async_copy(table.at[src_v.at[r]], rows_v, sem).wait()
            pltpu.sync_copy(rows_v, acc.at[dst_v.at[r]], add=True)
            return carry

        lax.fori_loop(0, R2, body, 0)
        plsc.subcore_barrier()
        for k in range(RPT // CH):
            off = s * RPT + k * CH
            pltpu.sync_copy(acc.at[pl.ds(off, CH)], obuf)
            pltpu.sync_copy(obuf, out.at[c].at[pl.ds(off, CH)])

    return agg


@functools.partial(
    pl.kernel,
    out_type=jax.ShapeDtypeStruct((2, NP), jnp.float32),
    mesh=_mesh(),
    compiler_params=_SC_PARAMS,
    scratch_types=[
        pltpu.VMEM((R, KIDX), jnp.int32),
        pltpu.VMEM((KIDX,), jnp.float32),
        pltpu.VMEM((RPT,), jnp.float32),
        pltpu.VMEM_SHARED((NP,), jnp.float32),
    ],
)
def _deg_kernel(dstw, out, dst_v, ones_v, obuf, acc):
    c = lax.axis_index("c")
    s = lax.axis_index("s")
    wid = s * 2 + c
    pltpu.sync_copy(dstw.at[wid], dst_v)
    for j in range(KIDX // 16):
        ones_v[pl.ds(j * 16, 16)] = jnp.ones((16,), jnp.float32)
    for j in range(RPT // 16):
        obuf[pl.ds(j * 16, 16)] = jnp.zeros((16,), jnp.float32)
    pltpu.sync_copy(obuf, acc.at[pl.ds(s * RPT, RPT)])
    plsc.subcore_barrier()

    def body(r, carry):
        pltpu.sync_copy(ones_v, acc.at[dst_v.at[r]], add=True)
        return carry

    lax.fori_loop(0, R, body, 0)
    plsc.subcore_barrier()
    pltpu.sync_copy(acc.at[pl.ds(s * RPT, RPT)], obuf)
    pltpu.sync_copy(obuf, out.at[c].at[pl.ds(s * RPT, RPT)])


@functools.partial(
    pl.kernel,
    out_type=jax.ShapeDtypeStruct((2, NP), jnp.float32),
    mesh=_mesh(),
    compiler_params=_SC_PARAMS,
    scratch_types=[
        pltpu.VMEM((R, KIDX), jnp.int32),
        pltpu.VMEM((R, KIDX), jnp.int32),
        pltpu.VMEM((KIDX,), jnp.float32),
        pltpu.VMEM((RPT,), jnp.float32),
        pltpu.VMEM_SHARED((NP,), jnp.float32),
        pltpu.SemaphoreType.DMA,
    ],
)
def _agg1_kernel(table, srcw, dstw, out, src_v, dst_v, rows_v, obuf, acc, sem):
    c = lax.axis_index("c")
    s = lax.axis_index("s")
    wid = s * 2 + c
    pltpu.sync_copy(srcw.at[wid], src_v)
    pltpu.sync_copy(dstw.at[wid], dst_v)
    for j in range(RPT // 16):
        obuf[pl.ds(j * 16, 16)] = jnp.zeros((16,), jnp.float32)
    pltpu.sync_copy(obuf, acc.at[pl.ds(s * RPT, RPT)])
    plsc.subcore_barrier()

    def body(r, carry):
        pltpu.async_copy(table.at[src_v.at[r]], rows_v, sem).wait()
        pltpu.sync_copy(rows_v, acc.at[dst_v.at[r]], add=True)
        return carry

    lax.fori_loop(0, R, body, 0)
    plsc.subcore_barrier()
    pltpu.sync_copy(acc.at[pl.ds(s * RPT, RPT)], obuf)
    pltpu.sync_copy(obuf, out.at[c].at[pl.ds(s * RPT, RPT)])


_agg128 = _make_agg(IN // 2, 320)
_agg64 = _make_agg(MID // 2, 640)



def _t1(degp, x_p):

    def body(dg_ref, x_ref, d_ref, xs_ref):
        dp = dg_ref[...]
        dcol = lax.rsqrt(dp[0] + dp[1] + 1.0)
        d_ref[...] = dcol
        xs = dcol * x_ref[...]
        xs_ref[...] = jnp.stack([xs[:, : IN // 2], xs[:, IN // 2:]], axis=0)

    return pl.pallas_call(
        body,
        grid=(NP // BN,),
        in_specs=[
            pl.BlockSpec((2, BN, 1), lambda i: (0, i, 0)),
            pl.BlockSpec((BN, IN), lambda i: (i, 0)),
        ],
        out_specs=[
            pl.BlockSpec((BN, 1), lambda i: (i, 0)),
            pl.BlockSpec((2, BN, IN // 2), lambda i: (0, i, 0)),
        ],
        out_shape=[
            jax.ShapeDtypeStruct((NP, 1), jnp.float32),
            jax.ShapeDtypeStruct((2, NP, IN // 2), jnp.float32),
        ],
    )(degp, x_p)


def _t2(aggp, x_p, d, W1, b1, W2):

    def body(a_ref, x_ref, d_ref, w1_ref, b1_ref, w2_ref, t2_ref):
        d = d_ref[...]
        a = jnp.concatenate([a_ref[0], a_ref[1]], axis=1)
        ax = d * a + (d * d) * x_ref[...]
        h1 = jnp.maximum(
            jnp.dot(ax, w1_ref[...], preferred_element_type=jnp.float32)
            + b1_ref[...], 0.0)
        p2 = jnp.dot(h1, w2_ref[...], preferred_element_type=jnp.float32)
        t2 = d * p2
        t2_ref[...] = jnp.stack([t2[:, : MID // 2], t2[:, MID // 2:]], axis=0)

    return pl.pallas_call(
        body,
        grid=(NP // BN,),
        in_specs=[
            pl.BlockSpec((2, BN, IN // 2), lambda i: (0, i, 0)),
            pl.BlockSpec((BN, IN), lambda i: (i, 0)),
            pl.BlockSpec((BN, 1), lambda i: (i, 0)),
            pl.BlockSpec((IN, HID), lambda i: (0, 0)),
            pl.BlockSpec((1, HID), lambda i: (0, 0)),
            pl.BlockSpec((HID, MID), lambda i: (0, 0)),
        ],
        out_specs=pl.BlockSpec((2, BN, MID // 2), lambda i: (0, i, 0)),
        out_shape=jax.ShapeDtypeStruct((2, NP, MID // 2), jnp.float32),
    )(aggp, x_p, d, W1, b1, W2)


def _t3(aggp, t2, d, b2, w3r):

    def body(a_ref, t2_ref, d_ref, b2_ref, w3_ref, t3_ref):
        d = d_ref[...]
        a = jnp.concatenate([a_ref[0] + t2_ref[0], a_ref[1] + t2_ref[1]], axis=1)
        h2 = jnp.maximum(d * a + b2_ref[...], 0.0)
        p3 = jnp.sum(h2 * w3_ref[...], axis=1, keepdims=True)
        t3_ref[...] = d * p3

    return pl.pallas_call(
        body,
        grid=(NP // BN,),
        in_specs=[
            pl.BlockSpec((2, BN, MID // 2), lambda i: (0, i, 0)),
            pl.BlockSpec((2, BN, MID // 2), lambda i: (0, i, 0)),
            pl.BlockSpec((BN, 1), lambda i: (i, 0)),
            pl.BlockSpec((1, MID), lambda i: (0, 0)),
            pl.BlockSpec((1, MID), lambda i: (0, 0)),
        ],
        out_specs=pl.BlockSpec((BN, 1), lambda i: (i, 0)),
        out_shape=jax.ShapeDtypeStruct((NP, 1), jnp.float32),
    )(aggp, t2, d, b2, w3r)


def _t4(aggp, t3, d, b3):

    def body(a_ref, t3_ref, d_ref, b3_ref, o_ref):
        o_ref[...] = d_ref[...] * (a_ref[0] + a_ref[1] + t3_ref[...]) + b3_ref[0, 0]

    return pl.pallas_call(
        body,
        out_shape=jax.ShapeDtypeStruct((NP // 128, 128), jnp.float32),
    )(aggp, t3, d, b3)


def kernel(x, edge_index, W1, b1, W2, b2, W3, b3):
    src = edge_index[0]
    dst = edge_index[1]
    pad = EP - E
    pad_idx = N + (jnp.arange(pad, dtype=jnp.int32) % (NP - N))
    src_f = jnp.concatenate([src, pad_idx])
    dst_f = jnp.concatenate([dst, pad_idx])
    src_p = src_f.reshape(NTILES, R, KIDX)
    dst_p = dst_f.reshape(NTILES, R, KIDX)
    src_pc = jnp.stack([src_f, src_f + NP]).reshape(2, 16, R2, KIDX)
    dst_pc = dst_f.reshape(16, R2, KIDX)
    x_p = jnp.pad(x, ((0, NP - N), (0, 0)))

    degp = _deg_kernel(dst_p)
    d, xs = _t1(degp.reshape(2, NP, 1), x_p)
    agg1 = _agg128(xs.reshape(2 * NP, IN // 2), src_pc, dst_pc)
    t2 = _t2(agg1, x_p, d, W1, b1.reshape(1, HID), W2)
    agg2 = _agg64(t2.reshape(2 * NP, MID // 2), src_pc, dst_pc)
    t3 = _t3(agg2, t2, d, b2.reshape(1, MID), W3.reshape(1, MID))
    agg3 = _agg1_kernel(t3.reshape(NP), src_p, dst_p)
    out = _t4(agg3.reshape(2, NP // 128, 128), t3.reshape(NP // 128, 128),
              d.reshape(NP // 128, 128), b3.reshape(1, 1))
    return out.reshape(NP)[:N]

# --- scband reference (transcript-rebuilt; emitter-appended) ---
"""Pipeline reference for scband-gnnmodel-79834852098286 (READ-ONLY COPY).

The authoritative reference and input builder live on the scoring server;
editing this copy changes nothing except your own understanding.
"""

import jax, jax.numpy as jnp
import numpy as np

N = 10000
E = 320000
IN, HID, MID = 128, 256, 64


def setup_inputs(seed: int = 0) -> dict:
    key = jax.random.key(seed)
    ks = jax.random.split(key, 9)
    x = jax.random.normal(ks[0], (N, IN), dtype=jnp.float32)
    edge_index = jax.random.randint(ks[1], (2, E), 0, N, dtype=jnp.int32)
    W1 = jax.random.normal(ks[2], (IN, HID), dtype=jnp.float32) * (1.0 / np.sqrt(IN))
    b1 = jnp.zeros((HID,), dtype=jnp.float32)
    W2 = jax.random.normal(ks[3], (HID, MID), dtype=jnp.float32) * (1.0 / np.sqrt(HID))
    b2 = jnp.zeros((MID,), dtype=jnp.float32)
    W3 = jax.random.normal(ks[4], (MID, 1), dtype=jnp.float32) * (1.0 / np.sqrt(MID))
    b3 = jnp.zeros((1,), dtype=jnp.float32)
    return {"x": x, "edge_index": edge_index, "W1": W1, "b1": b1, "W2": W2, "b2": b2, "W3": W3, "b3": b3}


def _gcn_conv(h, src, dst, deg_inv_sqrt, W, b):
    # GCNConv: h' = D^{-1/2} (A + I) D^{-1/2} (h W) + b
    h = h @ W
    norm = deg_inv_sqrt[src] * deg_inv_sqrt[dst]
    msg = h[src] * norm[:, None]
    out = jnp.zeros_like(h).at[dst].add(msg)
    return out + b


def reference(x, edge_index, W1, b1, W2, b2, W3, b3):
    loop = jnp.arange(N, dtype=edge_index.dtype)
    src = jnp.concatenate([edge_index[0], loop])
    dst = jnp.concatenate([edge_index[1], loop])
    deg = jnp.zeros((N,), dtype=jnp.float32).at[dst].add(1.0)
    deg_inv_sqrt = jnp.where(deg > 0, 1.0 / jnp.sqrt(deg), 0.0)
    h = _gcn_conv(x, src, dst, deg_inv_sqrt, W1, b1)
    h = jax.nn.relu(h)
    h = _gcn_conv(h, src, dst, deg_inv_sqrt, W2, b2)
    h = jax.nn.relu(h)
    h = _gcn_conv(h, src, dst, deg_inv_sqrt, W3, b3)
    return jnp.squeeze(h, axis=-1)

if __name__ == "__main__":
    import jax
    _d = setup_inputs()
    print(jax.jit(kernel)(*tuple(_d.values())))

</pallas_src>

<mosaic_0001>
#map = affine_map<(d0, d1) -> (0)>
#map1 = affine_map<(d0, d1) -> (0, 0, 0)>
#map2 = affine_map<(d0, d1) -> (0, 0)>
module attributes {stable_mosaic.version = 14 : i64} {
  func.func @_agg1_kernel(%arg0: i32, %arg1: i32, %arg2: memref<10240xf32, #tpu.memory_space<hbm>>, %arg3: memref<32x79x128xi32, #tpu.memory_space<hbm>>, %arg4: memref<32x79x128xi32, #tpu.memory_space<hbm>>, %arg5: memref<2x10240xf32, #tpu.memory_space<hbm>>, %arg6: memref<79x128xi32, #tpu.memory_space<vmem>>, %arg7: memref<79x128xi32, #tpu.memory_space<vmem>>, %arg8: memref<128xf32, #tpu.memory_space<vmem>>, %arg9: memref<640xf32, #tpu.memory_space<vmem>>, %arg10: memref<10240xf32, #tpu.memory_space<vmem_shared>>, %arg11: memref<!tpu.dma_semaphore, #tpu.memory_space<semaphore_mem>>) attributes {dimension_semantics = [#tpu.dimension_semantics<core_parallel>, #tpu.dimension_semantics<subcore_parallel>], iteration_bounds = array<i64: 2, 16>, scalar_prefetch = 0 : i64, scratch_operands = 6 : i64, tpu.core_type = #tpu.core_type<sc_vector_subcore>, window_params = [{transform_indices = #map}, {transform_indices = #map1}, {transform_indices = #map1}, {transform_indices = #map2}]} {
    %mul3A = arith.constant 2 : i32
    %mul3A_0 = arith.muli %arg1, %mul3A : i32
    %add3A = arith.addi %mul3A_0, %arg0 : i32
    "tpu.region"() ({
      %run_scoped3A = tpu.sem_alloc : memref<!tpu.dma_semaphore, #tpu.memory_space<semaphore_mem>>
      %dma_start3A = arith.constant 0 : i32
      %dma_start3A_251 = arith.constant 0 : i32
      %dma_start3A_252 = tpu.memref_slice %arg3[%add3A, %dma_start3A, %dma_start3A_251] : memref<32x79x128xi32, #tpu.memory_space<hbm>> -> memref<1x79x128xi32, #tpu.memory_space<hbm>>
      %dma_start3A_253 = tpu.memref_squeeze %dma_start3A_252 : memref<1x79x128xi32, #tpu.memory_space<hbm>> -> memref<79x128xi32, #tpu.memory_space<hbm>>
      %dma_start3A_254 = arith.constant 0 : i32
      %dma_start3A_255 = arith.constant 0 : i32
      %dma_start3A_256 = tpu.memref_slice %arg3[%add3A, %dma_start3A_254, %dma_start3A_255] : memref<32x79x128xi32, #tpu.memory_space<hbm>> -> memref<1x79x128xi32, #tpu.memory_space<hbm>>
      %dma_start3A_257 = tpu.memref_squeeze %dma_start3A_256 : memref<1x79x128xi32, #tpu.memory_space<hbm>> -> memref<79x128xi32, #tpu.memory_space<hbm>>
      tpu.enqueue_dma source(%dma_start3A_257 : memref<79x128xi32, #tpu.memory_space<hbm>>) target(%arg6 : memref<79x128xi32, #tpu.memory_space<vmem>>) target_semaphore(%run_scoped3A : memref<!tpu.dma_semaphore, #tpu.memory_space<semaphore_mem>>)
      %dma_wait3A = arith.constant 0 : i32
      %dma_wait3A_258 = arith.constant 0 : i32
      %dma_wait3A_259 = tpu.memref_slice %arg3[%add3A, %dma_wait3A, %dma_wait3A_258] : memref<32x79x128xi32, #tpu.memory_space<hbm>> -> memref<1x79x128xi32, #tpu.memory_space<hbm>>
      %dma_wait3A_260 = tpu.memref_squeeze %dma_wait3A_259 : memref<1x79x128xi32, #tpu.memory_space<hbm>> -> memref<79x128xi32, #tpu.memory_space<hbm>>
      %dma_wait3A_261 = arith.constant 0 : i32
      %dma_wait3A_262 = arith.constant 0 : i32
      %dma_wait3A_263 = tpu.memref_slice %arg3[%add3A, %dma_wait3A_261, %dma_wait3A_262] : memref<32x79x128xi32, #tpu.memory_space<hbm>> -> memref<1x79x128xi32, #tpu.memory_space<hbm>>
      %dma_wait3A_264 = tpu.memref_squeeze %dma_wait3A_263 : memref<1x79x128xi32, #tpu.memory_space<hbm>> -> memref<79x128xi32, #tpu.memory_space<hbm>>
      tpu.wait_dma2 semaphore(%run_scoped3A : memref<!tpu.dma_semaphore, #tpu.memory_space<semaphore_mem>>) src(%dma_wait3A_264 : memref<79x128xi32, #tpu.memory_space<hbm>>) dst(%arg6 : memref<79x128xi32, #tpu.memory_space<vmem>>)
      tpu.yield
    }) : () -> ()
    "tpu.region"() ({
      %run_scoped3A = tpu.sem_alloc : memref<!tpu.dma_semaphore, #tpu.memory_space<semaphore_mem>>
      %dma_start3A = arith.constant 0 : i32
      %dma_start3A_251 = arith.constant 0 : i32
      %dma_start3A_252 = tpu.memref_slice %arg4[%add3A, %dma_start3A, %dma_start3A_251] : memref<32x79x128xi32, #tpu.memory_space<hbm>> -> memref<1x79x128xi32, #tpu.memory_space<hbm>>
      %dma_start3A_253 = tpu.memref_squeeze %dma_start3A_252 : memref<1x79x128xi32, #tpu.memory_space<hbm>> -> memref<79x128xi32, #tpu.memory_space<hbm>>
      %dma_start3A_254 = arith.constant 0 : i32
      %dma_start3A_255 = arith.constant 0 : i32
      %dma_start3A_256 = tpu.memref_slice %arg4[%add3A, %dma_start3A_254, %dma_start3A_255] : memref<32x79x128xi32, #tpu.memory_space<hbm>> -> memref<1x79x128xi32, #tpu.memory_space<hbm>>
      %dma_start3A_257 = tpu.memref_squeeze %dma_start3A_256 : memref<1x79x128xi32, #tpu.memory_space<hbm>> -> memref<79x128xi32, #tpu.memory_space<hbm>>
      tpu.enqueue_dma source(%dma_start3A_257 : memref<79x128xi32, #tpu.memory_space<hbm>>) target(%arg7 : memref<79x128xi32, #tpu.memory_space<vmem>>) target_semaphore(%run_scoped3A : memref<!tpu.dma_semaphore, #tpu.memory_space<semaphore_mem>>)
      %dma_wait3A = arith.constant 0 : i32
      %dma_wait3A_258 = arith.constant 0 : i32
      %dma_wait3A_259 = tpu.memref_slice %arg4[%add3A, %dma_wait3A, %dma_wait3A_258] : memref<32x79x128xi32, #tpu.memory_space<hbm>> -> memref<1x79x128xi32, #tpu.memory_space<hbm>>
      %dma_wait3A_260 = tpu.memref_squeeze %dma_wait3A_259 : memref<1x79x128xi32, #tpu.memory_space<hbm>> -> memref<79x128xi32, #tpu.memory_space<hbm>>
      %dma_wait3A_261 = arith.constant 0 : i32
      %dma_wait3A_262 = arith.constant 0 : i32
      %dma_wait3A_263 = tpu.memref_slice %arg4[%add3A, %dma_wait3A_261, %dma_wait3A_262] : memref<32x79x128xi32, #tpu.memory_space<hbm>> -> memref<1x79x128xi32, #tpu.memory_space<hbm>>
      %dma_wait3A_264 = tpu.memref_squeeze %dma_wait3A_263 : memref<1x79x128xi32, #tpu.memory_space<hbm>> -> memref<79x128xi32, #tpu.memory_space<hbm>>
      tpu.wait_dma2 semaphore(%run_scoped3A : memref<!tpu.dma_semaphore, #tpu.memory_space<semaphore_mem>>) src(%dma_wait3A_264 : memref<79x128xi32, #tpu.memory_space<hbm>>) dst(%arg7 : memref<79x128xi32, #tpu.memory_space<vmem>>)
      tpu.yield
    }) : () -> ()
    %broadcast_in_dim3A = arith.constant 0.000000e+00 : f32
    %broadcast_in_dim3A_1 = vector.broadcast %broadcast_in_dim3A : f32 to vector<16xf32>
    %swap3A = arith.constant 0 : index
    %swap3A_2 = tpu.vector_load %arg9[%swap3A] {strides = array<i32>} : memref<640xf32, #tpu.memory_space<vmem>>, vector<16xf32>,
    %swap3A_3 = vector.shape_cast %swap3A_2 : vector<16xf32> to vector<16xf32>
    %swap3A_4 = vector.shape_cast %broadcast_in_dim3A_1 : vector<16xf32> to vector<16xf32>
    tpu.vector_store %arg9[%swap3A], %swap3A_4 {strides = array<i32>} : memref<640xf32, #tpu.memory_space<vmem>>, vector<16xf32>,
    %broadcast_in_dim3A_5 = arith.constant 0.000000e+00 : f32
    %broadcast_in_dim3A_6 = vector.broadcast %broadcast_in_dim3A_5 : f32 to vector<16xf32>
    %swap3A_7 = arith.constant 16 : index
    %swap3A_8 = tpu.vector_load %arg9[%swap3A_7] {strides = array<i32>} : memref<640xf32, #tpu.memory_space<vmem>>, vector<16xf32>,
    %swap3A_9 = vector.shape_cast %swap3A_8 : vector<16xf32> to vector<16xf32>
    %swap3A_10 = vector.shape_cast %broadcast_in_dim3A_6 : vector<16xf32> to vector<16xf32>
    tpu.vector_store %arg9[%swap3A_7], %swap3A_10 {strides = array<i32>} : memref<640xf32, #tpu.memory_space<vmem>>, vector<16xf32>,
    %broadcast_in_dim3A_11 = arith.constant 0.000000e+00 : f32
    %broadcast_in_dim3A_12 = vector.broadcast %broadcast_in_dim3A_11 : f32 to vector<16xf32>
    %swap3A_13 = arith.constant 32 : index
    %swap3A_14 = tpu.vector_load %arg9[%swap3A_13] {strides = array<i32>} : memref<640xf32, #tpu.memory_space<vmem>>, vector<16xf32>,
    %swap3A_15 = vector.shape_cast %swap3A_14 : vector<16xf32> to vector<16xf32>
    %swap3A_16 = vector.shape_cast %broadcast_in_dim3A_12 : vector<16xf32> to vector<16xf32>
    tpu.vector_store %arg9[%swap3A_13], %swap3A_16 {strides = array<i32>} : memref<640xf32, #tpu.memory_space<vmem>>, vector<16xf32>,
    %broadcast_in_dim3A_17 = arith.constant 0.000000e+00 : f32
    %broadcast_in_dim3A_18 = vector.broadcast %broadcast_in_dim3A_17 : f32 to vector<16xf32>
    %swap3A_19 = arith.constant 48 : index
    %swap3A_20 = tpu.vector_load %arg9[%swap3A_19] {strides = array<i32>} : memref<640xf32, #tpu.memory_space<vmem>>, vector<16xf32>,
    %swap3A_21 = vector.shape_cast %swap3A_20 : vector<16xf32> to vector<16xf32>
    %swap3A_22 = vector.shape_cast %broadcast_in_dim3A_18 : vector<16xf32> to vector<16xf32>
    tpu.vector_store %arg9[%swap3A_19], %swap3A_22 {strides = array<i32>} : memref<640xf32, #tpu.memory_space<vmem>>, vector<16xf32>,
    %broadcast_in_dim3A_23 = arith.constant 0.000000e+00 : f32
    %broadcast_in_dim3A_24 = vector.broadcast %broadcast_in_dim3A_23 : f32 to vector<16xf32>
    %swap3A_25 = arith.constant 64 : index
    %swap3A_26 = tpu.vector_load %arg9[%swap3A_25] {strides = array<i32>} : memref<640xf32, #tpu.memory_space<vmem>>, vector<16xf32>,
    %swap3A_27 = vector.shape_cast %swap3A_26 : vector<16xf32> to vector<16xf32>
    %swap3A_28 = vector.shape_cast %broadcast_in_dim3A_24 : vector<16xf32> to vector<16xf32>
    tpu.vector_store %arg9[%swap3A_25], %swap3A_28 {strides = array<i32>} : memref<640xf32, #tpu.memory_space<vmem>>, vector<16xf32>,
    %broadcast_in_dim3A_29 = arith.constant 0.000000e+00 : f32
    %broadcast_in_dim3A_30 = vector.broadcast %broadcast_in_dim3A_29 : f32 to vector<16xf32>
    %swap3A_31 = arith.constant 80 : index
    %swap3A_32 = tpu.vector_load %arg9[%swap3A_31] {strides = array<i32>} : memref<640xf32, #tpu.memory_space<vmem>>, vector<16xf32>,
    %swap3A_33 = vector.shape_cast %swap3A_32 : vector<16xf32> to vector<16xf32>
    %swap3A_34 = vector.shape_cast %broadcast_in_dim3A_30 : vector<16xf32> to vector<16xf32>
    tpu.vector_store %arg9[%swap3A_31], %swap3A_34 {strides = array<i32>} : memref<640xf32, #tpu.memory_space<vmem>>, vector<16xf32>,
    %broadcast_in_dim3A_35 = arith.constant 0.000000e+00 : f32
    %broadcast_in_dim3A_36 = vector.broadcast %broadcast_in_dim3A_35 : f32 to vector<16xf32>
    %swap3A_37 = arith.constant 96 : index
    %swap3A_38 = tpu.vector_load %arg9[%swap3A_37] {strides = array<i32>} : memref<640xf32, #tpu.memory_space<vmem>>, vector<16xf32>,
    %swap3A_39 = vector.shape_cast %swap3A_38 : vector<16xf32> to vector<16xf32>
    %swap3A_40 = vector.shape_cast %broadcast_in_dim3A_36 : vector<16xf32> to vector<16xf32>
    tpu.vector_store %arg9[%swap3A_37], %swap3A_40 {strides = array<i32>} : memref<640xf32, #tpu.memory_space<vmem>>, vector<16xf32>,
    %broadcast_in_dim3A_41 = arith.constant 0.000000e+00 : f32
    %broadcast_in_dim3A_42 = vector.broadcast %broadcast_in_dim3A_41 : f32 to vector<16xf32>
    %swap3A_43 = arith.constant 112 : index
    %swap3A_44 = tpu.vector_load %arg9[%swap3A_43] {strides = array<i32>} : memref<640xf32, #tpu.memory_space<vmem>>, vector<16xf32>,
    %swap3A_45 = vector.shape_cast %swap3A_44 : vector<16xf32> to vector<16xf32>
    %swap3A_46 = vector.shape_cast %broadcast_in_dim3A_42 : vector<16xf32> to vector<16xf32>
    tpu.vector_store %arg9[%swap3A_43], %swap3A_46 {strides = array<i32>} : memref<640xf32, #tpu.memory_space<vmem>>, vector<16xf32>,
    %broadcast_in_dim3A_47 = arith.constant 0.000000e+00 : f32
    %broadcast_in_dim3A_48 = vector.broadcast %broadcast_in_dim3A_47 : f32 to vector<16xf32>
    %swap3A_49 = arith.constant 128 : index
    %swap3A_50 = tpu.vector_load %arg9[%swap3A_49] {strides = array<i32>} : memref<640xf32, #tpu.memory_space<vmem>>, vector<16xf32>,
    %swap3A_51 = vector.shape_cast %swap3A_50 : vector<16xf32> to vector<16xf32>
    %swap3A_52 = vector.shape_cast %broadcast_in_dim3A_48 : vector<16xf32> to vector<16xf32>
    tpu.vector_store %arg9[%swap3A_49], %swap3A_52 {strides = array<i32>} : memref<640xf32, #tpu.memory_space<vmem>>, vector<16xf32>,
    %broadcast_in_dim3A_53 = arith.constant 0.000000e+00 : f32
    %broadcast_in_dim3A_54 = vector.broadcast %broadcast_in_dim3A_53 : f32 to vector<16xf32>
    %swap3A_55 = arith.constant 144 : index
    %swap3A_56 = tpu.vector_load %arg9[%swap3A_55] {strides = array<i32>} : memref<640xf32, #tpu.memory_space<vmem>>, vector<16xf32>,
    %swap3A_57 = vector.shape_cast %swap3A_56 : vector<16xf32> to vector<16xf32>
    %swap3A_58 = vector.shape_cast %broadcast_in_dim3A_54 : vector<16xf32> to vector<16xf32>
    tpu.vector_store %arg9[%swap3A_55], %swap3A_58 {strides = array<i32>} : memref<640xf32, #tpu.memory_space<vmem>>, vector<16xf32>,
    %broadcast_in_dim3A_59 = arith.constant 0.000000e+00 : f32
    %broadcast_in_dim3A_60 = vector.broadcast %broadcast_in_dim3A_59 : f32 to vector<16xf32>
    %swap3A_61 = arith.constant 160 : index
    %swap3A_62 = tpu.vector_load %arg9[%swap3A_61] {strides = array<i32>} : memref<640xf32, #tpu.memory_space<vmem>>, vector<16xf32>,
    %swap3A_63 = vector.shape_cast %swap3A_62 : vector<16xf32> to vector<16xf32>
    %swap3A_64 = vector.shape_cast %broadcast_in_dim3A_60 : vector<16xf32> to vector<16xf32>
    tpu.vector_store %arg9[%swap3A_61], %swap3A_64 {strides = array<i32>} : memref<640xf32, #tpu.memory_space<vmem>>, vector<16xf32>,
    %broadcast_in_dim3A_65 = arith.constant 0.000000e+00 : f32
    %broadcast_in_dim3A_66 = vector.broadcast %broadcast_in_dim3A_65 : f32 to vector<16xf32>
    %swap3A_67 = arith.constant 176 : index
    %swap3A_68 = tpu.vector_load %arg9[%swap3A_67] {strides = array<i32>} : memref<640xf32, #tpu.memory_space<vmem>>, vector<16xf32>,
    %swap3A_69 = vector.shape_cast %swap3A_68 : vector<16xf32> to vector<16xf32>
    %swap3A_70 = vector.shape_cast %broadcast_in_dim3A_66 : vector<16xf32> to vector<16xf32>
    tpu.vector_store %arg9[%swap3A_67], %swap3A_70 {strides = array<i32>} : memref<640xf32, #tpu.memory_space<vmem>>, vector<16xf32>,
    %broadcast_in_dim3A_71 = arith.constant 0.000000e+00 : f32
    %broadcast_in_dim3A_72 = vector.broadcast %broadcast_in_dim3A_71 : f32 to vector<16xf32>
    %swap3A_73 = arith.constant 192 : index
    %swap3A_74 = tpu.vector_load %arg9[%swap3A_73] {strides = array<i32>} : memref<640xf32, #tpu.memory_space<vmem>>, vector<16xf32>,
    %swap3A_75 = vector.shape_cast %swap3A_74 : vector<16xf32> to vector<16xf32>
    %swap3A_76 = vector.shape_cast %broadcast_in_dim3A_72 : vector<16xf32> to vector<16xf32>
    tpu.vector_store %arg9[%swap3A_73], %swap3A_76 {strides = array<i32>} : memref<640xf32, #tpu.memory_space<vmem>>, vector<16xf32>,
    %broadcast_in_dim3A_77 = arith.constant 0.000000e+00 : f32
    %broadcast_in_dim3A_78 = vector.broadcast %broadcast_in_dim3A_77 : f32 to vector<16xf32>
    %swap3A_79 = arith.constant 208 : index
    %swap3A_80 = tpu.vector_load %arg9[%swap3A_79] {strides = array<i32>} : memref<640xf32, #tpu.memory_space<vmem>>, vector<16xf32>,
    %swap3A_81 = vector.shape_cast %swap3A_80 : vector<16xf32> to vector<16xf32>
    %swap3A_82 = vector.shape_cast %broadcast_in_dim3A_78 : vector<16xf32> to vector<16xf32>
    tpu.vector_store %arg9[%swap3A_79], %swap3A_82 {strides = array<i32>} : memref<640xf32, #tpu.memory_space<vmem>>, vector<16xf32>,
    %broadcast_in_dim3A_83 = arith.constant 0.000000e+00 : f32
    %broadcast_in_dim3A_84 = vector.broadcast %broadcast_in_dim3A_83 : f32 to vector<16xf32>
    %swap3A_85 = arith.constant 224 : index
    %swap3A_86 = tpu.vector_load %arg9[%swap3A_85] {strides = array<i32>} : memref<640xf32, #tpu.memory_space<vmem>>, vector<16xf32>,
    %swap3A_87 = vector.shape_cast %swap3A_86 : vector<16xf32> to vector<16xf32>
    %swap3A_88 = vector.shape_cast %broadcast_in_dim3A_84 : vector<16xf32> to vector<16xf32>
    tpu.vector_store %arg9[%swap3A_85], %swap3A_88 {strides = array<i32>} : memref<640xf32, #tpu.memory_space<vmem>>, vector<16xf32>,
    %broadcast_in_dim3A_89 = arith.constant 0.000000e+00 : f32
    %broadcast_in_dim3A_90 = vector.broadcast %broadcast_in_dim3A_89 : f32 to vector<16xf32>
    %swap3A_91 = arith.constant 240 : index
    %swap3A_92 = tpu.vector_load %arg9[%swap3A_91] {strides = array<i32>} : memref<640xf32, #tpu.memory_space<vmem>>, vector<16xf32>,
    %swap3A_93 = vector.shape_cast %swap3A_92 : vector<16xf32> to vector<16xf32>
    %swap3A_94 = vector.shape_cast %broadcast_in_dim3A_90 : vector<16xf32> to vector<16xf32>
    tpu.vector_store %arg9[%swap3A_91], %swap3A_94 {strides = array<i32>} : memref<640xf32, #tpu.memory_space<vmem>>, vector<16xf32>,
    %broadcast_in_dim3A_95 = arith.constant 0.000000e+00 : f32
    %broadcast_in_dim3A_96 = vector.broadcast %broadcast_in_dim3A_95 : f32 to vector<16xf32>
    %swap3A_97 = arith.constant 256 : index
    %swap3A_98 = tpu.vector_load %arg9[%swap3A_97] {strides = array<i32>} : memref<640xf32, #tpu.memory_space<vmem>>, vector<16xf32>,
    %swap3A_99 = vector.shape_cast %swap3A_98 : vector<16xf32> to vector<16xf32>
    %swap3A_100 = vector.shape_cast %broadcast_in_dim3A_96 : vector<16xf32> to vector<16xf32>
    tpu.vector_store %arg9[%swap3A_97], %swap3A_100 {strides = array<i32>} : memref<640xf32, #tpu.memory_space<vmem>>, vector<16xf32>,
    %broadcast_in_dim3A_101 = arith.constant 0.000000e+00 : f32
    %broadcast_in_dim3A_102 = vector.broadcast %broadcast_in_dim3A_101 : f32 to vector<16xf32>
    %swap3A_103 = arith.constant 272 : index
    %swap3A_104 = tpu.vector_load %arg9[%swap3A_103] {strides = array<i32>} : memref<640xf32, #tpu.memory_space<vmem>>, vector<16xf32>,
    %swap3A_105 = vector.shape_cast %swap3A_104 : vector<16xf32> to vector<16xf32>
    %swap3A_106 = vector.shape_cast %broadcast_in_dim3A_102 : vector<16xf32> to vector<16xf32>
    tpu.vector_store %arg9[%swap3A_103], %swap3A_106 {strides = array<i32>} : memref<640xf32, #tpu.memory_space<vmem>>, vector<16xf32>,
    %broadcast_in_dim3A_107 = arith.constant 0.000000e+00 : f32
    %broadcast_in_dim3A_108 = vector.broadcast %broadcast_in_dim3A_107 : f32 to vector<16xf32>
    %swap3A_109 = arith.constant 288 : index
    %swap3A_110 = tpu.vector_load %arg9[%swap3A_109] {strides = array<i32>} : memref<640xf32, #tpu.memory_space<vmem>>, vector<16xf32>,
    %swap3A_111 = vector.shape_cast %swap3A_110 : vector<16xf32> to vector<16xf32>
    %swap3A_112 = vector.shape_cast %broadcast_in_dim3A_108 : vector<16xf32> to vector<16xf32>
    tpu.vector_store %arg9[%swap3A_109], %swap3A_112 {strides = array<i32>} : memref<640xf32, #tpu.memory_space<vmem>>, vector<16xf32>,
    %broadcast_in_dim3A_113 = arith.constant 0.000000e+00 : f32
    %broadcast_in_dim3A_114 = vector.broadcast %broadcast_in_dim3A_113 : f32 to vector<16xf32>
    %swap3A_115 = arith.constant 304 : index
    %swap3A_116 = tpu.vector_load %arg9[%swap3A_115] {strides = array<i32>} : memref<640xf32, #tpu.memory_space<vmem>>, vector<16xf32>,
    %swap3A_117 = vector.shape_cast %swap3A_116 : vector<16xf32> to vector<16xf32>
    %swap3A_118 = vector.shape_cast %broadcast_in_dim3A_114 : vector<16xf32> to vector<16xf32>
    tpu.vector_store %arg9[%swap3A_115], %swap3A_118 {strides = array<i32>} : memref<640xf32, #tpu.memory_space<vmem>>, vector<16xf32>,
    %broadcast_in_dim3A_119 = arith.constant 0.000000e+00 : f32
    %broadcast_in_dim3A_120 = vector.broadcast %broadcast_in_dim3A_119 : f32 to vector<16xf32>
    %swap3A_121 = arith.constant 320 : index
    %swap3A_122 = tpu.vector_load %arg9[%swap3A_121] {strides = array<i32>} : memref<640xf32, #tpu.memory_space<vmem>>, vector<16xf32>,
    %swap3A_123 = vector.shape_cast %swap3A_122 : vector<16xf32> to vector<16xf32>
    %swap3A_124 = vector.shape_cast %broadcast_in_dim3A_120 : vector<16xf32> to vector<16xf32>
    tpu.vector_store %arg9[%swap3A_121], %swap3A_124 {strides = array<i32>} : memref<640xf32, #tpu.memory_space<vmem>>, vector<16xf32>,
    %broadcast_in_dim3A_125 = arith.constant 0.000000e+00 : f32
    %broadcast_in_dim3A_126 = vector.broadcast %broadcast_in_dim3A_125 : f32 to vector<16xf32>
    %swap3A_127 = arith.constant 336 : index
    %swap3A_128 = tpu.vector_load %arg9[%swap3A_127] {strides = array<i32>} : memref<640xf32, #tpu.memory_space<vmem>>, vector<16xf32>,
    %swap3A_129 = vector.shape_cast %swap3A_128 : vector<16xf32> to vector<16xf32>
    %swap3A_130 = vector.shape_cast %broadcast_in_dim3A_126 : vector<16xf32> to vector<16xf32>
    tpu.vector_store %arg9[%swap3A_127], %swap3A_130 {strides = array<i32>} : memref<640xf32, #tpu.memory_space<vmem>>, vector<16xf32>,
    %broadcast_in_dim3A_131 = arith.constant 0.000000e+00 : f32
    %broadcast_in_dim3A_132 = vector.broadcast %broadcast_in_dim3A_131 : f32 to vector<16xf32>
    %swap3A_133 = arith.constant 352 : index
    %swap3A_134 = tpu.vector_load %arg9[%swap3A_133] {strides = array<i32>} : memref<640xf32, #tpu.memory_space<vmem>>, vector<16xf32>,
    %swap3A_135 = vector.shape_cast %swap3A_134 : vector<16xf32> to vector<16xf32>
    %swap3A_136 = vector.shape_cast %broadcast_in_dim3A_132 : vector<16xf32> to vector<16xf32>
    tpu.vector_store %arg9[%swap3A_133], %swap3A_136 {strides = array<i32>} : memref<640xf32, #tpu.memory_space<vmem>>, vector<16xf32>,
    %broadcast_in_dim3A_137 = arith.constant 0.000000e+00 : f32
    %broadcast_in_dim3A_138 = vector.broadcast %broadcast_in_dim3A_137 : f32 to vector<16xf32>
    %swap3A_139 = arith.constant 368 : index
    %swap3A_140 = tpu.vector_load %arg9[%swap3A_139] {strides = array<i32>} : memref<640xf32, #tpu.memory_space<vmem>>, vector<16xf32>,
    %swap3A_141 = vector.shape_cast %swap3A_140 : vector<16xf32> to vector<16xf32>
    %swap3A_142 = vector.shape_cast %broadcast_in_dim3A_138 : vector<16xf32> to vector<16xf32>
    tpu.vector_store %arg9[%swap3A_139], %swap3A_142 {strides = array<i32>} : memref<640xf32, #tpu.memory_space<vmem>>, vector<16xf32>,
    %broadcast_in_dim3A_143 = arith.constant 0.000000e+00 : f32
    %broadcast_in_dim3A_144 = vector.broadcast %broadcast_in_dim3A_143 : f32 to vector<16xf32>
    %swap3A_145 = arith.constant 384 : index
    %swap3A_146 = tpu.vector_load %arg9[%swap3A_145] {strides = array<i32>} : memref<640xf32, #tpu.memory_space<vmem>>, vector<16xf32>,
    %swap3A_147 = vector.shape_cast %swap3A_146 : vector<16xf32> to vector<16xf32>
    %swap3A_148 = vector.shape_cast %broadcast_in_dim3A_144 : vector<16xf32> to vector<16xf32>
    tpu.vector_store %arg9[%swap3A_145], %swap3A_148 {strides = array<i32>} : memref<640xf32, #tpu.memory_space<vmem>>, vector<16xf32>,
    %broadcast_in_dim3A_149 = arith.constant 0.000000e+00 : f32
    %broadcast_in_dim3A_150 = vector.broadcast %broadcast_in_dim3A_149 : f32 to vector<16xf32>
    %swap3A_151 = arith.constant 400 : index
    %swap3A_152 = tpu.vector_load %arg9[%swap3A_151] {strides = array<i32>} : memref<640xf32, #tpu.memory_space<vmem>>, vector<16xf32>,
    %swap3A_153 = vector.shape_cast %swap3A_152 : vector<16xf32> to vector<16xf32>
    %swap3A_154 = vector.shape_cast %broadcast_in_dim3A_150 : vector<16xf32> to vector<16xf32>
    tpu.vector_store %arg9[%swap3A_151], %swap3A_154 {strides = array<i32>} : memref<640xf32, #tpu.memory_space<vmem>>, vector<16xf32>,
    %broadcast_in_dim3A_155 = arith.constant 0.000000e+00 : f32
    %broadcast_in_dim3A_156 = vector.broadcast %broadcast_in_dim3A_155 : f32 to vector<16xf32>
    %swap3A_157 = arith.constant 416 : index
    %swap3A_158 = tpu.vector_load %arg9[%swap3A_157] {strides = array<i32>} : memref<640xf32, #tpu.memory_space<vmem>>, vector<16xf32>,
    %swap3A_159 = vector.shape_cast %swap3A_158 : vector<16xf32> to vector<16xf32>
    %swap3A_160 = vector.shape_cast %broadcast_in_dim3A_156 : vector<16xf32> to vector<16xf32>
    tpu.vector_store %arg9[%swap3A_157], %swap3A_160 {strides = array<i32>} : memref<640xf32, #tpu.memory_space<vmem>>, vector<16xf32>,
    %broadcast_in_dim3A_161 = arith.constant 0.000000e+00 : f32
    %broadcast_in_dim3A_162 = vector.broadcast %broadcast_in_dim3A_161 : f32 to vector<16xf32>
    %swap3A_163 = arith.constant 432 : index
    %swap3A_164 = tpu.vector_load %arg9[%swap3A_163] {strides = array<i32>} : memref<640xf32, #tpu.memory_space<vmem>>, vector<16xf32>,
    %swap3A_165 = vector.shape_cast %swap3A_164 : vector<16xf32> to vector<16xf32>
    %swap3A_166 = vector.shape_cast %broadcast_in_dim3A_162 : vector<16xf32> to vector<16xf32>
    tpu.vector_store %arg9[%swap3A_163], %swap3A_166 {strides = array<i32>} : memref<640xf32, #tpu.memory_space<vmem>>, vector<16xf32>,
    %broadcast_in_dim3A_167 = arith.constant 0.000000e+00 : f32
    %broadcast_in_dim3A_168 = vector.broadcast %broadcast_in_dim3A_167 : f32 to vector<16xf32>
    %swap3A_169 = arith.constant 448 : index
    %swap3A_170 = tpu.vector_load %arg9[%swap3A_169] {strides = array<i32>} : memref<640xf32, #tpu.memory_space<vmem>>, vector<16xf32>,
    %swap3A_171 = vector.shape_cast %swap3A_170 : vector<16xf32> to vector<16xf32>
    %swap3A_172 = vector.shape_cast %broadcast_in_dim3A_168 : vector<16xf32> to vector<16xf32>
    tpu.vector_store %arg9[%swap3A_169], %swap3A_172 {strides = array<i32>} : memref<640xf32, #tpu.memory_space<vmem>>, vector<16xf32>,
    %broadcast_in_dim3A_173 = arith.constant 0.000000e+00 : f32
    %broadcast_in_dim3A_174 = vector.broadcast %broadcast_in_dim3A_173 : f32 to vector<16xf32>
    %swap3A_175 = arith.constant 464 : index
    %swap3A_176 = tpu.vector_load %arg9[%swap3A_175] {strides = array<i32>} : memref<640xf32, #tpu.memory_space<vmem>>, vector<16xf32>,
    %swap3A_177 = vector.shape_cast %swap3A_176 : vector<16xf32> to vector<16xf32>
    %swap3A_178 = vector.shape_cast %broadcast_in_dim3A_174 : vector<16xf32> to vector<16xf32>
    tpu.vector_store %arg9[%swap3A_175], %swap3A_178 {strides = array<i32>} : memref<640xf32, #tpu.memory_space<vmem>>, vector<16xf32>,
    %broadcast_in_dim3A_179 = arith.constant 0.000000e+00 : f32
    %broadcast_in_dim3A_180 = vector.broadcast %broadcast_in_dim3A_179 : f32 to vector<16xf32>
    %swap3A_181 = arith.constant 480 : index
    %swap3A_182 = tpu.vector_load %arg9[%swap3A_181] {strides = array<i32>} : memref<640xf32, #tpu.memory_space<vmem>>, vector<16xf32>,
    %swap3A_183 = vector.shape_cast %swap3A_182 : vector<16xf32> to vector<16xf32>
    %swap3A_184 = vector.shape_cast %broadcast_in_dim3A_180 : vector<16xf32> to vector<16xf32>
    tpu.vector_store %arg9[%swap3A_181], %swap3A_184 {strides = array<i32>} : memref<640xf32, #tpu.memory_space<vmem>>, vector<16xf32>,
    %broadcast_in_dim3A_185 = arith.constant 0.000000e+00 : f32
    %broadcast_in_dim3A_186 = vector.broadcast %broadcast_in_dim3A_185 : f32 to vector<16xf32>
    %swap3A_187 = arith.constant 496 : index
    %swap3A_188 = tpu.vector_load %arg9[%swap3A_187] {strides = array<i32>} : memref<640xf32, #tpu.memory_space<vmem>>, vector<16xf32>,
    %swap3A_189 = vector.shape_cast %swap3A_188 : vector<16xf32> to vector<16xf32>
    %swap3A_190 = vector.shape_cast %broadcast_in_dim3A_186 : vector<16xf32> to vector<16xf32>
    tpu.vector_store %arg9[%swap3A_187], %swap3A_190 {strides = array<i32>} : memref<640xf32, #tpu.memory_space<vmem>>, vector<16xf32>,
    %broadcast_in_dim3A_191 = arith.constant 0.000000e+00 : f32
    %broadcast_in_dim3A_192 = vector.broadcast %broadcast_in_dim3A_191 : f32 to vector<16xf32>
    %swap3A_193 = arith.constant 512 : index
    %swap3A_194 = tpu.vector_load %arg9[%swap3A_193] {strides = array<i32>} : memref<640xf32, #tpu.memory_space<vmem>>, vector<16xf32>,
    %swap3A_195 = vector.shape_cast %swap3A_194 : vector<16xf32> to vector<16xf32>
    %swap3A_196 = vector.shape_cast %broadcast_in_dim3A_192 : vector<16xf32> to vector<16xf32>
    tpu.vector_store %arg9[%swap3A_193], %swap3A_196 {strides = array<i32>} : memref<640xf32, #tpu.memory_space<vmem>>, vector<16xf32>,
    %broadcast_in_dim3A_197 = arith.constant 0.000000e+00 : f32
    %broadcast_in_dim3A_198 = vector.broadcast %broadcast_in_dim3A_197 : f32 to vector<16xf32>
    %swap3A_199 = arith.constant 528 : index
    %swap3A_200 = tpu.vector_load %arg9[%swap3A_199] {strides = array<i32>} : memref<640xf32, #tpu.memory_space<vmem>>, vector<16xf32>,
    %swap3A_201 = vector.shape_cast %swap3A_200 : vector<16xf32> to vector<16xf32>
    %swap3A_202 = vector.shape_cast %broadcast_in_dim3A_198 : vector<16xf32> to vector<16xf32>
    tpu.vector_store %arg9[%swap3A_199], %swap3A_202 {strides = array<i32>} : memref<640xf32, #tpu.memory_space<vmem>>, vector<16xf32>,
    %broadcast_in_dim3A_203 = arith.constant 0.000000e+00 : f32
    %broadcast_in_dim3A_204 = vector.broadcast %broadcast_in_dim3A_203 : f32 to vector<16xf32>
    %swap3A_205 = arith.constant 544 : index
    %swap3A_206 = tpu.vector_load %arg9[%swap3A_205] {strides = array<i32>} : memref<640xf32, #tpu.memory_space<vmem>>, vector<16xf32>,
    %swap3A_207 = vector.shape_cast %swap3A_206 : vector<16xf32> to vector<16xf32>
    %swap3A_208 = vector.shape_cast %broadcast_in_dim3A_204 : vector<16xf32> to vector<16xf32>
    tpu.vector_store %arg9[%swap3A_205], %swap3A_208 {strides = array<i32>} : memref<640xf32, #tpu.memory_space<vmem>>, vector<16xf32>,
    %broadcast_in_dim3A_209 = arith.constant 0.000000e+00 : f32
    %broadcast_in_dim3A_210 = vector.broadcast %broadcast_in_dim3A_209 : f32 to vector<16xf32>
    %swap3A_211 = arith.constant 560 : index
    %swap3A_212 = tpu.vector_load %arg9[%swap3A_211] {strides = array<i32>} : memref<640xf32, #tpu.memory_space<vmem>>, vector<16xf32>,
    %swap3A_213 = vector.shape_cast %swap3A_212 : vector<16xf32> to vector<16xf32>
    %swap3A_214 = vector.shape_cast %broadcast_in_dim3A_210 : vector<16xf32> to vector<16xf32>
    tpu.vector_store %arg9[%swap3A_211], %swap3A_214 {strides = array<i32>} : memref<640xf32, #tpu.memory_space<vmem>>, vector<16xf32>,
    %broadcast_in_dim3A_215 = arith.constant 0.000000e+00 : f32
    %broadcast_in_dim3A_216 = vector.broadcast %broadcast_in_dim3A_215 : f32 to vector<16xf32>
    %swap3A_217 = arith.constant 576 : index
    %swap3A_218 = tpu.vector_load %arg9[%swap3A_217] {strides = array<i32>} : memref<640xf32, #tpu.memory_space<vmem>>, vector<16xf32>,
    %swap3A_219 = vector.shape_cast %swap3A_218 : vector<16xf32> to vector<16xf32>
    %swap3A_220 = vector.shape_cast %broadcast_in_dim3A_216 : vector<16xf32> to vector<16xf32>
    tpu.vector_store %arg9[%swap3A_217], %swap3A_220 {strides = array<i32>} : memref<640xf32, #tpu.memory_space<vmem>>, vector<16xf32>,
    %broadcast_in_dim3A_221 = arith.constant 0.000000e+00 : f32
    %broadcast_in_dim3A_222 = vector.broadcast %broadcast_in_dim3A_221 : f32 to vector<16xf32>
    %swap3A_223 = arith.constant 592 : index
    %swap3A_224 = tpu.vector_load %arg9[%swap3A_223] {strides = array<i32>} : memref<640xf32, #tpu.memory_space<vmem>>, vector<16xf32>,
    %swap3A_225 = vector.shape_cast %swap3A_224 : vector<16xf32> to vector<16xf32>
    %swap3A_226 = vector.shape_cast %broadcast_in_dim3A_222 : vector<16xf32> to vector<16xf32>
    tpu.vector_store %arg9[%swap3A_223], %swap3A_226 {strides = array<i32>} : memref<640xf32, #tpu.memory_space<vmem>>, vector<16xf32>,
    %broadcast_in_dim3A_227 = arith.constant 0.000000e+00 : f32
    %broadcast_in_dim3A_228 = vector.broadcast %broadcast_in_dim3A_227 : f32 to vector<16xf32>
    %swap3A_229 = arith.constant 608 : index
    %swap3A_230 = tpu.vector_load %arg9[%swap3A_229] {strides = array<i32>} : memref<640xf32, #tpu.memory_space<vmem>>, vector<16xf32>,
    %swap3A_231 = vector.shape_cast %swap3A_230 : vector<16xf32> to vector<16xf32>
    %swap3A_232 = vector.shape_cast %broadcast_in_dim3A_228 : vector<16xf32> to vector<16xf32>
    tpu.vector_store %arg9[%swap3A_229], %swap3A_232 {strides = array<i32>} : memref<640xf32, #tpu.memory_space<vmem>>, vector<16xf32>,
    %broadcast_in_dim3A_233 = arith.constant 0.000000e+00 : f32
    %broadcast_in_dim3A_234 = vector.broadcast %broadcast_in_dim3A_233 : f32 to vector<16xf32>
    %swap3A_235 = arith.constant 624 : index
    %swap3A_236 = tpu.vector_load %arg9[%swap3A_235] {strides = array<i32>} : memref<640xf32, #tpu.memory_space<vmem>>, vector<16xf32>,
    %swap3A_237 = vector.shape_cast %swap3A_236 : vector<16xf32> to vector<16xf32>
    %swap3A_238 = vector.shape_cast %broadcast_in_dim3A_234 : vector<16xf32> to vector<16xf32>
    tpu.vector_store %arg9[%swap3A_235], %swap3A_238 {strides = array<i32>} : memref<640xf32, #tpu.memory_space<vmem>>, vector<16xf32>,
    %mul3A_239 = arith.constant 640 : i32
    %mul3A_240 = arith.muli %arg1, %mul3A_239 : i32
    "tpu.region"() ({
      %run_scoped3A = tpu.sem_alloc : memref<!tpu.dma_semaphore, #tpu.memory_space<semaphore_mem>>
      %dma_start3A = tpu.memref_slice %arg10[%mul3A_240] : memref<10240xf32, #tpu.memory_space<vmem_shared>> -> memref<640xf32, #tpu.memory_space<vmem_shared>>
      %dma_start3A_251 = tpu.memref_slice %arg10[%mul3A_240] : memref<10240xf32, #tpu.memory_space<vmem_shared>> -> memref<640xf32, #tpu.memory_space<vmem_shared>>
      tpu.enqueue_dma source(%arg9 : memref<640xf32, #tpu.memory_space<vmem>>) target(%dma_start3A_251 : memref<640xf32, #tpu.memory_space<vmem_shared>>) target_semaphore(%run_scoped3A : memref<!tpu.dma_semaphore, #tpu.memory_space<semaphore_mem>>)
      %dma_wait3A = tpu.memref_slice %arg10[%mul3A_240] : memref<10240xf32, #tpu.memory_space<vmem_shared>> -> memref<640xf32, #tpu.memory_space<vmem_shared>>
      %dma_wait3A_252 = tpu.memref_slice %arg10[%mul3A_240] : memref<10240xf32, #tpu.memory_space<vmem_shared>> -> memref<640xf32, #tpu.memory_space<vmem_shared>>
      tpu.wait_dma2 semaphore(%run_scoped3A : memref<!tpu.dma_semaphore, #tpu.memory_space<semaphore_mem>>) src(%arg9 : memref<640xf32, #tpu.memory_space<vmem>>) dst(%dma_wait3A_252 : memref<640xf32, #tpu.memory_space<vmem_shared>>)
      tpu.yield
    }) : () -> ()
    %barrier3A = arith.constant 0 : index
    tpu.barrier barrier_id(%barrier3A)
    %scan3A = arith.constant 0 : i32
    %scan3A_241 = arith.constant 0 : i32
    %scan3A_242 = arith.constant 79 : i32
    %scan3A_243 = arith.addi %scan3A_241, %scan3A_242 : i32
    %scan3A_244 = arith.constant 1 : i32
    scf.for %scan3A_251 = %scan3A_241 to %scan3A_243 step %scan3A_244  : i32 {
      %dma_start3A = arith.constant 0 : i32
      %dma_start3A_252 = tpu.memref_slice %arg6[%scan3A_251, %dma_start3A] : memref<79x128xi32, #tpu.memory_space<vmem>> -> memref<1x128xi32, #tpu.memory_space<vmem>>
      %dma_start3A_253 = tpu.memref_squeeze %dma_start3A_252 : memref<1x128xi32, #tpu.memory_space<vmem>> -> memref<128xi32, #tpu.memory_space<vmem>>
      %dma_start3A_254 = arith.constant 0 : i32
      %dma_start3A_255 = tpu.memref_slice %arg2[%dma_start3A_254] : memref<10240xf32, #tpu.memory_space<hbm>> -> memref<10240xf32, #tpu.memory_space<hbm>>
      tpu.enqueue_indirect_dma source(%dma_start3A_255 : memref<10240xf32, #tpu.memory_space<hbm>>) target(%arg8 : memref<128xf32, #tpu.memory_space<vmem>>) offsets(%dma_start3A_253 : memref<128xi32, #tpu.memory_space<vmem>>) semaphore(%arg11 : memref<!tpu.dma_semaphore, #tpu.memory_space<semaphore_mem>>)
      %dma_wait3A = arith.constant 0 : i32
      %dma_wait3A_256 = tpu.memref_slice %arg6[%scan3A_251, %dma_wait3A] : memref<79x128xi32, #tpu.memory_space<vmem>> -> memref<1x128xi32, #tpu.memory_space<vmem>>
      %dma_wait3A_257 = tpu.memref_squeeze %dma_wait3A_256 : memref<1x128xi32, #tpu.memory_space<vmem>> -> memref<128xi32, #tpu.memory_space<vmem>>
      %dma_wait3A_258 = arith.constant 0 : i32
      %dma_wait3A_259 = tpu.memref_slice %arg2[%dma_wait3A_258] : memref<10240xf32, #tpu.memory_space<hbm>> -> memref<10240xf32, #tpu.memory_space<hbm>>
      tpu.wait_indirect_dma semaphore(%arg11 : memref<!tpu.dma_semaphore, #tpu.memory_space<semaphore_mem>>) src(%dma_wait3A_259 : memref<10240xf32, #tpu.memory_space<hbm>>) dst(%arg8 : memref<128xf32, #tpu.memory_space<vmem>>)
      "tpu.region"() ({
        %run_scoped3A = tpu.sem_alloc : memref<!tpu.dma_semaphore, #tpu.memory_space<semaphore_mem>>
        %dma_start3A_260 = arith.constant 0 : i32
        %dma_start3A_261 = tpu.memref_slice %arg7[%scan3A_251, %dma_start3A_260] : memref<79x128xi32, #tpu.memory_space<vmem>> -> memref<1x128xi32, #tpu.memory_space<vmem>>
        %dma_start3A_262 = tpu.memref_squeeze %dma_start3A_261 : memref<1x128xi32, #tpu.memory_space<vmem>> -> memref<128xi32, #tpu.memory_space<vmem>>
        %dma_start3A_263 = arith.constant 0 : i32
        %dma_start3A_264 = tpu.memref_slice %arg10[%dma_start3A_263] : memref<10240xf32, #tpu.memory_space<vmem_shared>> -> memref<10240xf32, #tpu.memory_space<vmem_shared>>
        tpu.enqueue_indirect_dma source(%arg8 : memref<128xf32, #tpu.memory_space<vmem>>) target(%dma_start3A_264 : memref<10240xf32, #tpu.memory_space<vmem_shared>>) offsets(%dma_start3A_262 : memref<128xi32, #tpu.memory_space<vmem>>) semaphore(%run_scoped3A : memref<!tpu.dma_semaphore, #tpu.memory_space<semaphore_mem>>) {add = true}
        %dma_wait3A_265 = arith.constant 0 : i32
        %dma_wait3A_266 = tpu.memref_slice %arg7[%scan3A_251, %dma_wait3A_265] : memref<79x128xi32, #tpu.memory_space<vmem>> -> memref<1x128xi32, #tpu.memory_space<vmem>>
        %dma_wait3A_267 = tpu.memref_squeeze %dma_wait3A_266 : memref<1x128xi32, #tpu.memory_space<vmem>> -> memref<128xi32, #tpu.memory_space<vmem>>
        %dma_wait3A_268 = arith.constant 0 : i32
        %dma_wait3A_269 = tpu.memref_slice %arg10[%dma_wait3A_268] : memref<10240xf32, #tpu.memory_space<vmem_shared>> -> memref<10240xf32, #tpu.memory_space<vmem_shared>>
        tpu.wait_indirect_dma semaphore(%run_scoped3A : memref<!tpu.dma_semaphore, #tpu.memory_space<semaphore_mem>>) src(%arg8 : memref<128xf32, #tpu.memory_space<vmem>>) dst(%dma_wait3A_269 : memref<10240xf32, #tpu.memory_space<vmem_shared>>)
        tpu.yield
      }) : () -> ()
    }
    %scan3A_245 = arith.constant 79 : i32
    %barrier3A_246 = arith.constant 0 : index
    tpu.barrier barrier_id(%barrier3A_246)
    %mul3A_247 = arith.constant 640 : i32
    %mul3A_248 = arith.muli %arg1, %mul3A_247 : i32
    "tpu.region"() ({
      %run_scoped3A = tpu.sem_alloc : memref<!tpu.dma_semaphore, #tpu.memory_space<semaphore_mem>>
      %dma_start3A = tpu.memref_slice %arg10[%mul3A_248] : memref<10240xf32, #tpu.memory_space<vmem_shared>> -> memref<640xf32, #tpu.memory_space<vmem_shared>>
      %dma_start3A_251 = tpu.memref_slice %arg10[%mul3A_248] : memref<10240xf32, #tpu.memory_space<vmem_shared>> -> memref<640xf32, #tpu.memory_space<vmem_shared>>
      tpu.enqueue_dma source(%dma_start3A_251 : memref<640xf32, #tpu.memory_space<vmem_shared>>) target(%arg9 : memref<640xf32, #tpu.memory_space<vmem>>) target_semaphore(%run_scoped3A : memref<!tpu.dma_semaphore, #tpu.memory_space<semaphore_mem>>)
      %dma_wait3A = tpu.memref_slice %arg10[%mul3A_248] : memref<10240xf32, #tpu.memory_space<vmem_shared>> -> memref<640xf32, #tpu.memory_space<vmem_shared>>
      %dma_wait3A_252 = tpu.memref_slice %arg10[%mul3A_248] : memref<10240xf32, #tpu.memory_space<vmem_shared>> -> memref<640xf32, #tpu.memory_space<vmem_shared>>
      tpu.wait_dma2 semaphore(%run_scoped3A : memref<!tpu.dma_semaphore, #tpu.memory_space<semaphore_mem>>) src(%dma_wait3A_252 : memref<640xf32, #tpu.memory_space<vmem_shared>>) dst(%arg9 : memref<640xf32, #tpu.memory_space<vmem>>)
      tpu.yield
    }) : () -> ()
    %mul3A_249 = arith.constant 640 : i32
    %mul3A_250 = arith.muli %arg1, %mul3A_249 : i32
    "tpu.region"() ({
      %run_scoped3A = tpu.sem_alloc : memref<!tpu.dma_semaphore, #tpu.memory_space<semaphore_mem>>
      %dma_start3A = arith.constant 0 : i32
      %dma_start3A_251 = tpu.memref_slice %arg5[%arg0, %dma_start3A] : memref<2x10240xf32, #tpu.memory_space<hbm>> -> memref<1x10240xf32, #tpu.memory_space<hbm>>
      %dma_start3A_252 = tpu.memref_squeeze %dma_start3A_251 : memref<1x10240xf32, #tpu.memory_space<hbm>> -> memref<10240xf32, #tpu.memory_space<hbm>>
      %dma_start3A_253 = tpu.memref_slice %dma_start3A_252[%mul3A_250] : memref<10240xf32, #tpu.memory_space<hbm>> -> memref<640xf32, #tpu.memory_space<hbm>>
      %dma_start3A_254 = arith.constant 0 : i32
      %dma_start3A_255 = tpu.memref_slice %arg5[%arg0, %dma_start3A_254] : memref<2x10240xf32, #tpu.memory_space<hbm>> -> memref<1x10240xf32, #tpu.memory_space<hbm>>
      %dma_start3A_256 = tpu.memref_squeeze %dma_start3A_255 : memref<1x10240xf32, #tpu.memory_space<hbm>> -> memref<10240xf32, #tpu.memory_space<hbm>>
      %dma_start3A_257 = tpu.memref_slice %dma_start3A_256[%mul3A_250] : memref<10240xf32, #tpu.memory_space<hbm>> -> memref<640xf32, #tpu.memory_space<hbm>>
      tpu.enqueue_dma source(%arg9 : memref<640xf32, #tpu.memory_space<vmem>>) target(%dma_start3A_257 : memref<640xf32, #tpu.memory_space<hbm>>) target_semaphore(%run_scoped3A : memref<!tpu.dma_semaphore, #tpu.memory_space<semaphore_mem>>)
      %dma_wait3A = arith.constant 0 : i32
      %dma_wait3A_258 = tpu.memref_slice %arg5[%arg0, %dma_wait3A] : memref<2x10240xf32, #tpu.memory_space<hbm>> -> memref<1x10240xf32, #tpu.memory_space<hbm>>
      %dma_wait3A_259 = tpu.memref_squeeze %dma_wait3A_258 : memref<1x10240xf32, #tpu.memory_space<hbm>> -> memref<10240xf32, #tpu.memory_space<hbm>>
      %dma_wait3A_260 = tpu.memref_slice %dma_wait3A_259[%mul3A_250] : memref<10240xf32, #tpu.memory_space<hbm>> -> memref<640xf32, #tpu.memory_space<hbm>>
      %dma_wait3A_261 = arith.constant 0 : i32
      %dma_wait3A_262 = tpu.memref_slice %arg5[%arg0, %dma_wait3A_261] : memref<2x10240xf32, #tpu.memory_space<hbm>> -> memref<1x10240xf32, #tpu.memory_space<hbm>>
      %dma_wait3A_263 = tpu.memref_squeeze %dma_wait3A_262 : memref<1x10240xf32, #tpu.memory_space<hbm>> -> memref<10240xf32, #tpu.memory_space<hbm>>
      %dma_wait3A_264 = tpu.memref_slice %dma_wait3A_263[%mul3A_250] : memref<10240xf32, #tpu.memory_space<hbm>> -> memref<640xf32, #tpu.memory_space<hbm>>
      tpu.wait_dma2 semaphore(%run_scoped3A : memref<!tpu.dma_semaphore, #tpu.memory_space<semaphore_mem>>) src(%arg9 : memref<640xf32, #tpu.memory_space<vmem>>) dst(%dma_wait3A_264 : memref<640xf32, #tpu.memory_space<hbm>>)
      tpu.yield
    }) : () -> ()
    return
  }
}

#map = affine_map<(d0, d1) -> (0, 0, 0)>
#map1 = affine_map<(d0, d1) -> (0, 0)>
module attributes {stable_mosaic.version = 14 : i64} {
  func.func @_deg_kernel(%arg0: i32, %arg1: i32, %arg2: memref<32x79x128xi32, #tpu.memory_space<hbm>>, %arg3: memref<2x10240xf32, #tpu.memory_space<hbm>>, %arg4: memref<79x128xi32, #tpu.memory_space<vmem>>, %arg5: memref<128xf32, #tpu.memory_space<vmem>>, %arg6: memref<640xf32, #tpu.memory_space<vmem>>, %arg7: memref<10240xf32, #tpu.memory_space<vmem_shared>>) attributes {dimension_semantics = [#tpu.dimension_semantics<core_parallel>, #tpu.dimension_semantics<subcore_parallel>], iteration_bounds = array<i64: 2, 16>, scalar_prefetch = 0 : i64, scratch_operands = 4 : i64, tpu.core_type = #tpu.core_type<sc_vector_subcore>, window_params = [{transform_indices = #map}, {transform_indices = #map1}]} {
    %mul3A = arith.constant 2 : i32
    %mul3A_0 = arith.muli %arg1, %mul3A : i32
    %add3A = arith.addi %mul3A_0, %arg0 : i32
    "tpu.region"() ({
      %run_scoped3A = tpu.sem_alloc : memref<!tpu.dma_semaphore, #tpu.memory_space<semaphore_mem>>
      %dma_start3A = arith.constant 0 : i32
      %dma_start3A_299 = arith.constant 0 : i32
      %dma_start3A_300 = tpu.memref_slice %arg2[%add3A, %dma_start3A, %dma_start3A_299] : memref<32x79x128xi32, #tpu.memory_space<hbm>> -> memref<1x79x128xi32, #tpu.memory_space<hbm>>
      %dma_start3A_301 = tpu.memref_squeeze %dma_start3A_300 : memref<1x79x128xi32, #tpu.memory_space<hbm>> -> memref<79x128xi32, #tpu.memory_space<hbm>>
      %dma_start3A_302 = arith.constant 0 : i32
      %dma_start3A_303 = arith.constant 0 : i32
      %dma_start3A_304 = tpu.memref_slice %arg2[%add3A, %dma_start3A_302, %dma_start3A_303] : memref<32x79x128xi32, #tpu.memory_space<hbm>> -> memref<1x79x128xi32, #tpu.memory_space<hbm>>
      %dma_start3A_305 = tpu.memref_squeeze %dma_start3A_304 : memref<1x79x128xi32, #tpu.memory_space<hbm>> -> memref<79x128xi32, #tpu.memory_space<hbm>>
      tpu.enqueue_dma source(%dma_start3A_305 : memref<79x128xi32, #tpu.memory_space<hbm>>) target(%arg4 : memref<79x128xi32, #tpu.memory_space<vmem>>) target_semaphore(%run_scoped3A : memref<!tpu.dma_semaphore, #tpu.memory_space<semaphore_mem>>)
      %dma_wait3A = arith.constant 0 : i32
      %dma_wait3A_306 = arith.constant 0 : i32
      %dma_wait3A_307 = tpu.memref_slice %arg2[%add3A, %dma_wait3A, %dma_wait3A_306] : memref<32x79x128xi32, #tpu.memory_space<hbm>> -> memref<1x79x128xi32, #tpu.memory_space<hbm>>
      %dma_wait3A_308 = tpu.memref_squeeze %dma_wait3A_307 : memref<1x79x128xi32, #tpu.memory_space<hbm>> -> memref<79x128xi32, #tpu.memory_space<hbm>>
      %dma_wait3A_309 = arith.constant 0 : i32
      %dma_wait3A_310 = arith.constant 0 : i32
      %dma_wait3A_311 = tpu.memref_slice %arg2[%add3A, %dma_wait3A_309, %dma_wait3A_310] : memref<32x79x128xi32, #tpu.memory_space<hbm>> -> memref<1x79x128xi32, #tpu.memory_space<hbm>>
      %dma_wait3A_312 = tpu.memref_squeeze %dma_wait3A_311 : memref<1x79x128xi32, #tpu.memory_space<hbm>> -> memref<79x128xi32, #tpu.memory_space<hbm>>
      tpu.wait_dma2 semaphore(%run_scoped3A : memref<!tpu.dma_semaphore, #tpu.memory_space<semaphore_mem>>) src(%dma_wait3A_312 : memref<79x128xi32, #tpu.memory_space<hbm>>) dst(%arg4 : memref<79x128xi32, #tpu.memory_space<vmem>>)
      tpu.yield
    }) : () -> ()
    %broadcast_in_dim3A = arith.constant 1.000000e+00 : f32
    %broadcast_in_dim3A_1 = vector.broadcast %broadcast_in_dim3A : f32 to vector<16xf32>
    %swap3A = arith.constant 0 : index
    %swap3A_2 = tpu.vector_load %arg5[%swap3A] {strides = array<i32>} : memref<128xf32, #tpu.memory_space<vmem>>, vector<16xf32>,
    %swap3A_3 = vector.shape_cast %swap3A_2 : vector<16xf32> to vector<16xf32>
    %swap3A_4 = vector.shape_cast %broadcast_in_dim3A_1 : vector<16xf32> to vector<16xf32>
    tpu.vector_store %arg5[%swap3A], %swap3A_4 {strides = array<i32>} : memref<128xf32, #tpu.memory_space<vmem>>, vector<16xf32>,
    %broadcast_in_dim3A_5 = arith.constant 1.000000e+00 : f32
    %broadcast_in_dim3A_6 = vector.broadcast %broadcast_in_dim3A_5 : f32 to vector<16xf32>
    %swap3A_7 = arith.constant 16 : index
    %swap3A_8 = tpu.vector_load %arg5[%swap3A_7] {strides = array<i32>} : memref<128xf32, #tpu.memory_space<vmem>>, vector<16xf32>,
    %swap3A_9 = vector.shape_cast %swap3A_8 : vector<16xf32> to vector<16xf32>
    %swap3A_10 = vector.shape_cast %broadcast_in_dim3A_6 : vector<16xf32> to vector<16xf32>
    tpu.vector_store %arg5[%swap3A_7], %swap3A_10 {strides = array<i32>} : memref<128xf32, #tpu.memory_space<vmem>>, vector<16xf32>,
    %broadcast_in_dim3A_11 = arith.constant 1.000000e+00 : f32
    %broadcast_in_dim3A_12 = vector.broadcast %broadcast_in_dim3A_11 : f32 to vector<16xf32>
    %swap3A_13 = arith.constant 32 : index
    %swap3A_14 = tpu.vector_load %arg5[%swap3A_13] {strides = array<i32>} : memref<128xf32, #tpu.memory_space<vmem>>, vector<16xf32>,
    %swap3A_15 = vector.shape_cast %swap3A_14 : vector<16xf32> to vector<16xf32>
    %swap3A_16 = vector.shape_cast %broadcast_in_dim3A_12 : vector<16xf32> to vector<16xf32>
    tpu.vector_store %arg5[%swap3A_13], %swap3A_16 {strides = array<i32>} : memref<128xf32, #tpu.memory_space<vmem>>, vector<16xf32>,
    %broadcast_in_dim3A_17 = arith.constant 1.000000e+00 : f32
    %broadcast_in_dim3A_18 = vector.broadcast %broadcast_in_dim3A_17 : f32 to vector<16xf32>
    %swap3A_19 = arith.constant 48 : index
    %swap3A_20 = tpu.vector_load %arg5[%swap3A_19] {strides = array<i32>} : memref<128xf32, #tpu.memory_space<vmem>>, vector<16xf32>,
    %swap3A_21 = vector.shape_cast %swap3A_20 : vector<16xf32> to vector<16xf32>
    %swap3A_22 = vector.shape_cast %broadcast_in_dim3A_18 : vector<16xf32> to vector<16xf32>
    tpu.vector_store %arg5[%swap3A_19], %swap3A_22 {strides = array<i32>} : memref<128xf32, #tpu.memory_space<vmem>>, vector<16xf32>,
    %broadcast_in_dim3A_23 = arith.constant 1.000000e+00 : f32
    %broadcast_in_dim3A_24 = vector.broadcast %broadcast_in_dim3A_23 : f32 to vector<16xf32>
    %swap3A_25 = arith.constant 64 : index
    %swap3A_26 = tpu.vector_load %arg5[%swap3A_25] {strides = array<i32>} : memref<128xf32, #tpu.memory_space<vmem>>, vector<16xf32>,
    %swap3A_27 = vector.shape_cast %swap3A_26 : vector<16xf32> to vector<16xf32>
    %swap3A_28 = vector.shape_cast %broadcast_in_dim3A_24 : vector<16xf32> to vector<16xf32>
    tpu.vector_store %arg5[%swap3A_25], %swap3A_28 {strides = array<i32>} : memref<128xf32, #tpu.memory_space<vmem>>, vector<16xf32>,
    %broadcast_in_dim3A_29 = arith.constant 1.000000e+00 : f32
    %broadcast_in_dim3A_30 = vector.broadcast %broadcast_in_dim3A_29 : f32 to vector<16xf32>
    %swap3A_31 = arith.constant 80 : index
    %swap3A_32 = tpu.vector_load %arg5[%swap3A_31] {strides = array<i32>} : memref<128xf32, #tpu.memory_space<vmem>>, vector<16xf32>,
    %swap3A_33 = vector.shape_cast %swap3A_32 : vector<16xf32> to vector<16xf32>
    %swap3A_34 = vector.shape_cast %broadcast_in_dim3A_30 : vector<16xf32> to vector<16xf32>
    tpu.vector_store %arg5[%swap3A_31], %swap3A_34 {strides = array<i32>} : memref<128xf32, #tpu.memory_space<vmem>>, vector<16xf32>,
    %broadcast_in_dim3A_35 = arith.constant 1.000000e+00 : f32
    %broadcast_in_dim3A_36 = vector.broadcast %broadcast_in_dim3A_35 : f32 to vector<16xf32>
    %swap3A_37 = arith.constant 96 : index
    %swap3A_38 = tpu.vector_load %arg5[%swap3A_37] {strides = array<i32>} : memref<128xf32, #tpu.memory_space<vmem>>, vector<16xf32>,
    %swap3A_39 = vector.shape_cast %swap3A_38 : vector<16xf32> to vector<16xf32>
    %swap3A_40 = vector.shape_cast %broadcast_in_dim3A_36 : vector<16xf32> to vector<16xf32>
    tpu.vector_store %arg5[%swap3A_37], %swap3A_40 {strides = array<i32>} : memref<128xf32, #tpu.memory_space<vmem>>, vector<16xf32>,
    %broadcast_in_dim3A_41 = arith.constant 1.000000e+00 : f32
    %broadcast_in_dim3A_42 = vector.broadcast %broadcast_in_dim3A_41 : f32 to vector<16xf32>
    %swap3A_43 = arith.constant 112 : index
    %swap3A_44 = tpu.vector_load %arg5[%swap3A_43] {strides = array<i32>} : memref<128xf32, #tpu.memory_space<vmem>>, vector<16xf32>,
    %swap3A_45 = vector.shape_cast %swap3A_44 : vector<16xf32> to vector<16xf32>
    %swap3A_46 = vector.shape_cast %broadcast_in_dim3A_42 : vector<16xf32> to vector<16xf32>
    tpu.vector_store %arg5[%swap3A_43], %swap3A_46 {strides = array<i32>} : memref<128xf32, #tpu.memory_space<vmem>>, vector<16xf32>,
    %broadcast_in_dim3A_47 = arith.constant 0.000000e+00 : f32
    %broadcast_in_dim3A_48 = vector.broadcast %broadcast_in_dim3A_47 : f32 to vector<16xf32>
    %swap3A_49 = arith.constant 0 : index
    %swap3A_50 = tpu.vector_load %arg6[%swap3A_49] {strides = array<i32>} : memref<640xf32, #tpu.memory_space<vmem>>, vector<16xf32>,
    %swap3A_51 = vector.shape_cast %swap3A_50 : vector<16xf32> to vector<16xf32>
    %swap3A_52 = vector.shape_cast %broadcast_in_dim3A_48 : vector<16xf32> to vector<16xf32>
    tpu.vector_store %arg6[%swap3A_49], %swap3A_52 {strides = array<i32>} : memref<640xf32, #tpu.memory_space<vmem>>, vector<16xf32>,
    %broadcast_in_dim3A_53 = arith.constant 0.000000e+00 : f32
    %broadcast_in_dim3A_54 = vector.broadcast %broadcast_in_dim3A_53 : f32 to vector<16xf32>
    %swap3A_55 = arith.constant 16 : index
    %swap3A_56 = tpu.vector_load %arg6[%swap3A_55] {strides = array<i32>} : memref<640xf32, #tpu.memory_space<vmem>>, vector<16xf32>,
    %swap3A_57 = vector.shape_cast %swap3A_56 : vector<16xf32> to vector<16xf32>
    %swap3A_58 = vector.shape_cast %broadcast_in_dim3A_54 : vector<16xf32> to vector<16xf32>
    tpu.vector_store %arg6[%swap3A_55], %swap3A_58 {strides = array<i32>} : memref<640xf32, #tpu.memory_space<vmem>>, vector<16xf32>,
    %broadcast_in_dim3A_59 = arith.constant 0.000000e+00 : f32
    %broadcast_in_dim3A_60 = vector.broadcast %broadcast_in_dim3A_59 : f32 to vector<16xf32>
    %swap3A_61 = arith.constant 32 : index
    %swap3A_62 = tpu.vector_load %arg6[%swap3A_61] {strides = array<i32>} : memref<640xf32, #tpu.memory_space<vmem>>, vector<16xf32>,
    %swap3A_63 = vector.shape_cast %swap3A_62 : vector<16xf32> to vector<16xf32>
    %swap3A_64 = vector.shape_cast %broadcast_in_dim3A_60 : vector<16xf32> to vector<16xf32>
    tpu.vector_store %arg6[%swap3A_61], %swap3A_64 {strides = array<i32>} : memref<640xf32, #tpu.memory_space<vmem>>, vector<16xf32>,
    %broadcast_in_dim3A_65 = arith.constant 0.000000e+00 : f32
    %broadcast_in_dim3A_66 = vector.broadcast %broadcast_in_dim3A_65 : f32 to vector<16xf32>
    %swap3A_67 = arith.constant 48 : index
    %swap3A_68 = tpu.vector_load %arg6[%swap3A_67] {strides = array<i32>} : memref<640xf32, #tpu.memory_space<vmem>>, vector<16xf32>,
    %swap3A_69 = vector.shape_cast %swap3A_68 : vector<16xf32> to vector<16xf32>
    %swap3A_70 = vector.shape_cast %broadcast_in_dim3A_66 : vector<16xf32> to vector<16xf32>
    tpu.vector_store %arg6[%swap3A_67], %swap3A_70 {strides = array<i32>} : memref<640xf32, #tpu.memory_space<vmem>>, vector<16xf32>,
    %broadcast_in_dim3A_71 = arith.constant 0.000000e+00 : f32
    %broadcast_in_dim3A_72 = vector.broadcast %broadcast_in_dim3A_71 : f32 to vector<16xf32>
    %swap3A_73 = arith.constant 64 : index
    %swap3A_74 = tpu.vector_load %arg6[%swap3A_73] {strides = array<i32>} : memref<640xf32, #tpu.memory_space<vmem>>, vector<16xf32>,
    %swap3A_75 = vector.shape_cast %swap3A_74 : vector<16xf32> to vector<16xf32>
    %swap3A_76 = vector.shape_cast %broadcast_in_dim3A_72 : vector<16xf32> to vector<16xf32>
    tpu.vector_store %arg6[%swap3A_73], %swap3A_76 {strides = array<i32>} : memref<640xf32, #tpu.memory_space<vmem>>, vector<16xf32>,
    %broadcast_in_dim3A_77 = arith.constant 0.000000e+00 : f32
    %broadcast_in_dim3A_78 = vector.broadcast %broadcast_in_dim3A_77 : f32 to vector<16xf32>
    %swap3A_79 = arith.constant 80 : index
    %swap3A_80 = tpu.vector_load %arg6[%swap3A_79] {strides = array<i32>} : memref<640xf32, #tpu.memory_space<vmem>>, vector<16xf32>,
    %swap3A_81 = vector.shape_cast %swap3A_80 : vector<16xf32> to vector<16xf32>
    %swap3A_82 = vector.shape_cast %broadcast_in_dim3A_78 : vector<16xf32> to vector<16xf32>
    tpu.vector_store %arg6[%swap3A_79], %swap3A_82 {strides = array<i32>} : memref<640xf32, #tpu.memory_space<vmem>>, vector<16xf32>,
    %broadcast_in_dim3A_83 = arith.constant 0.000000e+00 : f32
    %broadcast_in_dim3A_84 = vector.broadcast %broadcast_in_dim3A_83 : f32 to vector<16xf32>
    %swap3A_85 = arith.constant 96 : index
    %swap3A_86 = tpu.vector_load %arg6[%swap3A_85] {strides = array<i32>} : memref<640xf32, #tpu.memory_space<vmem>>, vector<16xf32>,
    %swap3A_87 = vector.shape_cast %swap3A_86 : vector<16xf32> to vector<16xf32>
    %swap3A_88 = vector.shape_cast %broadcast_in_dim3A_84 : vector<16xf32> to vector<16xf32>
    tpu.vector_store %arg6[%swap3A_85], %swap3A_88 {strides = array<i32>} : memref<640xf32, #tpu.memory_space<vmem>>, vector<16xf32>,
    %broadcast_in_dim3A_89 = arith.constant 0.000000e+00 : f32
    %broadcast_in_dim3A_90 = vector.broadcast %broadcast_in_dim3A_89 : f32 to vector<16xf32>
    %swap3A_91 = arith.constant 112 : index
    %swap3A_92 = tpu.vector_load %arg6[%swap3A_91] {strides = array<i32>} : memref<640xf32, #tpu.memory_space<vmem>>, vector<16xf32>,
    %swap3A_93 = vector.shape_cast %swap3A_92 : vector<16xf32> to vector<16xf32>
    %swap3A_94 = vector.shape_cast %broadcast_in_dim3A_90 : vector<16xf32> to vector<16xf32>
    tpu.vector_store %arg6[%swap3A_91], %swap3A_94 {strides = array<i32>} : memref<640xf32, #tpu.memory_space<vmem>>, vector<16xf32>,
    %broadcast_in_dim3A_95 = arith.constant 0.000000e+00 : f32
    %broadcast_in_dim3A_96 = vector.broadcast %broadcast_in_dim3A_95 : f32 to vector<16xf32>
    %swap3A_97 = arith.constant 128 : index
    %swap3A_98 = tpu.vector_load %arg6[%swap3A_97] {strides = array<i32>} : memref<640xf32, #tpu.memory_space<vmem>>, vector<16xf32>,
    %swap3A_99 = vector.shape_cast %swap3A_98 : vector<16xf32> to vector<16xf32>
    %swap3A_100 = vector.shape_cast %broadcast_in_dim3A_96 : vector<16xf32> to vector<16xf32>
    tpu.vector_store %arg6[%swap3A_97], %swap3A_100 {strides = array<i32>} : memref<640xf32, #tpu.memory_space<vmem>>, vector<16xf32>,
    %broadcast_in_dim3A_101 = arith.constant 0.000000e+00 : f32
    %broadcast_in_dim3A_102 = vector.broadcast %broadcast_in_dim3A_101 : f32 to vector<16xf32>
    %swap3A_103 = arith.constant 144 : index
    %swap3A_104 = tpu.vector_load %arg6[%swap3A_103] {strides = array<i32>} : memref<640xf32, #tpu.memory_space<vmem>>, vector<16xf32>,
    %swap3A_105 = vector.shape_cast %swap3A_104 : vector<16xf32> to vector<16xf32>
    %swap3A_106 = vector.shape_cast %broadcast_in_dim3A_102 : vector<16xf32> to vector<16xf32>
    tpu.vector_store %arg6[%swap3A_103], %swap3A_106 {strides = array<i32>} : memref<640xf32, #tpu.memory_space<vmem>>, vector<16xf32>,
    %broadcast_in_dim3A_107 = arith.constant 0.000000e+00 : f32
    %broadcast_in_dim3A_108 = vector.broadcast %broadcast_in_dim3A_107 : f32 to vector<16xf32>
    %swap3A_109 = arith.constant 160 : index
    %swap3A_110 = tpu.vector_load %arg6[%swap3A_109] {strides = array<i32>} : memref<640xf32, #tpu.memory_space<vmem>>, vector<16xf32>,
    %swap3A_111 = vector.shape_cast %swap3A_110 : vector<16xf32> to vector<16xf32>
    %swap3A_112 = vector.shape_cast %broadcast_in_dim3A_108 : vector<16xf32> to vector<16xf32>
    tpu.vector_store %arg6[%swap3A_109], %swap3A_112 {strides = array<i32>} : memref<640xf32, #tpu.memory_space<vmem>>, vector<16xf32>,
    %broadcast_in_dim3A_113 = arith.constant 0.000000e+00 : f32
    %broadcast_in_dim3A_114 = vector.broadcast %broadcast_in_dim3A_113 : f32 to vector<16xf32>
    %swap3A_115 = arith.constant 176 : index
    %swap3A_116 = tpu.vector_load %arg6[%swap3A_115] {strides = array<i32>} : memref<640xf32, #tpu.memory_space<vmem>>, vector<16xf32>,
    %swap3A_117 = vector.shape_cast %swap3A_116 : vector<16xf32> to vector<16xf32>
    %swap3A_118 = vector.shape_cast %broadcast_in_dim3A_114 : vector<16xf32> to vector<16xf32>
    tpu.vector_store %arg6[%swap3A_115], %swap3A_118 {strides = array<i32>} : memref<640xf32, #tpu.memory_space<vmem>>, vector<16xf32>,
    %broadcast_in_dim3A_119 = arith.constant 0.000000e+00 : f32
    %broadcast_in_dim3A_120 = vector.broadcast %broadcast_in_dim3A_119 : f32 to vector<16xf32>
    %swap3A_121 = arith.constant 192 : index
    %swap3A_122 = tpu.vector_load %arg6[%swap3A_121] {strides = array<i32>} : memref<640xf32, #tpu.memory_space<vmem>>, vector<16xf32>,
    %swap3A_123 = vector.shape_cast %swap3A_122 : vector<16xf32> to vector<16xf32>
    %swap3A_124 = vector.shape_cast %broadcast_in_dim3A_120 : vector<16xf32> to vector<16xf32>
    tpu.vector_store %arg6[%swap3A_121], %swap3A_124 {strides = array<i32>} : memref<640xf32, #tpu.memory_space<vmem>>, vector<16xf32>,
    %broadcast_in_dim3A_125 = arith.constant 0.000000e+00 : f32
    %broadcast_in_dim3A_126 = vector.broadcast %broadcast_in_dim3A_125 : f32 to vector<16xf32>
    %swap3A_127 = arith.constant 208 : index
    %swap3A_128 = tpu.vector_load %arg6[%swap3A_127] {strides = array<i32>} : memref<640xf32, #tpu.memory_space<vmem>>, vector<16xf32>,
    %swap3A_129 = vector.shape_cast %swap3A_128 : vector<16xf32> to vector<16xf32>
    %swap3A_130 = vector.shape_cast %broadcast_in_dim3A_126 : vector<16xf32> to vector<16xf32>
    tpu.vector_store %arg6[%swap3A_127], %swap3A_130 {strides = array<i32>} : memref<640xf32, #tpu.memory_space<vmem>>, vector<16xf32>,
    %broadcast_in_dim3A_131 = arith.constant 0.000000e+00 : f32
    %broadcast_in_dim3A_132 = vector.broadcast %broadcast_in_dim3A_131 : f32 to vector<16xf32>
    %swap3A_133 = arith.constant 224 : index
    %swap3A_134 = tpu.vector_load %arg6[%swap3A_133] {strides = array<i32>} : memref<640xf32, #tpu.memory_space<vmem>>, vector<16xf32>,
    %swap3A_135 = vector.shape_cast %swap3A_134 : vector<16xf32> to vector<16xf32>
    %swap3A_136 = vector.shape_cast %broadcast_in_dim3A_132 : vector<16xf32> to vector<16xf32>
    tpu.vector_store %arg6[%swap3A_133], %swap3A_136 {strides = array<i32>} : memref<640xf32, #tpu.memory_space<vmem>>, vector<16xf32>,
    %broadcast_in_dim3A_137 = arith.constant 0.000000e+00 : f32
    %broadcast_in_dim3A_138 = vector.broadcast %broadcast_in_dim3A_137 : f32 to vector<16xf32>
    %swap3A_139 = arith.constant 240 : index
    %swap3A_140 = tpu.vector_load %arg6[%swap3A_139] {strides = array<i32>} : memref<640xf32, #tpu.memory_space<vmem>>, vector<16xf32>,
    %swap3A_141 = vector.shape_cast %swap3A_140 : vector<16xf32> to vector<16xf32>
    %swap3A_142 = vector.shape_cast %broadcast_in_dim3A_138 : vector<16xf32> to vector<16xf32>
    tpu.vector_store %arg6[%swap3A_139], %swap3A_142 {strides = array<i32>} : memref<640xf32, #tpu.memory_space<vmem>>, vector<16xf32>,
    %broadcast_in_dim3A_143 = arith.constant 0.000000e+00 : f32
    %broadcast_in_dim3A_144 = vector.broadcast %broadcast_in_dim3A_143 : f32 to vector<16xf32>
    %swap3A_145 = arith.constant 256 : index
    %swap3A_146 = tpu.vector_load %arg6[%swap3A_145] {strides = array<i32>} : memref<640xf32, #tpu.memory_space<vmem>>, vector<16xf32>,
    %swap3A_147 = vector.shape_cast %swap3A_146 : vector<16xf32> to vector<16xf32>
    %swap3A_148 = vector.shape_cast %broadcast_in_dim3A_144 : vector<16xf32> to vector<16xf32>
    tpu.vector_store %arg6[%swap3A_145], %swap3A_148 {strides = array<i32>} : memref<640xf32, #tpu.memory_space<vmem>>, vector<16xf32>,
    %broadcast_in_dim3A_149 = arith.constant 0.000000e+00 : f32
    %broadcast_in_dim3A_150 = vector.broadcast %broadcast_in_dim3A_149 : f32 to vector<16xf32>
    %swap3A_151 = arith.constant 272 : index
    %swap3A_152 = tpu.vector_load %arg6[%swap3A_151] {strides = array<i32>} : memref<640xf32, #tpu.memory_space<vmem>>, vector<16xf32>,
    %swap3A_153 = vector.shape_cast %swap3A_152 : vector<16xf32> to vector<16xf32>
    %swap3A_154 = vector.shape_cast %broadcast_in_dim3A_150 : vector<16xf32> to vector<16xf32>
    tpu.vector_store %arg6[%swap3A_151], %swap3A_154 {strides = array<i32>} : memref<640xf32, #tpu.memory_space<vmem>>, vector<16xf32>,
    %broadcast_in_dim3A_155 = arith.constant 0.000000e+00 : f32
    %broadcast_in_dim3A_156 = vector.broadcast %broadcast_in_dim3A_155 : f32 to vector<16xf32>
    %swap3A_157 = arith.constant 288 : index
    %swap3A_158 = tpu.vector_load %arg6[%swap3A_157] {strides = array<i32>} : memref<640xf32, #tpu.memory_space<vmem>>, vector<16xf32>,
    %swap3A_159 = vector.shape_cast %swap3A_158 : vector<16xf32> to vector<16xf32>
    %swap3A_160 = vector.shape_cast %broadcast_in_dim3A_156 : vector<16xf32> to vector<16xf32>
    tpu.vector_store %arg6[%swap3A_157], %swap3A_160 {strides = array<i32>} : memref<640xf32, #tpu.memory_space<vmem>>, vector<16xf32>,
    %broadcast_in_dim3A_161 = arith.constant 0.000000e+00 : f32
    %broadcast_in_dim3A_162 = vector.broadcast %broadcast_in_dim3A_161 : f32 to vector<16xf32>
    %swap3A_163 = arith.constant 304 : index
    %swap3A_164 = tpu.vector_load %arg6[%swap3A_163] {strides = array<i32>} : memref<640xf32, #tpu.memory_space<vmem>>, vector<16xf32>,
    %swap3A_165 = vector.shape_cast %swap3A_164 : vector<16xf32> to vector<16xf32>
    %swap3A_166 = vector.shape_cast %broadcast_in_dim3A_162 : vector<16xf32> to vector<16xf32>
    tpu.vector_store %arg6[%swap3A_163], %swap3A_166 {strides = array<i32>} : memref<640xf32, #tpu.memory_space<vmem>>, vector<16xf32>,
    %broadcast_in_dim3A_167 = arith.constant 0.000000e+00 : f32
    %broadcast_in_dim3A_168 = vector.broadcast %broadcast_in_dim3A_167 : f32 to vector<16xf32>
    %swap3A_169 = arith.constant 320 : index
    %swap3A_170 = tpu.vector_load %arg6[%swap3A_169] {strides = array<i32>} : memref<640xf32, #tpu.memory_space<vmem>>, vector<16xf32>,
    %swap3A_171 = vector.shape_cast %swap3A_170 : vector<16xf32> to vector<16xf32>
    %swap3A_172 = vector.shape_cast %broadcast_in_dim3A_168 : vector<16xf32> to vector<16xf32>
    tpu.vector_store %arg6[%swap3A_169], %swap3A_172 {strides = array<i32>} : memref<640xf32, #tpu.memory_space<vmem>>, vector<16xf32>,
    %broadcast_in_dim3A_173 = arith.constant 0.000000e+00 : f32
    %broadcast_in_dim3A_174 = vector.broadcast %broadcast_in_dim3A_173 : f32 to vector<16xf32>
    %swap3A_175 = arith.constant 336 : index
    %swap3A_176 = tpu.vector_load %arg6[%swap3A_175] {strides = array<i32>} : memref<640xf32, #tpu.memory_space<vmem>>, vector<16xf32>,
    %swap3A_177 = vector.shape_cast %swap3A_176 : vector<16xf32> to vector<16xf32>
    %swap3A_178 = vector.shape_cast %broadcast_in_dim3A_174 : vector<16xf32> to vector<16xf32>
    tpu.vector_store %arg6[%swap3A_175], %swap3A_178 {strides = array<i32>} : memref<640xf32, #tpu.memory_space<vmem>>, vector<16xf32>,
    %broadcast_in_dim3A_179 = arith.constant 0.000000e+00 : f32
    %broadcast_in_dim3A_180 = vector.broadcast %broadcast_in_dim3A_179 : f32 to vector<16xf32>
    %swap3A_181 = arith.constant 352 : index
    %swap3A_182 = tpu.vector_load %arg6[%swap3A_181] {strides = array<i32>} : memref<640xf32, #tpu.memory_space<vmem>>, vector<16xf32>,
    %swap3A_183 = vector.shape_cast %swap3A_182 : vector<16xf32> to vector<16xf32>
    %swap3A_184 = vector.shape_cast %broadcast_in_dim3A_180 : vector<16xf32> to vector<16xf32>
    tpu.vector_store %arg6[%swap3A_181], %swap3A_184 {strides = array<i32>} : memref<640xf32, #tpu.memory_space<vmem>>, vector<16xf32>,
    %broadcast_in_dim3A_185 = arith.constant 0.000000e+00 : f32
    %broadcast_in_dim3A_186 = vector.broadcast %broadcast_in_dim3A_185 : f32 to vector<16xf32>
    %swap3A_187 = arith.constant 368 : index
    %swap3A_188 = tpu.vector_load %arg6[%swap3A_187] {strides = array<i32>} : memref<640xf32, #tpu.memory_space<vmem>>, vector<16xf32>,
    %swap3A_189 = vector.shape_cast %swap3A_188 : vector<16xf32> to vector<16xf32>
    %swap3A_190 = vector.shape_cast %broadcast_in_dim3A_186 : vector<16xf32> to vector<16xf32>
    tpu.vector_store %arg6[%swap3A_187], %swap3A_190 {strides = array<i32>} : memref<640xf32, #tpu.memory_space<vmem>>, vector<16xf32>,
    %broadcast_in_dim3A_191 = arith.constant 0.000000e+00 : f32
    %broadcast_in_dim3A_192 = vector.broadcast %broadcast_in_dim3A_191 : f32 to vector<16xf32>
    %swap3A_193 = arith.constant 384 : index
    %swap3A_194 = tpu.vector_load %arg6[%swap3A_193] {strides = array<i32>} : memref<640xf32, #tpu.memory_space<vmem>>, vector<16xf32>,
    %swap3A_195 = vector.shape_cast %swap3A_194 : vector<16xf32> to vector<16xf32>
    %swap3A_196 = vector.shape_cast %broadcast_in_dim3A_192 : vector<16xf32> to vector<16xf32>
    tpu.vector_store %arg6[%swap3A_193], %swap3A_196 {strides = array<i32>} : memref<640xf32, #tpu.memory_space<vmem>>, vector<16xf32>,
    %broadcast_in_dim3A_197 = arith.constant 0.000000e+00 : f32
    %broadcast_in_dim3A_198 = vector.broadcast %broadcast_in_dim3A_197 : f32 to vector<16xf32>
    %swap3A_199 = arith.constant 400 : index
    %swap3A_200 = tpu.vector_load %arg6[%swap3A_199] {strides = array<i32>} : memref<640xf32, #tpu.memory_space<vmem>>, vector<16xf32>,
    %swap3A_201 = vector.shape_cast %swap3A_200 : vector<16xf32> to vector<16xf32>
    %swap3A_202 = vector.shape_cast %broadcast_in_dim3A_198 : vector<16xf32> to vector<16xf32>
    tpu.vector_store %arg6[%swap3A_199], %swap3A_202 {strides = array<i32>} : memref<640xf32, #tpu.memory_space<vmem>>, vector<16xf32>,
    %broadcast_in_dim3A_203 = arith.constant 0.000000e+00 : f32
    %broadcast_in_dim3A_204 = vector.broadcast %broadcast_in_dim3A_203 : f32 to vector<16xf32>
    %swap3A_205 = arith.constant 416 : index
    %swap3A_206 = tpu.vector_load %arg6[%swap3A_205] {strides = array<i32>} : memref<640xf32, #tpu.memory_space<vmem>>, vector<16xf32>,
    %swap3A_207 = vector.shape_cast %swap3A_206 : vector<16xf32> to vector<16xf32>
    %swap3A_208 = vector.shape_cast %broadcast_in_dim3A_204 : vector<16xf32> to vector<16xf32>
    tpu.vector_store %arg6[%swap3A_205], %swap3A_208 {strides = array<i32>} : memref<640xf32, #tpu.memory_space<vmem>>, vector<16xf32>,
    %broadcast_in_dim3A_209 = arith.constant 0.000000e+00 : f32
    %broadcast_in_dim3A_210 = vector.broadcast %broadcast_in_dim3A_209 : f32 to vector<16xf32>
    %swap3A_211 = arith.constant 432 : index
    %swap3A_212 = tpu.vector_load %arg6[%swap3A_211] {strides = array<i32>} : memref<640xf32, #tpu.memory_space<vmem>>, vector<16xf32>,
    %swap3A_213 = vector.shape_cast %swap3A_212 : vector<16xf32> to vector<16xf32>
    %swap3A_214 = vector.shape_cast %broadcast_in_dim3A_210 : vector<16xf32> to vector<16xf32>
    tpu.vector_store %arg6[%swap3A_211], %swap3A_214 {strides = array<i32>} : memref<640xf32, #tpu.memory_space<vmem>>, vector<16xf32>,
    %broadcast_in_dim3A_215 = arith.constant 0.000000e+00 : f32
    %broadcast_in_dim3A_216 = vector.broadcast %broadcast_in_dim3A_215 : f32 to vector<16xf32>
    %swap3A_217 = arith.constant 448 : index
    %swap3A_218 = tpu.vector_load %arg6[%swap3A_217] {strides = array<i32>} : memref<640xf32, #tpu.memory_space<vmem>>, vector<16xf32>,
    %swap3A_219 = vector.shape_cast %swap3A_218 : vector<16xf32> to vector<16xf32>
    %swap3A_220 = vector.shape_cast %broadcast_in_dim3A_216 : vector<16xf32> to vector<16xf32>
    tpu.vector_store %arg6[%swap3A_217], %swap3A_220 {strides = array<i32>} : memref<640xf32, #tpu.memory_space<vmem>>, vector<16xf32>,
    %broadcast_in_dim3A_221 = arith.constant 0.000000e+00 : f32
    %broadcast_in_dim3A_222 = vector.broadcast %broadcast_in_dim3A_221 : f32 to vector<16xf32>
    %swap3A_223 = arith.constant 464 : index
    %swap3A_224 = tpu.vector_load %arg6[%swap3A_223] {strides = array<i32>} : memref<640xf32, #tpu.memory_space<vmem>>, vector<16xf32>,
    %swap3A_225 = vector.shape_cast %swap3A_224 : vector<16xf32> to vector<16xf32>
    %swap3A_226 = vector.shape_cast %broadcast_in_dim3A_222 : vector<16xf32> to vector<16xf32>
    tpu.vector_store %arg6[%swap3A_223], %swap3A_226 {strides = array<i32>} : memref<640xf32, #tpu.memory_space<vmem>>, vector<16xf32>,
    %broadcast_in_dim3A_227 = arith.constant 0.000000e+00 : f32
    %broadcast_in_dim3A_228 = vector.broadcast %broadcast_in_dim3A_227 : f32 to vector<16xf32>
    %swap3A_229 = arith.constant 480 : index
    %swap3A_230 = tpu.vector_load %arg6[%swap3A_229] {strides = array<i32>} : memref<640xf32, #tpu.memory_space<vmem>>, vector<16xf32>,
    %swap3A_231 = vector.shape_cast %swap3A_230 : vector<16xf32> to vector<16xf32>
    %swap3A_232 = vector.shape_cast %broadcast_in_dim3A_228 : vector<16xf32> to vector<16xf32>
    tpu.vector_store %arg6[%swap3A_229], %swap3A_232 {strides = array<i32>} : memref<640xf32, #tpu.memory_space<vmem>>, vector<16xf32>,
    %broadcast_in_dim3A_233 = arith.constant 0.000000e+00 : f32
    %broadcast_in_dim3A_234 = vector.broadcast %broadcast_in_dim3A_233 : f32 to vector<16xf32>
    %swap3A_235 = arith.constant 496 : index
    %swap3A_236 = tpu.vector_load %arg6[%swap3A_235] {strides = array<i32>} : memref<640xf32, #tpu.memory_space<vmem>>, vector<16xf32>,
    %swap3A_237 = vector.shape_cast %swap3A_236 : vector<16xf32> to vector<16xf32>
    %swap3A_238 = vector.shape_cast %broadcast_in_dim3A_234 : vector<16xf32> to vector<16xf32>
    tpu.vector_store %arg6[%swap3A_235], %swap3A_238 {strides = array<i32>} : memref<640xf32, #tpu.memory_space<vmem>>, vector<16xf32>,
    %broadcast_in_dim3A_239 = arith.constant 0.000000e+00 : f32
    %broadcast_in_dim3A_240 = vector.broadcast %broadcast_in_dim3A_239 : f32 to vector<16xf32>
    %swap3A_241 = arith.constant 512 : index
    %swap3A_242 = tpu.vector_load %arg6[%swap3A_241] {strides = array<i32>} : memref<640xf32, #tpu.memory_space<vmem>>, vector<16xf32>,
    %swap3A_243 = vector.shape_cast %swap3A_242 : vector<16xf32> to vector<16xf32>
    %swap3A_244 = vector.shape_cast %broadcast_in_dim3A_240 : vector<16xf32> to vector<16xf32>
    tpu.vector_store %arg6[%swap3A_241], %swap3A_244 {strides = array<i32>} : memref<640xf32, #tpu.memory_space<vmem>>, vector<16xf32>,
    %broadcast_in_dim3A_245 = arith.constant 0.000000e+00 : f32
    %broadcast_in_dim3A_246 = vector.broadcast %broadcast_in_dim3A_245 : f32 to vector<16xf32>
    %swap3A_247 = arith.constant 528 : index
    %swap3A_248 = tpu.vector_load %arg6[%swap3A_247] {strides = array<i32>} : memref<640xf32, #tpu.memory_space<vmem>>, vector<16xf32>,
    %swap3A_249 = vector.shape_cast %swap3A_248 : vector<16xf32> to vector<16xf32>
    %swap3A_250 = vector.shape_cast %broadcast_in_dim3A_246 : vector<16xf32> to vector<16xf32>
    tpu.vector_store %arg6[%swap3A_247], %swap3A_250 {strides = array<i32>} : memref<640xf32, #tpu.memory_space<vmem>>, vector<16xf32>,
    %broadcast_in_dim3A_251 = arith.constant 0.000000e+00 : f32
    %broadcast_in_dim3A_252 = vector.broadcast %broadcast_in_dim3A_251 : f32 to vector<16xf32>
    %swap3A_253 = arith.constant 544 : index
    %swap3A_254 = tpu.vector_load %arg6[%swap3A_253] {strides = array<i32>} : memref<640xf32, #tpu.memory_space<vmem>>, vector<16xf32>,
    %swap3A_255 = vector.shape_cast %swap3A_254 : vector<16xf32> to vector<16xf32>
    %swap3A_256 = vector.shape_cast %broadcast_in_dim3A_252 : vector<16xf32> to vector<16xf32>
    tpu.vector_store %arg6[%swap3A_253], %swap3A_256 {strides = array<i32>} : memref<640xf32, #tpu.memory_space<vmem>>, vector<16xf32>,
    %broadcast_in_dim3A_257 = arith.constant 0.000000e+00 : f32
    %broadcast_in_dim3A_258 = vector.broadcast %broadcast_in_dim3A_257 : f32 to vector<16xf32>
    %swap3A_259 = arith.constant 560 : index
    %swap3A_260 = tpu.vector_load %arg6[%swap3A_259] {strides = array<i32>} : memref<640xf32, #tpu.memory_space<vmem>>, vector<16xf32>,
    %swap3A_261 = vector.shape_cast %swap3A_260 : vector<16xf32> to vector<16xf32>
    %swap3A_262 = vector.shape_cast %broadcast_in_dim3A_258 : vector<16xf32> to vector<16xf32>
    tpu.vector_store %arg6[%swap3A_259], %swap3A_262 {strides = array<i32>} : memref<640xf32, #tpu.memory_space<vmem>>, vector<16xf32>,
    %broadcast_in_dim3A_263 = arith.constant 0.000000e+00 : f32
    %broadcast_in_dim3A_264 = vector.broadcast %broadcast_in_dim3A_263 : f32 to vector<16xf32>
    %swap3A_265 = arith.constant 576 : index
    %swap3A_266 = tpu.vector_load %arg6[%swap3A_265] {strides = array<i32>} : memref<640xf32, #tpu.memory_space<vmem>>, vector<16xf32>,
    %swap3A_267 = vector.shape_cast %swap3A_266 : vector<16xf32> to vector<16xf32>
    %swap3A_268 = vector.shape_cast %broadcast_in_dim3A_264 : vector<16xf32> to vector<16xf32>
    tpu.vector_store %arg6[%swap3A_265], %swap3A_268 {strides = array<i32>} : memref<640xf32, #tpu.memory_space<vmem>>, vector<16xf32>,
    %broadcast_in_dim3A_269 = arith.constant 0.000000e+00 : f32
    %broadcast_in_dim3A_270 = vector.broadcast %broadcast_in_dim3A_269 : f32 to vector<16xf32>
    %swap3A_271 = arith.constant 592 : index
    %swap3A_272 = tpu.vector_load %arg6[%swap3A_271] {strides = array<i32>} : memref<640xf32, #tpu.memory_space<vmem>>, vector<16xf32>,
    %swap3A_273 = vector.shape_cast %swap3A_272 : vector<16xf32> to vector<16xf32>
    %swap3A_274 = vector.shape_cast %broadcast_in_dim3A_270 : vector<16xf32> to vector<16xf32>
    tpu.vector_store %arg6[%swap3A_271], %swap3A_274 {strides = array<i32>} : memref<640xf32, #tpu.memory_space<vmem>>, vector<16xf32>,
    %broadcast_in_dim3A_275 = arith.constant 0.000000e+00 : f32
    %broadcast_in_dim3A_276 = vector.broadcast %broadcast_in_dim3A_275 : f32 to vector<16xf32>
    %swap3A_277 = arith.constant 608 : index
    %swap3A_278 = tpu.vector_load %arg6[%swap3A_277] {strides = array<i32>} : memref<640xf32, #tpu.memory_space<vmem>>, vector<16xf32>,
    %swap3A_279 = vector.shape_cast %swap3A_278 : vector<16xf32> to vector<16xf32>
    %swap3A_280 = vector.shape_cast %broadcast_in_dim3A_276 : vector<16xf32> to vector<16xf32>
    tpu.vector_store %arg6[%swap3A_277], %swap3A_280 {strides = array<i32>} : memref<640xf32, #tpu.memory_space<vmem>>, vector<16xf32>,
    %broadcast_in_dim3A_281 = arith.constant 0.000000e+00 : f32
    %broadcast_in_dim3A_282 = vector.broadcast %broadcast_in_dim3A_281 : f32 to vector<16xf32>
    %swap3A_283 = arith.constant 624 : index
    %swap3A_284 = tpu.vector_load %arg6[%swap3A_283] {strides = array<i32>} : memref<640xf32, #tpu.memory_space<vmem>>, vector<16xf32>,
    %swap3A_285 = vector.shape_cast %swap3A_284 : vector<16xf32> to vector<16xf32>
    %swap3A_286 = vector.shape_cast %broadcast_in_dim3A_282 : vector<16xf32> to vector<16xf32>
    tpu.vector_store %arg6[%swap3A_283], %swap3A_286 {strides = array<i32>} : memref<640xf32, #tpu.memory_space<vmem>>, vector<16xf32>,
    %mul3A_287 = arith.constant 640 : i32
    %mul3A_288 = arith.muli %arg1, %mul3A_287 : i32
    "tpu.region"() ({
      %run_scoped3A = tpu.sem_alloc : memref<!tpu.dma_semaphore, #tpu.memory_space<semaphore_mem>>
      %dma_start3A = tpu.memref_slice %arg7[%mul3A_288] : memref<10240xf32, #tpu.memory_space<vmem_shared>> -> memref<640xf32, #tpu.memory_space<vmem_shared>>
      %dma_start3A_299 = tpu.memref_slice %arg7[%mul3A_288] : memref<10240xf32, #tpu.memory_space<vmem_shared>> -> memref<640xf32, #tpu.memory_space<vmem_shared>>
      tpu.enqueue_dma source(%arg6 : memref<640xf32, #tpu.memory_space<vmem>>) target(%dma_start3A_299 : memref<640xf32, #tpu.memory_space<vmem_shared>>) target_semaphore(%run_scoped3A : memref<!tpu.dma_semaphore, #tpu.memory_space<semaphore_mem>>)
      %dma_wait3A = tpu.memref_slice %arg7[%mul3A_288] : memref<10240xf32, #tpu.memory_space<vmem_shared>> -> memref<640xf32, #tpu.memory_space<vmem_shared>>
      %dma_wait3A_300 = tpu.memref_slice %arg7[%mul3A_288] : memref<10240xf32, #tpu.memory_space<vmem_shared>> -> memref<640xf32, #tpu.memory_space<vmem_shared>>
      tpu.wait_dma2 semaphore(%run_scoped3A : memref<!tpu.dma_semaphore, #tpu.memory_space<semaphore_mem>>) src(%arg6 : memref<640xf32, #tpu.memory_space<vmem>>) dst(%dma_wait3A_300 : memref<640xf32, #tpu.memory_space<vmem_shared>>)
      tpu.yield
    }) : () -> ()
    %barrier3A = arith.constant 0 : index
    tpu.barrier barrier_id(%barrier3A)
    %scan3A = arith.constant 0 : i32
    %scan3A_289 = arith.constant 0 : i32
    %scan3A_290 = arith.constant 79 : i32
    %scan3A_291 = arith.addi %scan3A_289, %scan3A_290 : i32
    %scan3A_292 = arith.constant 1 : i32
    scf.for %scan3A_299 = %scan3A_289 to %scan3A_291 step %scan3A_292  : i32 {
      "tpu.region"() ({
        %run_scoped3A = tpu.sem_alloc : memref<!tpu.dma_semaphore, #tpu.memory_space<semaphore_mem>>
        %dma_start3A = arith.constant 0 : i32
        %dma_start3A_300 = tpu.memref_slice %arg4[%scan3A_299, %dma_start3A] : memref<79x128xi32, #tpu.memory_space<vmem>> -> memref<1x128xi32, #tpu.memory_space<vmem>>
        %dma_start3A_301 = tpu.memref_squeeze %dma_start3A_300 : memref<1x128xi32, #tpu.memory_space<vmem>> -> memref<128xi32, #tpu.memory_space<vmem>>
        %dma_start3A_302 = arith.constant 0 : i32
        %dma_start3A_303 = tpu.memref_slice %arg7[%dma_start3A_302] : memref<10240xf32, #tpu.memory_space<vmem_shared>> -> memref<10240xf32, #tpu.memory_space<vmem_shared>>
        tpu.enqueue_indirect_dma source(%arg5 : memref<128xf32, #tpu.memory_space<vmem>>) target(%dma_start3A_303 : memref<10240xf32, #tpu.memory_space<vmem_shared>>) offsets(%dma_start3A_301 : memref<128xi32, #tpu.memory_space<vmem>>) semaphore(%run_scoped3A : memref<!tpu.dma_semaphore, #tpu.memory_space<semaphore_mem>>) {add = true}
        %dma_wait3A = arith.constant 0 : i32
        %dma_wait3A_304 = tpu.memref_slice %arg4[%scan3A_299, %dma_wait3A] : memref<79x128xi32, #tpu.memory_space<vmem>> -> memref<1x128xi32, #tpu.memory_space<vmem>>
        %dma_wait3A_305 = tpu.memref_squeeze %dma_wait3A_304 : memref<1x128xi32, #tpu.memory_space<vmem>> -> memref<128xi32, #tpu.memory_space<vmem>>
        %dma_wait3A_306 = arith.constant 0 : i32
        %dma_wait3A_307 = tpu.memref_slice %arg7[%dma_wait3A_306] : memref<10240xf32, #tpu.memory_space<vmem_shared>> -> memref<10240xf32, #tpu.memory_space<vmem_shared>>
        tpu.wait_indirect_dma semaphore(%run_scoped3A : memref<!tpu.dma_semaphore, #tpu.memory_space<semaphore_mem>>) src(%arg5 : memref<128xf32, #tpu.memory_space<vmem>>) dst(%dma_wait3A_307 : memref<10240xf32, #tpu.memory_space<vmem_shared>>)
        tpu.yield
      }) : () -> ()
    }
    %scan3A_293 = arith.constant 79 : i32
    %barrier3A_294 = arith.constant 0 : index
    tpu.barrier barrier_id(%barrier3A_294)
    %mul3A_295 = arith.constant 640 : i32
    %mul3A_296 = arith.muli %arg1, %mul3A_295 : i32
    "tpu.region"() ({
      %run_scoped3A = tpu.sem_alloc : memref<!tpu.dma_semaphore, #tpu.memory_space<semaphore_mem>>
      %dma_start3A = tpu.memref_slice %arg7[%mul3A_296] : memref<10240xf32, #tpu.memory_space<vmem_shared>> -> memref<640xf32, #tpu.memory_space<vmem_shared>>
      %dma_start3A_299 = tpu.memref_slice %arg7[%mul3A_296] : memref<10240xf32, #tpu.memory_space<vmem_shared>> -> memref<640xf32, #tpu.memory_space<vmem_shared>>
      tpu.enqueue_dma source(%dma_start3A_299 : memref<640xf32, #tpu.memory_space<vmem_shared>>) target(%arg6 : memref<640xf32, #tpu.memory_space<vmem>>) target_semaphore(%run_scoped3A : memref<!tpu.dma_semaphore, #tpu.memory_space<semaphore_mem>>)
      %dma_wait3A = tpu.memref_slice %arg7[%mul3A_296] : memref<10240xf32, #tpu.memory_space<vmem_shared>> -> memref<640xf32, #tpu.memory_space<vmem_shared>>
      %dma_wait3A_300 = tpu.memref_slice %arg7[%mul3A_296] : memref<10240xf32, #tpu.memory_space<vmem_shared>> -> memref<640xf32, #tpu.memory_space<vmem_shared>>
      tpu.wait_dma2 semaphore(%run_scoped3A : memref<!tpu.dma_semaphore, #tpu.memory_space<semaphore_mem>>) src(%dma_wait3A_300 : memref<640xf32, #tpu.memory_space<vmem_shared>>) dst(%arg6 : memref<640xf32, #tpu.memory_space<vmem>>)
      tpu.yield
    }) : () -> ()
    %mul3A_297 = arith.constant 640 : i32
    %mul3A_298 = arith.muli %arg1, %mul3A_297 : i32
    "tpu.region"() ({
      %run_scoped3A = tpu.sem_alloc : memref<!tpu.dma_semaphore, #tpu.memory_space<semaphore_mem>>
      %dma_start3A = arith.constant 0 : i32
      %dma_start3A_299 = tpu.memref_slice %arg3[%arg0, %dma_start3A] : memref<2x10240xf32, #tpu.memory_space<hbm>> -> memref<1x10240xf32, #tpu.memory_space<hbm>>
      %dma_start3A_300 = tpu.memref_squeeze %dma_start3A_299 : memref<1x10240xf32, #tpu.memory_space<hbm>> -> memref<10240xf32, #tpu.memory_space<hbm>>
      %dma_start3A_301 = tpu.memref_slice %dma_start3A_300[%mul3A_298] : memref<10240xf32, #tpu.memory_space<hbm>> -> memref<640xf32, #tpu.memory_space<hbm>>
      %dma_start3A_302 = arith.constant 0 : i32
      %dma_start3A_303 = tpu.memref_slice %arg3[%arg0, %dma_start3A_302] : memref<2x10240xf32, #tpu.memory_space<hbm>> -> memref<1x10240xf32, #tpu.memory_space<hbm>>
      %dma_start3A_304 = tpu.memref_squeeze %dma_start3A_303 : memref<1x10240xf32, #tpu.memory_space<hbm>> -> memref<10240xf32, #tpu.memory_space<hbm>>
      %dma_start3A_305 = tpu.memref_slice %dma_start3A_304[%mul3A_298] : memref<10240xf32, #tpu.memory_space<hbm>> -> memref<640xf32, #tpu.memory_space<hbm>>
      tpu.enqueue_dma source(%arg6 : memref<640xf32, #tpu.memory_space<vmem>>) target(%dma_start3A_305 : memref<640xf32, #tpu.memory_space<hbm>>) target_semaphore(%run_scoped3A : memref<!tpu.dma_semaphore, #tpu.memory_space<semaphore_mem>>)
      %dma_wait3A = arith.constant 0 : i32
      %dma_wait3A_306 = tpu.memref_slice %arg3[%arg0, %dma_wait3A] : memref<2x10240xf32, #tpu.memory_space<hbm>> -> memref<1x10240xf32, #tpu.memory_space<hbm>>
      %dma_wait3A_307 = tpu.memref_squeeze %dma_wait3A_306 : memref<1x10240xf32, #tpu.memory_space<hbm>> -> memref<10240xf32, #tpu.memory_space<hbm>>
      %dma_wait3A_308 = tpu.memref_slice %dma_wait3A_307[%mul3A_298] : memref<10240xf32, #tpu.memory_space<hbm>> -> memref<640xf32, #tpu.memory_space<hbm>>
      %dma_wait3A_309 = arith.constant 0 : i32
      %dma_wait3A_310 = tpu.memref_slice %arg3[%arg0, %dma_wait3A_309] : memref<2x10240xf32, #tpu.memory_space<hbm>> -> memref<1x10240xf32, #tpu.memory_space<hbm>>
      %dma_wait3A_311 = tpu.memref_squeeze %dma_wait3A_310 : memref<1x10240xf32, #tpu.memory_space<hbm>> -> memref<10240xf32, #tpu.memory_space<hbm>>
      %dma_wait3A_312 = tpu.memref_slice %dma_wait3A_311[%mul3A_298] : memref<10240xf32, #tpu.memory_space<hbm>> -> memref<640xf32, #tpu.memory_space<hbm>>
      tpu.wait_dma2 semaphore(%run_scoped3A : memref<!tpu.dma_semaphore, #tpu.memory_space<semaphore_mem>>) src(%arg6 : memref<640xf32, #tpu.memory_space<vmem>>) dst(%dma_wait3A_312 : memref<640xf32, #tpu.memory_space<hbm>>)
      tpu.yield
    }) : () -> ()
    return
  }
}

#map = affine_map<(d0, d1) -> (0, 0)>
#map1 = affine_map<(d0, d1) -> (0, 0, 0, 0)>
#map2 = affine_map<(d0, d1) -> (0, 0, 0)>
module attributes {stable_mosaic.version = 14 : i64} {
  func.func @agg(%arg0: i32, %arg1: i32, %arg2: memref<20480x64xf32, #tpu.memory_space<hbm>>, %arg3: memref<2x16x158x128xi32, #tpu.memory_space<hbm>>, %arg4: memref<16x158x128xi32, #tpu.memory_space<hbm>>, %arg5: memref<2x10240x64xf32, #tpu.memory_space<hbm>>, %arg6: memref<158x128xi32, #tpu.memory_space<vmem>>, %arg7: memref<158x128xi32, #tpu.memory_space<vmem>>, %arg8: memref<128x64xf32, #tpu.memory_space<vmem>>, %arg9: memref<320x64xf32, #tpu.memory_space<vmem>>, %arg10: memref<10240x64xf32, #tpu.memory_space<vmem_shared>>, %arg11: memref<!tpu.dma_semaphore, #tpu.memory_space<semaphore_mem>>) attributes {dimension_semantics = [#tpu.dimension_semantics<core_parallel>, #tpu.dimension_semantics<subcore_parallel>], iteration_bounds = array<i64: 2, 16>, scalar_prefetch = 0 : i64, scratch_operands = 6 : i64, tpu.core_type = #tpu.core_type<sc_vector_subcore>, window_params = [{transform_indices = #map}, {transform_indices = #map1}, {transform_indices = #map2}, {transform_indices = #map2}]} {
    "tpu.region"() ({
      %run_scoped3A = tpu.sem_alloc : memref<!tpu.dma_semaphore, #tpu.memory_space<semaphore_mem>>
      %dma_start3A = arith.constant 0 : i32
      %dma_start3A_27 = arith.constant 0 : i32
      %dma_start3A_28 = tpu.memref_slice %arg3[%arg0, %arg1, %dma_start3A, %dma_start3A_27] : memref<2x16x158x128xi32, #tpu.memory_space<hbm>> -> memref<1x1x158x128xi32, #tpu.memory_space<hbm>>
      %dma_start3A_29 = tpu.memref_squeeze %dma_start3A_28 : memref<1x1x158x128xi32, #tpu.memory_space<hbm>> -> memref<158x128xi32, #tpu.memory_space<hbm>>
      %dma_start3A_30 = arith.constant 0 : i32
      %dma_start3A_31 = arith.constant 0 : i32
      %dma_start3A_32 = tpu.memref_slice %arg3[%arg0, %arg1, %dma_start3A_30, %dma_start3A_31] : memref<2x16x158x128xi32, #tpu.memory_space<hbm>> -> memref<1x1x158x128xi32, #tpu.memory_space<hbm>>
      %dma_start3A_33 = tpu.memref_squeeze %dma_start3A_32 : memref<1x1x158x128xi32, #tpu.memory_space<hbm>> -> memref<158x128xi32, #tpu.memory_space<hbm>>
      tpu.enqueue_dma source(%dma_start3A_33 : memref<158x128xi32, #tpu.memory_space<hbm>>) target(%arg6 : memref<158x128xi32, #tpu.memory_space<vmem>>) target_semaphore(%run_scoped3A : memref<!tpu.dma_semaphore, #tpu.memory_space<semaphore_mem>>)
      %dma_wait3A = arith.constant 0 : i32
      %dma_wait3A_34 = arith.constant 0 : i32
      %dma_wait3A_35 = tpu.memref_slice %arg3[%arg0, %arg1, %dma_wait3A, %dma_wait3A_34] : memref<2x16x158x128xi32, #tpu.memory_space<hbm>> -> memref<1x1x158x128xi32, #tpu.memory_space<hbm>>
      %dma_wait3A_36 = tpu.memref_squeeze %dma_wait3A_35 : memref<1x1x158x128xi32, #tpu.memory_space<hbm>> -> memref<158x128xi32, #tpu.memory_space<hbm>>
      %dma_wait3A_37 = arith.constant 0 : i32
      %dma_wait3A_38 = arith.constant 0 : i32
      %dma_wait3A_39 = tpu.memref_slice %arg3[%arg0, %arg1, %dma_wait3A_37, %dma_wait3A_38] : memref<2x16x158x128xi32, #tpu.memory_space<hbm>> -> memref<1x1x158x128xi32, #tpu.memory_space<hbm>>
      %dma_wait3A_40 = tpu.memref_squeeze %dma_wait3A_39 : memref<1x1x158x128xi32, #tpu.memory_space<hbm>> -> memref<158x128xi32, #tpu.memory_space<hbm>>
      tpu.wait_dma2 semaphore(%run_scoped3A : memref<!tpu.dma_semaphore, #tpu.memory_space<semaphore_mem>>) src(%dma_wait3A_40 : memref<158x128xi32, #tpu.memory_space<hbm>>) dst(%arg6 : memref<158x128xi32, #tpu.memory_space<vmem>>)
      tpu.yield
    }) : () -> ()
    "tpu.region"() ({
      %run_scoped3A = tpu.sem_alloc : memref<!tpu.dma_semaphore, #tpu.memory_space<semaphore_mem>>
      %dma_start3A = arith.constant 0 : i32
      %dma_start3A_27 = arith.constant 0 : i32
      %dma_start3A_28 = tpu.memref_slice %arg4[%arg1, %dma_start3A, %dma_start3A_27] : memref<16x158x128xi32, #tpu.memory_space<hbm>> -> memref<1x158x128xi32, #tpu.memory_space<hbm>>
      %dma_start3A_29 = tpu.memref_squeeze %dma_start3A_28 : memref<1x158x128xi32, #tpu.memory_space<hbm>> -> memref<158x128xi32, #tpu.memory_space<hbm>>
      %dma_start3A_30 = arith.constant 0 : i32
      %dma_start3A_31 = arith.constant 0 : i32
      %dma_start3A_32 = tpu.memref_slice %arg4[%arg1, %dma_start3A_30, %dma_start3A_31] : memref<16x158x128xi32, #tpu.memory_space<hbm>> -> memref<1x158x128xi32, #tpu.memory_space<hbm>>
      %dma_start3A_33 = tpu.memref_squeeze %dma_start3A_32 : memref<1x158x128xi32, #tpu.memory_space<hbm>> -> memref<158x128xi32, #tpu.memory_space<hbm>>
      tpu.enqueue_dma source(%dma_start3A_33 : memref<158x128xi32, #tpu.memory_space<hbm>>) target(%arg7 : memref<158x128xi32, #tpu.memory_space<vmem>>) target_semaphore(%run_scoped3A : memref<!tpu.dma_semaphore, #tpu.memory_space<semaphore_mem>>)
      %dma_wait3A = arith.constant 0 : i32
      %dma_wait3A_34 = arith.constant 0 : i32
      %dma_wait3A_35 = tpu.memref_slice %arg4[%arg1, %dma_wait3A, %dma_wait3A_34] : memref<16x158x128xi32, #tpu.memory_space<hbm>> -> memref<1x158x128xi32, #tpu.memory_space<hbm>>
      %dma_wait3A_36 = tpu.memref_squeeze %dma_wait3A_35 : memref<1x158x128xi32, #tpu.memory_space<hbm>> -> memref<158x128xi32, #tpu.memory_space<hbm>>
      %dma_wait3A_37 = arith.constant 0 : i32
      %dma_wait3A_38 = arith.constant 0 : i32
      %dma_wait3A_39 = tpu.memref_slice %arg4[%arg1, %dma_wait3A_37, %dma_wait3A_38] : memref<16x158x128xi32, #tpu.memory_space<hbm>> -> memref<1x158x128xi32, #tpu.memory_space<hbm>>
      %dma_wait3A_40 = tpu.memref_squeeze %dma_wait3A_39 : memref<1x158x128xi32, #tpu.memory_space<hbm>> -> memref<158x128xi32, #tpu.memory_space<hbm>>
      tpu.wait_dma2 semaphore(%run_scoped3A : memref<!tpu.dma_semaphore, #tpu.memory_space<semaphore_mem>>) src(%dma_wait3A_40 : memref<158x128xi32, #tpu.memory_space<hbm>>) dst(%arg7 : memref<158x128xi32, #tpu.memory_space<vmem>>)
      tpu.yield
    }) : () -> ()
    %broadcast_in_dim3A = arith.constant 0.000000e+00 : f32
    %broadcast_in_dim3A_0 = vector.broadcast %broadcast_in_dim3A : f32 to vector<16xf32>
    %scan3A = arith.constant 0 : i32
    %scan3A_1 = arith.constant 0 : i32
    %scan3A_2 = arith.constant 320 : i32
    %scan3A_3 = arith.addi %scan3A_1, %scan3A_2 : i32
    %scan3A_4 = arith.constant 1 : i32
    scf.for %scan3A_27 = %scan3A_1 to %scan3A_3 step %scan3A_4  : i32 {
      %swap3A = arith.index_cast %scan3A_27 : i32 to index
      %swap3A_28 = arith.constant 0 : index
      %swap3A_29 = tpu.vector_load %arg9[%swap3A, %swap3A_28] {strides = array<i32>} : memref<320x64xf32, #tpu.memory_space<vmem>>, vector<1x16xf32>,
      %swap3A_30 = vector.shape_cast %swap3A_29 : vector<1x16xf32> to vector<16xf32>
      %swap3A_31 = vector.shape_cast %broadcast_in_dim3A_0 : vector<16xf32> to vector<1x16xf32>
      tpu.vector_store %arg9[%swap3A, %swap3A_28], %swap3A_31 {strides = array<i32>} : memref<320x64xf32, #tpu.memory_space<vmem>>, vector<1x16xf32>,
      %swap3A_32 = arith.index_cast %scan3A_27 : i32 to index
      %swap3A_33 = arith.constant 16 : index
      %swap3A_34 = tpu.vector_load %arg9[%swap3A_32, %swap3A_33] {strides = array<i32>} : memref<320x64xf32, #tpu.memory_space<vmem>>, vector<1x16xf32>,
      %swap3A_35 = vector.shape_cast %swap3A_34 : vector<1x16xf32> to vector<16xf32>
      %swap3A_36 = vector.shape_cast %broadcast_in_dim3A_0 : vector<16xf32> to vector<1x16xf32>
      tpu.vector_store %arg9[%swap3A_32, %swap3A_33], %swap3A_36 {strides = array<i32>} : memref<320x64xf32, #tpu.memory_space<vmem>>, vector<1x16xf32>,
      %swap3A_37 = arith.index_cast %scan3A_27 : i32 to index
      %swap3A_38 = arith.constant 32 : index
      %swap3A_39 = tpu.vector_load %arg9[%swap3A_37, %swap3A_38] {strides = array<i32>} : memref<320x64xf32, #tpu.memory_space<vmem>>, vector<1x16xf32>,
      %swap3A_40 = vector.shape_cast %swap3A_39 : vector<1x16xf32> to vector<16xf32>
      %swap3A_41 = vector.shape_cast %broadcast_in_dim3A_0 : vector<16xf32> to vector<1x16xf32>
      tpu.vector_store %arg9[%swap3A_37, %swap3A_38], %swap3A_41 {strides = array<i32>} : memref<320x64xf32, #tpu.memory_space<vmem>>, vector<1x16xf32>,
      %swap3A_42 = arith.index_cast %scan3A_27 : i32 to index
      %swap3A_43 = arith.constant 48 : index
      %swap3A_44 = tpu.vector_load %arg9[%swap3A_42, %swap3A_43] {strides = array<i32>} : memref<320x64xf32, #tpu.memory_space<vmem>>, vector<1x16xf32>,
      %swap3A_45 = vector.shape_cast %swap3A_44 : vector<1x16xf32> to vector<16xf32>
      %swap3A_46 = vector.shape_cast %broadcast_in_dim3A_0 : vector<16xf32> to vector<1x16xf32>
      tpu.vector_store %arg9[%swap3A_42, %swap3A_43], %swap3A_46 {strides = array<i32>} : memref<320x64xf32, #tpu.memory_space<vmem>>, vector<1x16xf32>,
    }
    %scan3A_5 = arith.constant 320 : i32
    %mul3A = arith.constant 640 : i32
    %mul3A_6 = arith.muli %arg1, %mul3A : i32
    %add3A = arith.constant 0 : i32
    %add3A_7 = arith.addi %mul3A_6, %add3A : i32
    "tpu.region"() ({
      %run_scoped3A = tpu.sem_alloc : memref<!tpu.dma_semaphore, #tpu.memory_space<semaphore_mem>>
      %dma_start3A = arith.constant 0 : i32
      %dma_start3A_27 = tpu.memref_slice %arg10[%add3A_7, %dma_start3A] : memref<10240x64xf32, #tpu.memory_space<vmem_shared>> -> memref<320x64xf32, #tpu.memory_space<vmem_shared>>
      %dma_start3A_28 = arith.constant 0 : i32
      %dma_start3A_29 = tpu.memref_slice %arg10[%add3A_7, %dma_start3A_28] : memref<10240x64xf32, #tpu.memory_space<vmem_shared>> -> memref<320x64xf32, #tpu.memory_space<vmem_shared>>
      tpu.enqueue_dma source(%arg9 : memref<320x64xf32, #tpu.memory_space<vmem>>) target(%dma_start3A_29 : memref<320x64xf32, #tpu.memory_space<vmem_shared>>) target_semaphore(%run_scoped3A : memref<!tpu.dma_semaphore, #tpu.memory_space<semaphore_mem>>)
      %dma_wait3A = arith.constant 0 : i32
      %dma_wait3A_30 = tpu.memref_slice %arg10[%add3A_7, %dma_wait3A] : memref<10240x64xf32, #tpu.memory_space<vmem_shared>> -> memref<320x64xf32, #tpu.memory_space<vmem_shared>>
      %dma_wait3A_31 = arith.constant 0 : i32
      %dma_wait3A_32 = tpu.memref_slice %arg10[%add3A_7, %dma_wait3A_31] : memref<10240x64xf32, #tpu.memory_space<vmem_shared>> -> memref<320x64xf32, #tpu.memory_space<vmem_shared>>
      tpu.wait_dma2 semaphore(%run_scoped3A : memref<!tpu.dma_semaphore, #tpu.memory_space<semaphore_mem>>) src(%arg9 : memref<320x64xf32, #tpu.memory_space<vmem>>) dst(%dma_wait3A_32 : memref<320x64xf32, #tpu.memory_space<vmem_shared>>)
      tpu.yield
    }) : () -> ()
    %mul3A_8 = arith.constant 640 : i32
    %mul3A_9 = arith.muli %arg1, %mul3A_8 : i32
    %add3A_10 = arith.constant 320 : i32
    %add3A_11 = arith.addi %mul3A_9, %add3A_10 : i32
    "tpu.region"() ({
      %run_scoped3A = tpu.sem_alloc : memref<!tpu.dma_semaphore, #tpu.memory_space<semaphore_mem>>
      %dma_start3A = arith.constant 0 : i32
      %dma_start3A_27 = tpu.memref_slice %arg10[%add3A_11, %dma_start3A] : memref<10240x64xf32, #tpu.memory_space<vmem_shared>> -> memref<320x64xf32, #tpu.memory_space<vmem_shared>>
      %dma_start3A_28 = arith.constant 0 : i32
      %dma_start3A_29 = tpu.memref_slice %arg10[%add3A_11, %dma_start3A_28] : memref<10240x64xf32, #tpu.memory_space<vmem_shared>> -> memref<320x64xf32, #tpu.memory_space<vmem_shared>>
      tpu.enqueue_dma source(%arg9 : memref<320x64xf32, #tpu.memory_space<vmem>>) target(%dma_start3A_29 : memref<320x64xf32, #tpu.memory_space<vmem_shared>>) target_semaphore(%run_scoped3A : memref<!tpu.dma_semaphore, #tpu.memory_space<semaphore_mem>>)
      %dma_wait3A = arith.constant 0 : i32
      %dma_wait3A_30 = tpu.memref_slice %arg10[%add3A_11, %dma_wait3A] : memref<10240x64xf32, #tpu.memory_space<vmem_shared>> -> memref<320x64xf32, #tpu.memory_space<vmem_shared>>
      %dma_wait3A_31 = arith.constant 0 : i32
      %dma_wait3A_32 = tpu.memref_slice %arg10[%add3A_11, %dma_wait3A_31] : memref<10240x64xf32, #tpu.memory_space<vmem_shared>> -> memref<320x64xf32, #tpu.memory_space<vmem_shared>>
      tpu.wait_dma2 semaphore(%run_scoped3A : memref<!tpu.dma_semaphore, #tpu.memory_space<semaphore_mem>>) src(%arg9 : memref<320x64xf32, #tpu.memory_space<vmem>>) dst(%dma_wait3A_32 : memref<320x64xf32, #tpu.memory_space<vmem_shared>>)
      tpu.yield
    }) : () -> ()
    %barrier3A = arith.constant 0 : index
    tpu.barrier barrier_id(%barrier3A)
    %scan3A_12 = arith.constant 0 : i32
    %scan3A_13 = arith.constant 0 : i32
    %scan3A_14 = arith.constant 158 : i32
    %scan3A_15 = arith.addi %scan3A_13, %scan3A_14 : i32
    %scan3A_16 = arith.constant 1 : i32
    scf.for %scan3A_27 = %scan3A_13 to %scan3A_15 step %scan3A_16  : i32 {
      %dma_start3A = arith.constant 0 : i32
      %dma_start3A_28 = tpu.memref_slice %arg6[%scan3A_27, %dma_start3A] : memref<158x128xi32, #tpu.memory_space<vmem>> -> memref<1x128xi32, #tpu.memory_space<vmem>>
      %dma_start3A_29 = tpu.memref_squeeze %dma_start3A_28 : memref<1x128xi32, #tpu.memory_space<vmem>> -> memref<128xi32, #tpu.memory_space<vmem>>
      %dma_start3A_30 = arith.constant 0 : i32
      %dma_start3A_31 = arith.constant 0 : i32
      %dma_start3A_32 = tpu.memref_slice %arg2[%dma_start3A_30, %dma_start3A_31] : memref<20480x64xf32, #tpu.memory_space<hbm>> -> memref<20480x64xf32, #tpu.memory_space<hbm>>
      tpu.enqueue_indirect_dma source(%dma_start3A_32 : memref<20480x64xf32, #tpu.memory_space<hbm>>) target(%arg8 : memref<128x64xf32, #tpu.memory_space<vmem>>) offsets(%dma_start3A_29 : memref<128xi32, #tpu.memory_space<vmem>>) semaphore(%arg11 : memref<!tpu.dma_semaphore, #tpu.memory_space<semaphore_mem>>)
      %dma_wait3A = arith.constant 0 : i32
      %dma_wait3A_33 = tpu.memref_slice %arg6[%scan3A_27, %dma_wait3A] : memref<158x128xi32, #tpu.memory_space<vmem>> -> memref<1x128xi32, #tpu.memory_space<vmem>>
      %dma_wait3A_34 = tpu.memref_squeeze %dma_wait3A_33 : memref<1x128xi32, #tpu.memory_space<vmem>> -> memref<128xi32, #tpu.memory_space<vmem>>
      %dma_wait3A_35 = arith.constant 0 : i32
      %dma_wait3A_36 = arith.constant 0 : i32
      %dma_wait3A_37 = tpu.memref_slice %arg2[%dma_wait3A_35, %dma_wait3A_36] : memref<20480x64xf32, #tpu.memory_space<hbm>> -> memref<20480x64xf32, #tpu.memory_space<hbm>>
      tpu.wait_indirect_dma semaphore(%arg11 : memref<!tpu.dma_semaphore, #tpu.memory_space<semaphore_mem>>) src(%dma_wait3A_37 : memref<20480x64xf32, #tpu.memory_space<hbm>>) dst(%arg8 : memref<128x64xf32, #tpu.memory_space<vmem>>)
      "tpu.region"() ({
        %run_scoped3A = tpu.sem_alloc : memref<!tpu.dma_semaphore, #tpu.memory_space<semaphore_mem>>
        %dma_start3A_38 = arith.constant 0 : i32
        %dma_start3A_39 = tpu.memref_slice %arg7[%scan3A_27, %dma_start3A_38] : memref<158x128xi32, #tpu.memory_space<vmem>> -> memref<1x128xi32, #tpu.memory_space<vmem>>
        %dma_start3A_40 = tpu.memref_squeeze %dma_start3A_39 : memref<1x128xi32, #tpu.memory_space<vmem>> -> memref<128xi32, #tpu.memory_space<vmem>>
        %dma_start3A_41 = arith.constant 0 : i32
        %dma_start3A_42 = arith.constant 0 : i32
        %dma_start3A_43 = tpu.memref_slice %arg10[%dma_start3A_41, %dma_start3A_42] : memref<10240x64xf32, #tpu.memory_space<vmem_shared>> -> memref<10240x64xf32, #tpu.memory_space<vmem_shared>>
        tpu.enqueue_indirect_dma source(%arg8 : memref<128x64xf32, #tpu.memory_space<vmem>>) target(%dma_start3A_43 : memref<10240x64xf32, #tpu.memory_space<vmem_shared>>) offsets(%dma_start3A_40 : memref<128xi32, #tpu.memory_space<vmem>>) semaphore(%run_scoped3A : memref<!tpu.dma_semaphore, #tpu.memory_space<semaphore_mem>>) {add = true}
        %dma_wait3A_44 = arith.constant 0 : i32
        %dma_wait3A_45 = tpu.memref_slice %arg7[%scan3A_27, %dma_wait3A_44] : memref<158x128xi32, #tpu.memory_space<vmem>> -> memref<1x128xi32, #tpu.memory_space<vmem>>
        %dma_wait3A_46 = tpu.memref_squeeze %dma_wait3A_45 : memref<1x128xi32, #tpu.memory_space<vmem>> -> memref<128xi32, #tpu.memory_space<vmem>>
        %dma_wait3A_47 = arith.constant 0 : i32
        %dma_wait3A_48 = arith.constant 0 : i32
        %dma_wait3A_49 = tpu.memref_slice %arg10[%dma_wait3A_47, %dma_wait3A_48] : memref<10240x64xf32, #tpu.memory_space<vmem_shared>> -> memref<10240x64xf32, #tpu.memory_space<vmem_shared>>
        tpu.wait_indirect_dma semaphore(%run_scoped3A : memref<!tpu.dma_semaphore, #tpu.memory_space<semaphore_mem>>) src(%arg8 : memref<128x64xf32, #tpu.memory_space<vmem>>) dst(%dma_wait3A_49 : memref<10240x64xf32, #tpu.memory_space<vmem_shared>>)
        tpu.yield
      }) : () -> ()
    }
    %scan3A_17 = arith.constant 158 : i32
    %barrier3A_18 = arith.constant 0 : index
    tpu.barrier barrier_id(%barrier3A_18)
    %mul3A_19 = arith.constant 640 : i32
    %mul3A_20 = arith.muli %arg1, %mul3A_19 : i32
    %add3A_21 = arith.constant 0 : i32
    %add3A_22 = arith.addi %mul3A_20, %add3A_21 : i32
    "tpu.region"() ({
      %run_scoped3A = tpu.sem_alloc : memref<!tpu.dma_semaphore, #tpu.memory_space<semaphore_mem>>
      %dma_start3A = arith.constant 0 : i32
      %dma_start3A_27 = tpu.memref_slice %arg10[%add3A_22, %dma_start3A] : memref<10240x64xf32, #tpu.memory_space<vmem_shared>> -> memref<320x64xf32, #tpu.memory_space<vmem_shared>>
      %dma_start3A_28 = arith.constant 0 : i32
      %dma_start3A_29 = tpu.memref_slice %arg10[%add3A_22, %dma_start3A_28] : memref<10240x64xf32, #tpu.memory_space<vmem_shared>> -> memref<320x64xf32, #tpu.memory_space<vmem_shared>>
      tpu.enqueue_dma source(%dma_start3A_29 : memref<320x64xf32, #tpu.memory_space<vmem_shared>>) target(%arg9 : memref<320x64xf32, #tpu.memory_space<vmem>>) target_semaphore(%run_scoped3A : memref<!tpu.dma_semaphore, #tpu.memory_space<semaphore_mem>>)
      %dma_wait3A = arith.constant 0 : i32
      %dma_wait3A_30 = tpu.memref_slice %arg10[%add3A_22, %dma_wait3A] : memref<10240x64xf32, #tpu.memory_space<vmem_shared>> -> memref<320x64xf32, #tpu.memory_space<vmem_shared>>
      %dma_wait3A_31 = arith.constant 0 : i32
      %dma_wait3A_32 = tpu.memref_slice %arg10[%add3A_22, %dma_wait3A_31] : memref<10240x64xf32, #tpu.memory_space<vmem_shared>> -> memref<320x64xf32, #tpu.memory_space<vmem_shared>>
      tpu.wait_dma2 semaphore(%run_scoped3A : memref<!tpu.dma_semaphore, #tpu.memory_space<semaphore_mem>>) src(%dma_wait3A_32 : memref<320x64xf32, #tpu.memory_space<vmem_shared>>) dst(%arg9 : memref<320x64xf32, #tpu.memory_space<vmem>>)
      tpu.yield
    }) : () -> ()
    "tpu.region"() ({
      %run_scoped3A = tpu.sem_alloc : memref<!tpu.dma_semaphore, #tpu.memory_space<semaphore_mem>>
      %dma_start3A = arith.constant 0 : i32
      %dma_start3A_27 = arith.constant 0 : i32
      %dma_start3A_28 = tpu.memref_slice %arg5[%arg0, %dma_start3A, %dma_start3A_27] : memref<2x10240x64xf32, #tpu.memory_space<hbm>> -> memref<1x10240x64xf32, #tpu.memory_space<hbm>>
      %dma_start3A_29 = tpu.memref_squeeze %dma_start3A_28 : memref<1x10240x64xf32, #tpu.memory_space<hbm>> -> memref<10240x64xf32, #tpu.memory_space<hbm>>
      %dma_start3A_30 = arith.constant 0 : i32
      %dma_start3A_31 = tpu.memref_slice %dma_start3A_29[%add3A_22, %dma_start3A_30] : memref<10240x64xf32, #tpu.memory_space<hbm>> -> memref<320x64xf32, #tpu.memory_space<hbm>>
      %dma_start3A_32 = arith.constant 0 : i32
      %dma_start3A_33 = arith.constant 0 : i32
      %dma_start3A_34 = tpu.memref_slice %arg5[%arg0, %dma_start3A_32, %dma_start3A_33] : memref<2x10240x64xf32, #tpu.memory_space<hbm>> -> memref<1x10240x64xf32, #tpu.memory_space<hbm>>
      %dma_start3A_35 = tpu.memref_squeeze %dma_start3A_34 : memref<1x10240x64xf32, #tpu.memory_space<hbm>> -> memref<10240x64xf32, #tpu.memory_space<hbm>>
      %dma_start3A_36 = arith.constant 0 : i32
      %dma_start3A_37 = tpu.memref_slice %dma_start3A_35[%add3A_22, %dma_start3A_36] : memref<10240x64xf32, #tpu.memory_space<hbm>> -> memref<320x64xf32, #tpu.memory_space<hbm>>
      tpu.enqueue_dma source(%arg9 : memref<320x64xf32, #tpu.memory_space<vmem>>) target(%dma_start3A_37 : memref<320x64xf32, #tpu.memory_space<hbm>>) target_semaphore(%run_scoped3A : memref<!tpu.dma_semaphore, #tpu.memory_space<semaphore_mem>>)
      %dma_wait3A = arith.constant 0 : i32
      %dma_wait3A_38 = arith.constant 0 : i32
      %dma_wait3A_39 = tpu.memref_slice %arg5[%arg0, %dma_wait3A, %dma_wait3A_38] : memref<2x10240x64xf32, #tpu.memory_space<hbm>> -> memref<1x10240x64xf32, #tpu.memory_space<hbm>>
      %dma_wait3A_40 = tpu.memref_squeeze %dma_wait3A_39 : memref<1x10240x64xf32, #tpu.memory_space<hbm>> -> memref<10240x64xf32, #tpu.memory_space<hbm>>
      %dma_wait3A_41 = arith.constant 0 : i32
      %dma_wait3A_42 = tpu.memref_slice %dma_wait3A_40[%add3A_22, %dma_wait3A_41] : memref<10240x64xf32, #tpu.memory_space<hbm>> -> memref<320x64xf32, #tpu.memory_space<hbm>>
      %dma_wait3A_43 = arith.constant 0 : i32
      %dma_wait3A_44 = arith.constant 0 : i32
      %dma_wait3A_45 = tpu.memref_slice %arg5[%arg0, %dma_wait3A_43, %dma_wait3A_44] : memref<2x10240x64xf32, #tpu.memory_space<hbm>> -> memref<1x10240x64xf32, #tpu.memory_space<hbm>>
      %dma_wait3A_46 = tpu.memref_squeeze %dma_wait3A_45 : memref<1x10240x64xf32, #tpu.memory_space<hbm>> -> memref<10240x64xf32, #tpu.memory_space<hbm>>
      %dma_wait3A_47 = arith.constant 0 : i32
      %dma_wait3A_48 = tpu.memref_slice %dma_wait3A_46[%add3A_22, %dma_wait3A_47] : memref<10240x64xf32, #tpu.memory_space<hbm>> -> memref<320x64xf32, #tpu.memory_space<hbm>>
      tpu.wait_dma2 semaphore(%run_scoped3A : memref<!tpu.dma_semaphore, #tpu.memory_space<semaphore_mem>>) src(%arg9 : memref<320x64xf32, #tpu.memory_space<vmem>>) dst(%dma_wait3A_48 : memref<320x64xf32, #tpu.memory_space<hbm>>)
      tpu.yield
    }) : () -> ()
    %mul3A_23 = arith.constant 640 : i32
    %mul3A_24 = arith.muli %arg1, %mul3A_23 : i32
    %add3A_25 = arith.constant 320 : i32
    %add3A_26 = arith.addi %mul3A_24, %add3A_25 : i32
    "tpu.region"() ({
      %run_scoped3A = tpu.sem_alloc : memref<!tpu.dma_semaphore, #tpu.memory_space<semaphore_mem>>
      %dma_start3A = arith.constant 0 : i32
      %dma_start3A_27 = tpu.memref_slice %arg10[%add3A_26, %dma_start3A] : memref<10240x64xf32, #tpu.memory_space<vmem_shared>> -> memref<320x64xf32, #tpu.memory_space<vmem_shared>>
      %dma_start3A_28 = arith.constant 0 : i32
      %dma_start3A_29 = tpu.memref_slice %arg10[%add3A_26, %dma_start3A_28] : memref<10240x64xf32, #tpu.memory_space<vmem_shared>> -> memref<320x64xf32, #tpu.memory_space<vmem_shared>>
      tpu.enqueue_dma source(%dma_start3A_29 : memref<320x64xf32, #tpu.memory_space<vmem_shared>>) target(%arg9 : memref<320x64xf32, #tpu.memory_space<vmem>>) target_semaphore(%run_scoped3A : memref<!tpu.dma_semaphore, #tpu.memory_space<semaphore_mem>>)
      %dma_wait3A = arith.constant 0 : i32
      %dma_wait3A_30 = tpu.memref_slice %arg10[%add3A_26, %dma_wait3A] : memref<10240x64xf32, #tpu.memory_space<vmem_shared>> -> memref<320x64xf32, #tpu.memory_space<vmem_shared>>
      %dma_wait3A_31 = arith.constant 0 : i32
      %dma_wait3A_32 = tpu.memref_slice %arg10[%add3A_26, %dma_wait3A_31] : memref<10240x64xf32, #tpu.memory_space<vmem_shared>> -> memref<320x64xf32, #tpu.memory_space<vmem_shared>>
      tpu.wait_dma2 semaphore(%run_scoped3A : memref<!tpu.dma_semaphore, #tpu.memory_space<semaphore_mem>>) src(%dma_wait3A_32 : memref<320x64xf32, #tpu.memory_space<vmem_shared>>) dst(%arg9 : memref<320x64xf32, #tpu.memory_space<vmem>>)
      tpu.yield
    }) : () -> ()
    "tpu.region"() ({
      %run_scoped3A = tpu.sem_alloc : memref<!tpu.dma_semaphore, #tpu.memory_space<semaphore_mem>>
      %dma_start3A = arith.constant 0 : i32
      %dma_start3A_27 = arith.constant 0 : i32
      %dma_start3A_28 = tpu.memref_slice %arg5[%arg0, %dma_start3A, %dma_start3A_27] : memref<2x10240x64xf32, #tpu.memory_space<hbm>> -> memref<1x10240x64xf32, #tpu.memory_space<hbm>>
      %dma_start3A_29 = tpu.memref_squeeze %dma_start3A_28 : memref<1x10240x64xf32, #tpu.memory_space<hbm>> -> memref<10240x64xf32, #tpu.memory_space<hbm>>
      %dma_start3A_30 = arith.constant 0 : i32
      %dma_start3A_31 = tpu.memref_slice %dma_start3A_29[%add3A_26, %dma_start3A_30] : memref<10240x64xf32, #tpu.memory_space<hbm>> -> memref<320x64xf32, #tpu.memory_space<hbm>>
      %dma_start3A_32 = arith.constant 0 : i32
      %dma_start3A_33 = arith.constant 0 : i32
      %dma_start3A_34 = tpu.memref_slice %arg5[%arg0, %dma_start3A_32, %dma_start3A_33] : memref<2x10240x64xf32, #tpu.memory_space<hbm>> -> memref<1x10240x64xf32, #tpu.memory_space<hbm>>
      %dma_start3A_35 = tpu.memref_squeeze %dma_start3A_34 : memref<1x10240x64xf32, #tpu.memory_space<hbm>> -> memref<10240x64xf32, #tpu.memory_space<hbm>>
      %dma_start3A_36 = arith.constant 0 : i32
      %dma_start3A_37 = tpu.memref_slice %dma_start3A_35[%add3A_26, %dma_start3A_36] : memref<10240x64xf32, #tpu.memory_space<hbm>> -> memref<320x64xf32, #tpu.memory_space<hbm>>
      tpu.enqueue_dma source(%arg9 : memref<320x64xf32, #tpu.memory_space<vmem>>) target(%dma_start3A_37 : memref<320x64xf32, #tpu.memory_space<hbm>>) target_semaphore(%run_scoped3A : memref<!tpu.dma_semaphore, #tpu.memory_space<semaphore_mem>>)
      %dma_wait3A = arith.constant 0 : i32
      %dma_wait3A_38 = arith.constant 0 : i32
      %dma_wait3A_39 = tpu.memref_slice %arg5[%arg0, %dma_wait3A, %dma_wait3A_38] : memref<2x10240x64xf32, #tpu.memory_space<hbm>> -> memref<1x10240x64xf32, #tpu.memory_space<hbm>>
      %dma_wait3A_40 = tpu.memref_squeeze %dma_wait3A_39 : memref<1x10240x64xf32, #tpu.memory_space<hbm>> -> memref<10240x64xf32, #tpu.memory_space<hbm>>
      %dma_wait3A_41 = arith.constant 0 : i32
      %dma_wait3A_42 = tpu.memref_slice %dma_wait3A_40[%add3A_26, %dma_wait3A_41] : memref<10240x64xf32, #tpu.memory_space<hbm>> -> memref<320x64xf32, #tpu.memory_space<hbm>>
      %dma_wait3A_43 = arith.constant 0 : i32
      %dma_wait3A_44 = arith.constant 0 : i32
      %dma_wait3A_45 = tpu.memref_slice %arg5[%arg0, %dma_wait3A_43, %dma_wait3A_44] : memref<2x10240x64xf32, #tpu.memory_space<hbm>> -> memref<1x10240x64xf32, #tpu.memory_space<hbm>>
      %dma_wait3A_46 = tpu.memref_squeeze %dma_wait3A_45 : memref<1x10240x64xf32, #tpu.memory_space<hbm>> -> memref<10240x64xf32, #tpu.memory_space<hbm>>
      %dma_wait3A_47 = arith.constant 0 : i32
      %dma_wait3A_48 = tpu.memref_slice %dma_wait3A_46[%add3A_26, %dma_wait3A_47] : memref<10240x64xf32, #tpu.memory_space<hbm>> -> memref<320x64xf32, #tpu.memory_space<hbm>>
      tpu.wait_dma2 semaphore(%run_scoped3A : memref<!tpu.dma_semaphore, #tpu.memory_space<semaphore_mem>>) src(%arg9 : memref<320x64xf32, #tpu.memory_space<vmem>>) dst(%dma_wait3A_48 : memref<320x64xf32, #tpu.memory_space<hbm>>)
      tpu.yield
    }) : () -> ()
    return
  }
}

#map = affine_map<(d0, d1) -> (0, 0)>
#map1 = affine_map<(d0, d1) -> (0, 0, 0, 0)>
#map2 = affine_map<(d0, d1) -> (0, 0, 0)>
module attributes {stable_mosaic.version = 14 : i64} {
  func.func @agg(%arg0: i32, %arg1: i32, %arg2: memref<20480x32xf32, #tpu.memory_space<hbm>>, %arg3: memref<2x16x158x128xi32, #tpu.memory_space<hbm>>, %arg4: memref<16x158x128xi32, #tpu.memory_space<hbm>>, %arg5: memref<2x10240x32xf32, #tpu.memory_space<hbm>>, %arg6: memref<158x128xi32, #tpu.memory_space<vmem>>, %arg7: memref<158x128xi32, #tpu.memory_space<vmem>>, %arg8: memref<128x32xf32, #tpu.memory_space<vmem>>, %arg9: memref<640x32xf32, #tpu.memory_space<vmem>>, %arg10: memref<10240x32xf32, #tpu.memory_space<vmem_shared>>, %arg11: memref<!tpu.dma_semaphore, #tpu.memory_space<semaphore_mem>>) attributes {dimension_semantics = [#tpu.dimension_semantics<core_parallel>, #tpu.dimension_semantics<subcore_parallel>], iteration_bounds = array<i64: 2, 16>, scalar_prefetch = 0 : i64, scratch_operands = 6 : i64, tpu.core_type = #tpu.core_type<sc_vector_subcore>, window_params = [{transform_indices = #map}, {transform_indices = #map1}, {transform_indices = #map2}, {transform_indices = #map2}]} {
    "tpu.region"() ({
      %run_scoped3A = tpu.sem_alloc : memref<!tpu.dma_semaphore, #tpu.memory_space<semaphore_mem>>
      %dma_start3A = arith.constant 0 : i32
      %dma_start3A_19 = arith.constant 0 : i32
      %dma_start3A_20 = tpu.memref_slice %arg3[%arg0, %arg1, %dma_start3A, %dma_start3A_19] : memref<2x16x158x128xi32, #tpu.memory_space<hbm>> -> memref<1x1x158x128xi32, #tpu.memory_space<hbm>>
      %dma_start3A_21 = tpu.memref_squeeze %dma_start3A_20 : memref<1x1x158x128xi32, #tpu.memory_space<hbm>> -> memref<158x128xi32, #tpu.memory_space<hbm>>
      %dma_start3A_22 = arith.constant 0 : i32
      %dma_start3A_23 = arith.constant 0 : i32
      %dma_start3A_24 = tpu.memref_slice %arg3[%arg0, %arg1, %dma_start3A_22, %dma_start3A_23] : memref<2x16x158x128xi32, #tpu.memory_space<hbm>> -> memref<1x1x158x128xi32, #tpu.memory_space<hbm>>
      %dma_start3A_25 = tpu.memref_squeeze %dma_start3A_24 : memref<1x1x158x128xi32, #tpu.memory_space<hbm>> -> memref<158x128xi32, #tpu.memory_space<hbm>>
      tpu.enqueue_dma source(%dma_start3A_25 : memref<158x128xi32, #tpu.memory_space<hbm>>) target(%arg6 : memref<158x128xi32, #tpu.memory_space<vmem>>) target_semaphore(%run_scoped3A : memref<!tpu.dma_semaphore, #tpu.memory_space<semaphore_mem>>)
      %dma_wait3A = arith.constant 0 : i32
      %dma_wait3A_26 = arith.constant 0 : i32
      %dma_wait3A_27 = tpu.memref_slice %arg3[%arg0, %arg1, %dma_wait3A, %dma_wait3A_26] : memref<2x16x158x128xi32, #tpu.memory_space<hbm>> -> memref<1x1x158x128xi32, #tpu.memory_space<hbm>>
      %dma_wait3A_28 = tpu.memref_squeeze %dma_wait3A_27 : memref<1x1x158x128xi32, #tpu.memory_space<hbm>> -> memref<158x128xi32, #tpu.memory_space<hbm>>
      %dma_wait3A_29 = arith.constant 0 : i32
      %dma_wait3A_30 = arith.constant 0 : i32
      %dma_wait3A_31 = tpu.memref_slice %arg3[%arg0, %arg1, %dma_wait3A_29, %dma_wait3A_30] : memref<2x16x158x128xi32, #tpu.memory_space<hbm>> -> memref<1x1x158x128xi32, #tpu.memory_space<hbm>>
      %dma_wait3A_32 = tpu.memref_squeeze %dma_wait3A_31 : memref<1x1x158x128xi32, #tpu.memory_space<hbm>> -> memref<158x128xi32, #tpu.memory_space<hbm>>
      tpu.wait_dma2 semaphore(%run_scoped3A : memref<!tpu.dma_semaphore, #tpu.memory_space<semaphore_mem>>) src(%dma_wait3A_32 : memref<158x128xi32, #tpu.memory_space<hbm>>) dst(%arg6 : memref<158x128xi32, #tpu.memory_space<vmem>>)
      tpu.yield
    }) : () -> ()
    "tpu.region"() ({
      %run_scoped3A = tpu.sem_alloc : memref<!tpu.dma_semaphore, #tpu.memory_space<semaphore_mem>>
      %dma_start3A = arith.constant 0 : i32
      %dma_start3A_19 = arith.constant 0 : i32
      %dma_start3A_20 = tpu.memref_slice %arg4[%arg1, %dma_start3A, %dma_start3A_19] : memref<16x158x128xi32, #tpu.memory_space<hbm>> -> memref<1x158x128xi32, #tpu.memory_space<hbm>>
      %dma_start3A_21 = tpu.memref_squeeze %dma_start3A_20 : memref<1x158x128xi32, #tpu.memory_space<hbm>> -> memref<158x128xi32, #tpu.memory_space<hbm>>
      %dma_start3A_22 = arith.constant 0 : i32
      %dma_start3A_23 = arith.constant 0 : i32
      %dma_start3A_24 = tpu.memref_slice %arg4[%arg1, %dma_start3A_22, %dma_start3A_23] : memref<16x158x128xi32, #tpu.memory_space<hbm>> -> memref<1x158x128xi32, #tpu.memory_space<hbm>>
      %dma_start3A_25 = tpu.memref_squeeze %dma_start3A_24 : memref<1x158x128xi32, #tpu.memory_space<hbm>> -> memref<158x128xi32, #tpu.memory_space<hbm>>
      tpu.enqueue_dma source(%dma_start3A_25 : memref<158x128xi32, #tpu.memory_space<hbm>>) target(%arg7 : memref<158x128xi32, #tpu.memory_space<vmem>>) target_semaphore(%run_scoped3A : memref<!tpu.dma_semaphore, #tpu.memory_space<semaphore_mem>>)
      %dma_wait3A = arith.constant 0 : i32
      %dma_wait3A_26 = arith.constant 0 : i32
      %dma_wait3A_27 = tpu.memref_slice %arg4[%arg1, %dma_wait3A, %dma_wait3A_26] : memref<16x158x128xi32, #tpu.memory_space<hbm>> -> memref<1x158x128xi32, #tpu.memory_space<hbm>>
      %dma_wait3A_28 = tpu.memref_squeeze %dma_wait3A_27 : memref<1x158x128xi32, #tpu.memory_space<hbm>> -> memref<158x128xi32, #tpu.memory_space<hbm>>
      %dma_wait3A_29 = arith.constant 0 : i32
      %dma_wait3A_30 = arith.constant 0 : i32
      %dma_wait3A_31 = tpu.memref_slice %arg4[%arg1, %dma_wait3A_29, %dma_wait3A_30] : memref<16x158x128xi32, #tpu.memory_space<hbm>> -> memref<1x158x128xi32, #tpu.memory_space<hbm>>
      %dma_wait3A_32 = tpu.memref_squeeze %dma_wait3A_31 : memref<1x158x128xi32, #tpu.memory_space<hbm>> -> memref<158x128xi32, #tpu.memory_space<hbm>>
      tpu.wait_dma2 semaphore(%run_scoped3A : memref<!tpu.dma_semaphore, #tpu.memory_space<semaphore_mem>>) src(%dma_wait3A_32 : memref<158x128xi32, #tpu.memory_space<hbm>>) dst(%arg7 : memref<158x128xi32, #tpu.memory_space<vmem>>)
      tpu.yield
    }) : () -> ()
    %broadcast_in_dim3A = arith.constant 0.000000e+00 : f32
    %broadcast_in_dim3A_0 = vector.broadcast %broadcast_in_dim3A : f32 to vector<16xf32>
    %scan3A = arith.constant 0 : i32
    %scan3A_1 = arith.constant 0 : i32
    %scan3A_2 = arith.constant 640 : i32
    %scan3A_3 = arith.addi %scan3A_1, %scan3A_2 : i32
    %scan3A_4 = arith.constant 1 : i32
    scf.for %scan3A_19 = %scan3A_1 to %scan3A_3 step %scan3A_4  : i32 {
      %swap3A = arith.index_cast %scan3A_19 : i32 to index
      %swap3A_20 = arith.constant 0 : index
      %swap3A_21 = tpu.vector_load %arg9[%swap3A, %swap3A_20] {strides = array<i32>} : memref<640x32xf32, #tpu.memory_space<vmem>>, vector<1x16xf32>,
      %swap3A_22 = vector.shape_cast %swap3A_21 : vector<1x16xf32> to vector<16xf32>
      %swap3A_23 = vector.shape_cast %broadcast_in_dim3A_0 : vector<16xf32> to vector<1x16xf32>
      tpu.vector_store %arg9[%swap3A, %swap3A_20], %swap3A_23 {strides = array<i32>} : memref<640x32xf32, #tpu.memory_space<vmem>>, vector<1x16xf32>,
      %swap3A_24 = arith.index_cast %scan3A_19 : i32 to index
      %swap3A_25 = arith.constant 16 : index
      %swap3A_26 = tpu.vector_load %arg9[%swap3A_24, %swap3A_25] {strides = array<i32>} : memref<640x32xf32, #tpu.memory_space<vmem>>, vector<1x16xf32>,
      %swap3A_27 = vector.shape_cast %swap3A_26 : vector<1x16xf32> to vector<16xf32>
      %swap3A_28 = vector.shape_cast %broadcast_in_dim3A_0 : vector<16xf32> to vector<1x16xf32>
      tpu.vector_store %arg9[%swap3A_24, %swap3A_25], %swap3A_28 {strides = array<i32>} : memref<640x32xf32, #tpu.memory_space<vmem>>, vector<1x16xf32>,
    }
    %scan3A_5 = arith.constant 640 : i32
    %mul3A = arith.constant 640 : i32
    %mul3A_6 = arith.muli %arg1, %mul3A : i32
    %add3A = arith.constant 0 : i32
    %add3A_7 = arith.addi %mul3A_6, %add3A : i32
    "tpu.region"() ({
      %run_scoped3A = tpu.sem_alloc : memref<!tpu.dma_semaphore, #tpu.memory_space<semaphore_mem>>
      %dma_start3A = arith.constant 0 : i32
      %dma_start3A_19 = tpu.memref_slice %arg10[%add3A_7, %dma_start3A] : memref<10240x32xf32, #tpu.memory_space<vmem_shared>> -> memref<640x32xf32, #tpu.memory_space<vmem_shared>>
      %dma_start3A_20 = arith.constant 0 : i32
      %dma_start3A_21 = tpu.memref_slice %arg10[%add3A_7, %dma_start3A_20] : memref<10240x32xf32, #tpu.memory_space<vmem_shared>> -> memref<640x32xf32, #tpu.memory_space<vmem_shared>>
      tpu.enqueue_dma source(%arg9 : memref<640x32xf32, #tpu.memory_space<vmem>>) target(%dma_start3A_21 : memref<640x32xf32, #tpu.memory_space<vmem_shared>>) target_semaphore(%run_scoped3A : memref<!tpu.dma_semaphore, #tpu.memory_space<semaphore_mem>>)
      %dma_wait3A = arith.constant 0 : i32
      %dma_wait3A_22 = tpu.memref_slice %arg10[%add3A_7, %dma_wait3A] : memref<10240x32xf32, #tpu.memory_space<vmem_shared>> -> memref<640x32xf32, #tpu.memory_space<vmem_shared>>
      %dma_wait3A_23 = arith.constant 0 : i32
      %dma_wait3A_24 = tpu.memref_slice %arg10[%add3A_7, %dma_wait3A_23] : memref<10240x32xf32, #tpu.memory_space<vmem_shared>> -> memref<640x32xf32, #tpu.memory_space<vmem_shared>>
      tpu.wait_dma2 semaphore(%run_scoped3A : memref<!tpu.dma_semaphore, #tpu.memory_space<semaphore_mem>>) src(%arg9 : memref<640x32xf32, #tpu.memory_space<vmem>>) dst(%dma_wait3A_24 : memref<640x32xf32, #tpu.memory_space<vmem_shared>>)
      tpu.yield
    }) : () -> ()
    %barrier3A = arith.constant 0 : index
    tpu.barrier barrier_id(%barrier3A)
    %scan3A_8 = arith.constant 0 : i32
    %scan3A_9 = arith.constant 0 : i32
    %scan3A_10 = arith.constant 158 : i32
    %scan3A_11 = arith.addi %scan3A_9, %scan3A_10 : i32
    %scan3A_12 = arith.constant 1 : i32
    scf.for %scan3A_19 = %scan3A_9 to %scan3A_11 step %scan3A_12  : i32 {
      %dma_start3A = arith.constant 0 : i32
      %dma_start3A_20 = tpu.memref_slice %arg6[%scan3A_19, %dma_start3A] : memref<158x128xi32, #tpu.memory_space<vmem>> -> memref<1x128xi32, #tpu.memory_space<vmem>>
      %dma_start3A_21 = tpu.memref_squeeze %dma_start3A_20 : memref<1x128xi32, #tpu.memory_space<vmem>> -> memref<128xi32, #tpu.memory_space<vmem>>
      %dma_start3A_22 = arith.constant 0 : i32
      %dma_start3A_23 = arith.constant 0 : i32
      %dma_start3A_24 = tpu.memref_slice %arg2[%dma_start3A_22, %dma_start3A_23] : memref<20480x32xf32, #tpu.memory_space<hbm>> -> memref<20480x32xf32, #tpu.memory_space<hbm>>
      tpu.enqueue_indirect_dma source(%dma_start3A_24 : memref<20480x32xf32, #tpu.memory_space<hbm>>) target(%arg8 : memref<128x32xf32, #tpu.memory_space<vmem>>) offsets(%dma_start3A_21 : memref<128xi32, #tpu.memory_space<vmem>>) semaphore(%arg11 : memref<!tpu.dma_semaphore, #tpu.memory_space<semaphore_mem>>)
      %dma_wait3A = arith.constant 0 : i32
      %dma_wait3A_25 = tpu.memref_slice %arg6[%scan3A_19, %dma_wait3A] : memref<158x128xi32, #tpu.memory_space<vmem>> -> memref<1x128xi32, #tpu.memory_space<vmem>>
      %dma_wait3A_26 = tpu.memref_squeeze %dma_wait3A_25 : memref<1x128xi32, #tpu.memory_space<vmem>> -> memref<128xi32, #tpu.memory_space<vmem>>
      %dma_wait3A_27 = arith.constant 0 : i32
      %dma_wait3A_28 = arith.constant 0 : i32
      %dma_wait3A_29 = tpu.memref_slice %arg2[%dma_wait3A_27, %dma_wait3A_28] : memref<20480x32xf32, #tpu.memory_space<hbm>> -> memref<20480x32xf32, #tpu.memory_space<hbm>>
      tpu.wait_indirect_dma semaphore(%arg11 : memref<!tpu.dma_semaphore, #tpu.memory_space<semaphore_mem>>) src(%dma_wait3A_29 : memref<20480x32xf32, #tpu.memory_space<hbm>>) dst(%arg8 : memref<128x32xf32, #tpu.memory_space<vmem>>)
      "tpu.region"() ({
        %run_scoped3A = tpu.sem_alloc : memref<!tpu.dma_semaphore, #tpu.memory_space<semaphore_mem>>
        %dma_start3A_30 = arith.constant 0 : i32
        %dma_start3A_31 = tpu.memref_slice %arg7[%scan3A_19, %dma_start3A_30] : memref<158x128xi32, #tpu.memory_space<vmem>> -> memref<1x128xi32, #tpu.memory_space<vmem>>
        %dma_start3A_32 = tpu.memref_squeeze %dma_start3A_31 : memref<1x128xi32, #tpu.memory_space<vmem>> -> memref<128xi32, #tpu.memory_space<vmem>>
        %dma_start3A_33 = arith.constant 0 : i32
        %dma_start3A_34 = arith.constant 0 : i32
        %dma_start3A_35 = tpu.memref_slice %arg10[%dma_start3A_33, %dma_start3A_34] : memref<10240x32xf32, #tpu.memory_space<vmem_shared>> -> memref<10240x32xf32, #tpu.memory_space<vmem_shared>>
        tpu.enqueue_indirect_dma source(%arg8 : memref<128x32xf32, #tpu.memory_space<vmem>>) target(%dma_start3A_35 : memref<10240x32xf32, #tpu.memory_space<vmem_shared>>) offsets(%dma_start3A_32 : memref<128xi32, #tpu.memory_space<vmem>>) semaphore(%run_scoped3A : memref<!tpu.dma_semaphore, #tpu.memory_space<semaphore_mem>>) {add = true}
        %dma_wait3A_36 = arith.constant 0 : i32
        %dma_wait3A_37 = tpu.memref_slice %arg7[%scan3A_19, %dma_wait3A_36] : memref<158x128xi32, #tpu.memory_space<vmem>> -> memref<1x128xi32, #tpu.memory_space<vmem>>
        %dma_wait3A_38 = tpu.memref_squeeze %dma_wait3A_37 : memref<1x128xi32, #tpu.memory_space<vmem>> -> memref<128xi32, #tpu.memory_space<vmem>>
        %dma_wait3A_39 = arith.constant 0 : i32
        %dma_wait3A_40 = arith.constant 0 : i32
        %dma_wait3A_41 = tpu.memref_slice %arg10[%dma_wait3A_39, %dma_wait3A_40] : memref<10240x32xf32, #tpu.memory_space<vmem_shared>> -> memref<10240x32xf32, #tpu.memory_space<vmem_shared>>
        tpu.wait_indirect_dma semaphore(%run_scoped3A : memref<!tpu.dma_semaphore, #tpu.memory_space<semaphore_mem>>) src(%arg8 : memref<128x32xf32, #tpu.memory_space<vmem>>) dst(%dma_wait3A_41 : memref<10240x32xf32, #tpu.memory_space<vmem_shared>>)
        tpu.yield
      }) : () -> ()
    }
    %scan3A_13 = arith.constant 158 : i32
    %barrier3A_14 = arith.constant 0 : index
    tpu.barrier barrier_id(%barrier3A_14)
    %mul3A_15 = arith.constant 640 : i32
    %mul3A_16 = arith.muli %arg1, %mul3A_15 : i32
    %add3A_17 = arith.constant 0 : i32
    %add3A_18 = arith.addi %mul3A_16, %add3A_17 : i32
    "tpu.region"() ({
      %run_scoped3A = tpu.sem_alloc : memref<!tpu.dma_semaphore, #tpu.memory_space<semaphore_mem>>
      %dma_start3A = arith.constant 0 : i32
      %dma_start3A_19 = tpu.memref_slice %arg10[%add3A_18, %dma_start3A] : memref<10240x32xf32, #tpu.memory_space<vmem_shared>> -> memref<640x32xf32, #tpu.memory_space<vmem_shared>>
      %dma_start3A_20 = arith.constant 0 : i32
      %dma_start3A_21 = tpu.memref_slice %arg10[%add3A_18, %dma_start3A_20] : memref<10240x32xf32, #tpu.memory_space<vmem_shared>> -> memref<640x32xf32, #tpu.memory_space<vmem_shared>>
      tpu.enqueue_dma source(%dma_start3A_21 : memref<640x32xf32, #tpu.memory_space<vmem_shared>>) target(%arg9 : memref<640x32xf32, #tpu.memory_space<vmem>>) target_semaphore(%run_scoped3A : memref<!tpu.dma_semaphore, #tpu.memory_space<semaphore_mem>>)
      %dma_wait3A = arith.constant 0 : i32
      %dma_wait3A_22 = tpu.memref_slice %arg10[%add3A_18, %dma_wait3A] : memref<10240x32xf32, #tpu.memory_space<vmem_shared>> -> memref<640x32xf32, #tpu.memory_space<vmem_shared>>
      %dma_wait3A_23 = arith.constant 0 : i32
      %dma_wait3A_24 = tpu.memref_slice %arg10[%add3A_18, %dma_wait3A_23] : memref<10240x32xf32, #tpu.memory_space<vmem_shared>> -> memref<640x32xf32, #tpu.memory_space<vmem_shared>>
      tpu.wait_dma2 semaphore(%run_scoped3A : memref<!tpu.dma_semaphore, #tpu.memory_space<semaphore_mem>>) src(%dma_wait3A_24 : memref<640x32xf32, #tpu.memory_space<vmem_shared>>) dst(%arg9 : memref<640x32xf32, #tpu.memory_space<vmem>>)
      tpu.yield
    }) : () -> ()
    "tpu.region"() ({
      %run_scoped3A = tpu.sem_alloc : memref<!tpu.dma_semaphore, #tpu.memory_space<semaphore_mem>>
      %dma_start3A = arith.constant 0 : i32
      %dma_start3A_19 = arith.constant 0 : i32
      %dma_start3A_20 = tpu.memref_slice %arg5[%arg0, %dma_start3A, %dma_start3A_19] : memref<2x10240x32xf32, #tpu.memory_space<hbm>> -> memref<1x10240x32xf32, #tpu.memory_space<hbm>>
      %dma_start3A_21 = tpu.memref_squeeze %dma_start3A_20 : memref<1x10240x32xf32, #tpu.memory_space<hbm>> -> memref<10240x32xf32, #tpu.memory_space<hbm>>
      %dma_start3A_22 = arith.constant 0 : i32
      %dma_start3A_23 = tpu.memref_slice %dma_start3A_21[%add3A_18, %dma_start3A_22] : memref<10240x32xf32, #tpu.memory_space<hbm>> -> memref<640x32xf32, #tpu.memory_space<hbm>>
      %dma_start3A_24 = arith.constant 0 : i32
      %dma_start3A_25 = arith.constant 0 : i32
      %dma_start3A_26 = tpu.memref_slice %arg5[%arg0, %dma_start3A_24, %dma_start3A_25] : memref<2x10240x32xf32, #tpu.memory_space<hbm>> -> memref<1x10240x32xf32, #tpu.memory_space<hbm>>
      %dma_start3A_27 = tpu.memref_squeeze %dma_start3A_26 : memref<1x10240x32xf32, #tpu.memory_space<hbm>> -> memref<10240x32xf32, #tpu.memory_space<hbm>>
      %dma_start3A_28 = arith.constant 0 : i32
      %dma_start3A_29 = tpu.memref_slice %dma_start3A_27[%add3A_18, %dma_start3A_28] : memref<10240x32xf32, #tpu.memory_space<hbm>> -> memref<640x32xf32, #tpu.memory_space<hbm>>
      tpu.enqueue_dma source(%arg9 : memref<640x32xf32, #tpu.memory_space<vmem>>) target(%dma_start3A_29 : memref<640x32xf32, #tpu.memory_space<hbm>>) target_semaphore(%run_scoped3A : memref<!tpu.dma_semaphore, #tpu.memory_space<semaphore_mem>>)
      %dma_wait3A = arith.constant 0 : i32
      %dma_wait3A_30 = arith.constant 0 : i32
      %dma_wait3A_31 = tpu.memref_slice %arg5[%arg0, %dma_wait3A, %dma_wait3A_30] : memref<2x10240x32xf32, #tpu.memory_space<hbm>> -> memref<1x10240x32xf32, #tpu.memory_space<hbm>>
      %dma_wait3A_32 = tpu.memref_squeeze %dma_wait3A_31 : memref<1x10240x32xf32, #tpu.memory_space<hbm>> -> memref<10240x32xf32, #tpu.memory_space<hbm>>
      %dma_wait3A_33 = arith.constant 0 : i32
      %dma_wait3A_34 = tpu.memref_slice %dma_wait3A_32[%add3A_18, %dma_wait3A_33] : memref<10240x32xf32, #tpu.memory_space<hbm>> -> memref<640x32xf32, #tpu.memory_space<hbm>>
      %dma_wait3A_35 = arith.constant 0 : i32
      %dma_wait3A_36 = arith.constant 0 : i32
      %dma_wait3A_37 = tpu.memref_slice %arg5[%arg0, %dma_wait3A_35, %dma_wait3A_36] : memref<2x10240x32xf32, #tpu.memory_space<hbm>> -> memref<1x10240x32xf32, #tpu.memory_space<hbm>>
      %dma_wait3A_38 = tpu.memref_squeeze %dma_wait3A_37 : memref<1x10240x32xf32, #tpu.memory_space<hbm>> -> memref<10240x32xf32, #tpu.memory_space<hbm>>
      %dma_wait3A_39 = arith.constant 0 : i32
      %dma_wait3A_40 = tpu.memref_slice %dma_wait3A_38[%add3A_18, %dma_wait3A_39] : memref<10240x32xf32, #tpu.memory_space<hbm>> -> memref<640x32xf32, #tpu.memory_space<hbm>>
      tpu.wait_dma2 semaphore(%run_scoped3A : memref<!tpu.dma_semaphore, #tpu.memory_space<semaphore_mem>>) src(%arg9 : memref<640x32xf32, #tpu.memory_space<vmem>>) dst(%dma_wait3A_40 : memref<640x32xf32, #tpu.memory_space<hbm>>)
      tpu.yield
    }) : () -> ()
    return
  }
}

module attributes {stable_mosaic.version = 14 : i64} {
  func.func @body(%arg0: i32, %arg1: memref<2x1024x1xf32, #tpu.memory_space<vmem>>, %arg2: memref<1024x128xf32, #tpu.memory_space<vmem>>, %arg3: memref<1024x1xf32, #tpu.memory_space<vmem>>, %arg4: memref<2x1024x64xf32, #tpu.memory_space<vmem>>) attributes {dimension_semantics = [#tpu.dimension_semantics<arbitrary>], iteration_bounds = array<i64: 10>, scalar_prefetch = 0 : i64, scratch_operands = 0 : i64, tpu.core_type = #tpu.core_type<tc>, window_params = [{transform_indices = @transform_0, window_bounds = array<i64: 2, 1024, 1>}, {transform_indices = @transform_1, window_bounds = array<i64: 1024, 128>}, {transform_indices = @transform_2, window_bounds = array<i64: 1024, 1>}, {transform_indices = @transform_3, window_bounds = array<i64: 2, 1024, 64>}]} {
    %get3A = arith.constant 0 : index
    %get3A_0 = arith.constant 0 : index
    %get3A_1 = arith.constant 0 : index
    %get3A_2 = vector.load %arg1[%get3A, %get3A_0, %get3A_1] : memref<2x1024x1xf32, #tpu.memory_space<vmem>>, vector<2x1024x1xf32>
    %slice3A = vector.extract_strided_slice %get3A_2 {offsets = [0, 0, 0], sizes = [1, 1024, 1], strides = [1, 1, 1]} : vector<2x1024x1xf32> to vector<1x1024x1xf32>
    %squeeze3A = vector.shape_cast %slice3A : vector<1x1024x1xf32> to vector<1024x1xf32>
    %slice3A_3 = vector.extract_strided_slice %get3A_2 {offsets = [1, 0, 0], sizes = [1, 1024, 1], strides = [1, 1, 1]} : vector<2x1024x1xf32> to vector<1x1024x1xf32>
    %squeeze3A_4 = vector.shape_cast %slice3A_3 : vector<1x1024x1xf32> to vector<1024x1xf32>
    %add3A = arith.addf %squeeze3A, %squeeze3A_4 : vector<1024x1xf32>
    %add3A_5 = arith.constant 1.000000e+00 : f32
    %add3A_6 = vector.broadcast %add3A_5 : f32 to vector<1024x1xf32>
    %add3A_7 = arith.addf %add3A, %add3A_6 : vector<1024x1xf32>
    %rsqrt3A = math.rsqrt %add3A_7 : vector<1024x1xf32>
    %swap3A = arith.constant 0 : index
    %swap3A_8 = arith.constant 0 : index
    %swap3A_9 = vector.load %arg3[%swap3A, %swap3A_8] : memref<1024x1xf32, #tpu.memory_space<vmem>>, vector<1024x1xf32>
    tpu.vector_store %arg3[%swap3A, %swap3A_8], %rsqrt3A {strides = array<i32>} : memref<1024x1xf32, #tpu.memory_space<vmem>>, vector<1024x1xf32>,
    %get3A_10 = arith.constant 0 : index
    %get3A_11 = arith.constant 0 : index
    %get3A_12 = vector.load %arg2[%get3A_10, %get3A_11] : memref<1024x128xf32, #tpu.memory_space<vmem>>, vector<1024x128xf32>
    %mul3A = vector.broadcast %rsqrt3A : vector<1024x1xf32> to vector<1024x128xf32>
    %mul3A_13 = arith.mulf %mul3A, %get3A_12 : vector<1024x128xf32>
    %slice3A_14 = vector.extract_strided_slice %mul3A_13 {offsets = [0, 0], sizes = [1024, 64], strides = [1, 1]} : vector<1024x128xf32> to vector<1024x64xf32>
    %slice3A_15 = vector.extract_strided_slice %mul3A_13 {offsets = [0, 64], sizes = [1024, 64], strides = [1, 1]} : vector<1024x128xf32> to vector<1024x64xf32>
    %stack3A = vector.shape_cast %slice3A_14 : vector<1024x64xf32> to vector<1x1024x64xf32>
    %stack3A_16 = vector.shape_cast %slice3A_15 : vector<1024x64xf32> to vector<1x1024x64xf32>
    %stack3A_17 = tpu.concatenate %stack3A, %stack3A_16 in 0 : vector<1x1024x64xf32>, vector<1x1024x64xf32> -> vector<2x1024x64xf32>
    %swap3A_18 = arith.constant 0 : index
    %swap3A_19 = arith.constant 0 : index
    %swap3A_20 = arith.constant 0 : index
    %swap3A_21 = vector.load %arg4[%swap3A_18, %swap3A_19, %swap3A_20] : memref<2x1024x64xf32, #tpu.memory_space<vmem>>, vector<2x1024x64xf32>
    tpu.vector_store %arg4[%swap3A_18, %swap3A_19, %swap3A_20], %stack3A_17 {strides = array<i32>} : memref<2x1024x64xf32, #tpu.memory_space<vmem>>, vector<2x1024x64xf32>,
    return
  }
  func.func @transform_0(%arg0: i32) -> (i32, i32, i32) {
    %c0_i32 = arith.constant 0 : i32
    %c0_i32_0 = arith.constant 0 : i32
    %c0_i32_1 = arith.constant 0 : i32
    return %c0_i32, %arg0, %c0_i32_0 : i32, i32, i32
  }
  func.func @transform_1(%arg0: i32) -> (i32, i32) {
    %c0_i32 = arith.constant 0 : i32
    %c0_i32_0 = arith.constant 0 : i32
    return %arg0, %c0_i32 : i32, i32
  }
  func.func @transform_2(%arg0: i32) -> (i32, i32) {
    %c0_i32 = arith.constant 0 : i32
    %c0_i32_0 = arith.constant 0 : i32
    return %arg0, %c0_i32 : i32, i32
  }
  func.func @transform_3(%arg0: i32) -> (i32, i32, i32) {
    %c0_i32 = arith.constant 0 : i32
    %c0_i32_0 = arith.constant 0 : i32
    %c0_i32_1 = arith.constant 0 : i32
    return %c0_i32, %arg0, %c0_i32_0 : i32, i32, i32
  }
}

module attributes {stable_mosaic.version = 14 : i64} {
  func.func @body(%arg0: i32, %arg1: memref<2x1024x64xf32, #tpu.memory_space<vmem>>, %arg2: memref<1024x128xf32, #tpu.memory_space<vmem>>, %arg3: memref<1024x1xf32, #tpu.memory_space<vmem>>, %arg4: memref<128x256xf32, #tpu.memory_space<vmem>>, %arg5: memref<1x256xf32, #tpu.memory_space<vmem>>, %arg6: memref<256x64xf32, #tpu.memory_space<vmem>>, %arg7: memref<2x1024x32xf32, #tpu.memory_space<vmem>>) attributes {dimension_semantics = [#tpu.dimension_semantics<arbitrary>], iteration_bounds = array<i64: 10>, scalar_prefetch = 0 : i64, scratch_operands = 0 : i64, tpu.core_type = #tpu.core_type<tc>, window_params = [{transform_indices = @transform_0, window_bounds = array<i64: 2, 1024, 64>}, {transform_indices = @transform_1, window_bounds = array<i64: 1024, 128>}, {transform_indices = @transform_2, window_bounds = array<i64: 1024, 1>}, {pipeline_mode = #tpu.pipeline_mode<synchronous>, transform_indices = @transform_3, window_bounds = array<i64: 128, 256>}, {pipeline_mode = #tpu.pipeline_mode<synchronous>, transform_indices = @transform_4, window_bounds = array<i64: 1, 256>}, {pipeline_mode = #tpu.pipeline_mode<synchronous>, transform_indices = @transform_5, window_bounds = array<i64: 256, 64>}, {transform_indices = @transform_6, window_bounds = array<i64: 2, 1024, 32>}]} {
    %get3A = arith.constant 0 : index
    %get3A_0 = arith.constant 0 : index
    %get3A_1 = vector.load %arg3[%get3A, %get3A_0] : memref<1024x1xf32, #tpu.memory_space<vmem>>, vector<1024x1xf32>
    %get3A_2 = arith.constant 0 : index
    %get3A_3 = arith.constant 0 : index
    %get3A_4 = arith.constant 0 : index
    %get3A_5 = vector.load %arg1[%get3A_2, %get3A_3, %get3A_4] : memref<2x1024x64xf32, #tpu.memory_space<vmem>>, vector<1x1024x64xf32>
    %get3A_6 = vector.shape_cast %get3A_5 : vector<1x1024x64xf32> to vector<1024x64xf32>
    %get3A_7 = arith.constant 1 : index
    %get3A_8 = arith.constant 0 : index
    %get3A_9 = arith.constant 0 : index
    %get3A_10 = vector.load %arg1[%get3A_7, %get3A_8, %get3A_9] : memref<2x1024x64xf32, #tpu.memory_space<vmem>>, vector<1x1024x64xf32>
    %get3A_11 = vector.shape_cast %get3A_10 : vector<1x1024x64xf32> to vector<1024x64xf32>
    %concatenate3A = tpu.concatenate %get3A_6, %get3A_11 in 1 : vector<1024x64xf32>, vector<1024x64xf32> -> vector<1024x128xf32>
    %mul3A = vector.broadcast %get3A_1 : vector<1024x1xf32> to vector<1024x128xf32>
    %mul3A_12 = arith.mulf %mul3A, %concatenate3A : vector<1024x128xf32>
    %mul3A_13 = arith.mulf %get3A_1, %get3A_1 : vector<1024x1xf32>
    %get3A_14 = arith.constant 0 : index
    %get3A_15 = arith.constant 0 : index
    %get3A_16 = vector.load %arg2[%get3A_14, %get3A_15] : memref<1024x128xf32, #tpu.memory_space<vmem>>, vector<1024x128xf32>
    %mul3A_17 = vector.broadcast %mul3A_13 : vector<1024x1xf32> to vector<1024x128xf32>
    %mul3A_18 = arith.mulf %mul3A_17, %get3A_16 : vector<1024x128xf32>
    %add3A = arith.addf %mul3A_12, %mul3A_18 : vector<1024x128xf32>
    %get3A_19 = arith.constant 0 : index
    %get3A_20 = arith.constant 0 : index
    %get3A_21 = vector.load %arg4[%get3A_19, %get3A_20] : memref<128x256xf32, #tpu.memory_space<vmem>>, vector<128x256xf32>
    %dot_general3A = arith.constant dense<0.000000e+00> : vector<1024x256xf32>
    %dot_general3A_22 = tpu.matmul %add3A, %get3A_21, %dot_general3A {dimension_numbers = #tpu.dot_dimension_numbers<[1], [0], [0], [1], [0, 0, 1, 1], [], []>, transpose_lhs_hint = false} : vector<1024x128xf32>, vector<128x256xf32>, vector<1024x256xf32> -> vector<1024x256xf32>
    %get3A_23 = arith.constant 0 : index
    %get3A_24 = arith.constant 0 : index
    %get3A_25 = vector.load %arg5[%get3A_23, %get3A_24] : memref<1x256xf32, #tpu.memory_space<vmem>>, vector<1x256xf32>
    %add3A_26 = vector.broadcast %get3A_25 : vector<1x256xf32> to vector<1024x256xf32>
    %add3A_27 = arith.addf %dot_general3A_22, %add3A_26 : vector<1024x256xf32>
    %max3A = arith.constant 0.000000e+00 : f32
    %max3A_28 = vector.broadcast %max3A : f32 to vector<1024x256xf32>
    %max3A_29 = arith.maximumf %add3A_27, %max3A_28 : vector<1024x256xf32>
    %get3A_30 = arith.constant 0 : index
    %get3A_31 = arith.constant 0 : index
    %get3A_32 = vector.load %arg6[%get3A_30, %get3A_31] : memref<256x64xf32, #tpu.memory_space<vmem>>, vector<256x64xf32>
    %dot_general3A_33 = arith.constant dense<0.000000e+00> : vector<1024x64xf32>
    %dot_general3A_34 = tpu.matmul %max3A_29, %get3A_32, %dot_general3A_33 {dimension_numbers = #tpu.dot_dimension_numbers<[1], [0], [0], [1], [0, 0, 1, 1], [], []>, transpose_lhs_hint = false} : vector<1024x256xf32>, vector<256x64xf32>, vector<1024x64xf32> -> vector<1024x64xf32>
    %mul3A_35 = vector.broadcast %get3A_1 : vector<1024x1xf32> to vector<1024x64xf32>
    %mul3A_36 = arith.mulf %mul3A_35, %dot_general3A_34 : vector<1024x64xf32>
    %slice3A = vector.extract_strided_slice %mul3A_36 {offsets = [0, 0], sizes = [1024, 32], strides = [1, 1]} : vector<1024x64xf32> to vector<1024x32xf32>
    %slice3A_37 = vector.extract_strided_slice %mul3A_36 {offsets = [0, 32], sizes = [1024, 32], strides = [1, 1]} : vector<1024x64xf32> to vector<1024x32xf32>
    %stack3A = vector.shape_cast %slice3A : vector<1024x32xf32> to vector<1x1024x32xf32>
    %stack3A_38 = vector.shape_cast %slice3A_37 : vector<1024x32xf32> to vector<1x1024x32xf32>
    %stack3A_39 = tpu.concatenate %stack3A, %stack3A_38 in 0 : vector<1x1024x32xf32>, vector<1x1024x32xf32> -> vector<2x1024x32xf32>
    %swap3A = arith.constant 0 : index
    %swap3A_40 = arith.constant 0 : index
    %swap3A_41 = arith.constant 0 : index
    %swap3A_42 = vector.load %arg7[%swap3A, %swap3A_40, %swap3A_41] : memref<2x1024x32xf32, #tpu.memory_space<vmem>>, vector<2x1024x32xf32>
    tpu.vector_store %arg7[%swap3A, %swap3A_40, %swap3A_41], %stack3A_39 {strides = array<i32>} : memref<2x1024x32xf32, #tpu.memory_space<vmem>>, vector<2x1024x32xf32>,
    return
  }
  func.func @transform_0(%arg0: i32) -> (i32, i32, i32) {
    %c0_i32 = arith.constant 0 : i32
    %c0_i32_0 = arith.constant 0 : i32
    %c0_i32_1 = arith.constant 0 : i32
    return %c0_i32, %arg0, %c0_i32_0 : i32, i32, i32
  }
  func.func @transform_1(%arg0: i32) -> (i32, i32) {
    %c0_i32 = arith.constant 0 : i32
    %c0_i32_0 = arith.constant 0 : i32
    return %arg0, %c0_i32 : i32, i32
  }
  func.func @transform_2(%arg0: i32) -> (i32, i32) {
    %c0_i32 = arith.constant 0 : i32
    %c0_i32_0 = arith.constant 0 : i32
    return %arg0, %c0_i32 : i32, i32
  }
  func.func @transform_3(%arg0: i32) -> (i32, i32) {
    %c0_i32 = arith.constant 0 : i32
    %c0_i32_0 = arith.constant 0 : i32
    %c0_i32_1 = arith.constant 0 : i32
    return %c0_i32, %c0_i32_0 : i32, i32
  }
  func.func @transform_4(%arg0: i32) -> (i32, i32) {
    %c0_i32 = arith.constant 0 : i32
    %c0_i32_0 = arith.constant 0 : i32
    %c0_i32_1 = arith.constant 0 : i32
    return %c0_i32, %c0_i32_0 : i32, i32
  }
  func.func @transform_5(%arg0: i32) -> (i32, i32) {
    %c0_i32 = arith.constant 0 : i32
    %c0_i32_0 = arith.constant 0 : i32
    %c0_i32_1 = arith.constant 0 : i32
    return %c0_i32, %c0_i32_0 : i32, i32
  }
  func.func @transform_6(%arg0: i32) -> (i32, i32, i32) {
    %c0_i32 = arith.constant 0 : i32
    %c0_i32_0 = arith.constant 0 : i32
    %c0_i32_1 = arith.constant 0 : i32
    return %c0_i32, %arg0, %c0_i32_0 : i32, i32, i32
  }
}

module attributes {stable_mosaic.version = 14 : i64} {
  func.func @body(%arg0: i32, %arg1: memref<2x1024x32xf32, #tpu.memory_space<vmem>>, %arg2: memref<2x1024x32xf32, #tpu.memory_space<vmem>>, %arg3: memref<1024x1xf32, #tpu.memory_space<vmem>>, %arg4: memref<1x64xf32, #tpu.memory_space<vmem>>, %arg5: memref<1x64xf32, #tpu.memory_space<vmem>>, %arg6: memref<1024x1xf32, #tpu.memory_space<vmem>>) attributes {dimension_semantics = [#tpu.dimension_semantics<arbitrary>], iteration_bounds = array<i64: 10>, scalar_prefetch = 0 : i64, scratch_operands = 0 : i64, tpu.core_type = #tpu.core_type<tc>, window_params = [{transform_indices = @transform_0, window_bounds = array<i64: 2, 1024, 32>}, {transform_indices = @transform_1, window_bounds = array<i64: 2, 1024, 32>}, {transform_indices = @transform_2, window_bounds = array<i64: 1024, 1>}, {pipeline_mode = #tpu.pipeline_mode<synchronous>, transform_indices = @transform_3, window_bounds = array<i64: 1, 64>}, {pipeline_mode = #tpu.pipeline_mode<synchronous>, transform_indices = @transform_4, window_bounds = array<i64: 1, 64>}, {transform_indices = @transform_5, window_bounds = array<i64: 1024, 1>}]} {
    %get3A = arith.constant 0 : index
    %get3A_0 = arith.constant 0 : index
    %get3A_1 = vector.load %arg3[%get3A, %get3A_0] : memref<1024x1xf32, #tpu.memory_space<vmem>>, vector<1024x1xf32>
    %get3A_2 = arith.constant 0 : index
    %get3A_3 = arith.constant 0 : index
    %get3A_4 = arith.constant 0 : index
    %get3A_5 = vector.load %arg1[%get3A_2, %get3A_3, %get3A_4] : memref<2x1024x32xf32, #tpu.memory_space<vmem>>, vector<1x1024x32xf32>
    %get3A_6 = vector.shape_cast %get3A_5 : vector<1x1024x32xf32> to vector<1024x32xf32>
    %get3A_7 = arith.constant 0 : index
    %get3A_8 = arith.constant 0 : index
    %get3A_9 = arith.constant 0 : index
    %get3A_10 = vector.load %arg2[%get3A_7, %get3A_8, %get3A_9] : memref<2x1024x32xf32, #tpu.memory_space<vmem>>, vector<1x1024x32xf32>
    %get3A_11 = vector.shape_cast %get3A_10 : vector<1x1024x32xf32> to vector<1024x32xf32>
    %add3A = arith.addf %get3A_6, %get3A_11 : vector<1024x32xf32>
    %get3A_12 = arith.constant 1 : index
    %get3A_13 = arith.constant 0 : index
    %get3A_14 = arith.constant 0 : index
    %get3A_15 = vector.load %arg1[%get3A_12, %get3A_13, %get3A_14] : memref<2x1024x32xf32, #tpu.memory_space<vmem>>, vector<1x1024x32xf32>
    %get3A_16 = vector.shape_cast %get3A_15 : vector<1x1024x32xf32> to vector<1024x32xf32>
    %get3A_17 = arith.constant 1 : index
    %get3A_18 = arith.constant 0 : index
    %get3A_19 = arith.constant 0 : index
    %get3A_20 = vector.load %arg2[%get3A_17, %get3A_18, %get3A_19] : memref<2x1024x32xf32, #tpu.memory_space<vmem>>, vector<1x1024x32xf32>
    %get3A_21 = vector.shape_cast %get3A_20 : vector<1x1024x32xf32> to vector<1024x32xf32>
    %add3A_22 = arith.addf %get3A_16, %get3A_21 : vector<1024x32xf32>
    %concatenate3A = tpu.concatenate %add3A, %add3A_22 in 1 : vector<1024x32xf32>, vector<1024x32xf32> -> vector<1024x64xf32>
    %mul3A = vector.broadcast %get3A_1 : vector<1024x1xf32> to vector<1024x64xf32>
    %mul3A_23 = arith.mulf %mul3A, %concatenate3A : vector<1024x64xf32>
    %get3A_24 = arith.constant 0 : index
    %get3A_25 = arith.constant 0 : index
    %get3A_26 = vector.load %arg4[%get3A_24, %get3A_25] : memref<1x64xf32, #tpu.memory_space<vmem>>, vector<1x64xf32>
    %add3A_27 = vector.broadcast %get3A_26 : vector<1x64xf32> to vector<1024x64xf32>
    %add3A_28 = arith.addf %mul3A_23, %add3A_27 : vector<1024x64xf32>
    %max3A = arith.constant 0.000000e+00 : f32
    %max3A_29 = vector.broadcast %max3A : f32 to vector<1024x64xf32>
    %max3A_30 = arith.maximumf %add3A_28, %max3A_29 : vector<1024x64xf32>
    %get3A_31 = arith.constant 0 : index
    %get3A_32 = arith.constant 0 : index
    %get3A_33 = vector.load %arg5[%get3A_31, %get3A_32] : memref<1x64xf32, #tpu.memory_space<vmem>>, vector<1x64xf32>
    %mul3A_34 = vector.broadcast %get3A_33 : vector<1x64xf32> to vector<1024x64xf32>
    %mul3A_35 = arith.mulf %max3A_30, %mul3A_34 : vector<1024x64xf32>
    %reduce_sum3A = arith.constant dense<0.000000e+00> : vector<1024xf32>
    %reduce_sum3A_36 = vector.multi_reduction <add>, %mul3A_35, %reduce_sum3A [1] : vector<1024x64xf32> to vector<1024xf32>
    %broadcast_in_dim3A = vector.shape_cast %reduce_sum3A_36 : vector<1024xf32> to vector<1024x1xf32>
    %mul3A_37 = arith.mulf %get3A_1, %broadcast_in_dim3A : vector<1024x1xf32>
    %swap3A = arith.constant 0 : index
    %swap3A_38 = arith.constant 0 : index
    %swap3A_39 = vector.load %arg6[%swap3A, %swap3A_38] : memref<1024x1xf32, #tpu.memory_space<vmem>>, vector<1024x1xf32>
    tpu.vector_store %arg6[%swap3A, %swap3A_38], %mul3A_37 {strides = array<i32>} : memref<1024x1xf32, #tpu.memory_space<vmem>>, vector<1024x1xf32>,
    return
  }
  func.func @transform_0(%arg0: i32) -> (i32, i32, i32) {
    %c0_i32 = arith.constant 0 : i32
    %c0_i32_0 = arith.constant 0 : i32
    %c0_i32_1 = arith.constant 0 : i32
    return %c0_i32, %arg0, %c0_i32_0 : i32, i32, i32
  }
  func.func @transform_1(%arg0: i32) -> (i32, i32, i32) {
    %c0_i32 = arith.constant 0 : i32
    %c0_i32_0 = arith.constant 0 : i32
    %c0_i32_1 = arith.constant 0 : i32
    return %c0_i32, %arg0, %c0_i32_0 : i32, i32, i32
  }
  func.func @transform_2(%arg0: i32) -> (i32, i32) {
    %c0_i32 = arith.constant 0 : i32
    %c0_i32_0 = arith.constant 0 : i32
    return %arg0, %c0_i32 : i32, i32
  }
  func.func @transform_3(%arg0: i32) -> (i32, i32) {
    %c0_i32 = arith.constant 0 : i32
    %c0_i32_0 = arith.constant 0 : i32
    %c0_i32_1 = arith.constant 0 : i32
    return %c0_i32, %c0_i32_0 : i32, i32
  }
  func.func @transform_4(%arg0: i32) -> (i32, i32) {
    %c0_i32 = arith.constant 0 : i32
    %c0_i32_0 = arith.constant 0 : i32
    %c0_i32_1 = arith.constant 0 : i32
    return %c0_i32, %c0_i32_0 : i32, i32
  }
  func.func @transform_5(%arg0: i32) -> (i32, i32) {
    %c0_i32 = arith.constant 0 : i32
    %c0_i32_0 = arith.constant 0 : i32
    return %arg0, %c0_i32 : i32, i32
  }
}

module attributes {stable_mosaic.version = 14 : i64} {
  func.func @body(%arg0: memref<2x80x128xf32, #tpu.memory_space<vmem>>, %arg1: memref<80x128xf32, #tpu.memory_space<vmem>>, %arg2: memref<80x128xf32, #tpu.memory_space<vmem>>, %arg3: memref<1x1xf32, #tpu.memory_space<vmem>>, %arg4: memref<80x128xf32, #tpu.memory_space<vmem>>) attributes {dimension_semantics = [], scalar_prefetch = 0 : i64, scratch_operands = 0 : i64, tpu.core_type = #tpu.core_type<tc>} {
    %get3A = arith.constant 0 : index
    %get3A_0 = arith.constant 0 : index
    %get3A_1 = vector.load %arg2[%get3A, %get3A_0] : memref<80x128xf32, #tpu.memory_space<vmem>>, vector<80x128xf32>
    %get3A_2 = arith.constant 0 : index
    %get3A_3 = arith.constant 0 : index
    %get3A_4 = arith.constant 0 : index
    %get3A_5 = vector.load %arg0[%get3A_2, %get3A_3, %get3A_4] : memref<2x80x128xf32, #tpu.memory_space<vmem>>, vector<1x80x128xf32>
    %get3A_6 = vector.shape_cast %get3A_5 : vector<1x80x128xf32> to vector<80x128xf32>
    %get3A_7 = arith.constant 1 : index
    %get3A_8 = arith.constant 0 : index
    %get3A_9 = arith.constant 0 : index
    %get3A_10 = vector.load %arg0[%get3A_7, %get3A_8, %get3A_9] : memref<2x80x128xf32, #tpu.memory_space<vmem>>, vector<1x80x128xf32>
    %get3A_11 = vector.shape_cast %get3A_10 : vector<1x80x128xf32> to vector<80x128xf32>
    %add3A = arith.addf %get3A_6, %get3A_11 : vector<80x128xf32>
    %get3A_12 = arith.constant 0 : index
    %get3A_13 = arith.constant 0 : index
    %get3A_14 = vector.load %arg1[%get3A_12, %get3A_13] : memref<80x128xf32, #tpu.memory_space<vmem>>, vector<80x128xf32>
    %add3A_15 = arith.addf %add3A, %get3A_14 : vector<80x128xf32>
    %mul3A = arith.mulf %get3A_1, %add3A_15 : vector<80x128xf32>
    %get3A_16 = arith.constant 0 : index
    %get3A_17 = arith.constant 0 : index
    %get3A_18 = vector.load %arg3[%get3A_16, %get3A_17] : memref<1x1xf32, #tpu.memory_space<vmem>>, vector<1x1xf32>
    %get3A_19 = vector.extract %get3A_18[0, 0] : f32 from vector<1x1xf32>
    %add3A_20 = vector.broadcast %get3A_19 : f32 to vector<80x128xf32>
    %add3A_21 = arith.addf %mul3A, %add3A_20 : vector<80x128xf32>
    %swap3A = arith.constant 0 : index
    %swap3A_22 = arith.constant 0 : index
    %swap3A_23 = vector.load %arg4[%swap3A, %swap3A_22] : memref<80x128xf32, #tpu.memory_space<vmem>>, vector<80x128xf32>
    tpu.vector_store %arg4[%swap3A, %swap3A_22], %add3A_21 {strides = array<i32>} : memref<80x128xf32, #tpu.memory_space<vmem>>, vector<80x128xf32>,
    return
  }
}

</mosaic_0001>

<sc_bundles>
// kernel: kernel.10.cloned.1.call-start
scs
__scs_entry_jumppad:
0x0: {  	(pc) =	sbr.rel $0x88, $3  }
0x1: {  	(tag) =	ssettag $0x0;
	lr =	simm.s32 $0x1  }
0x2: {  	[smem:$0x3F99] =	sst lr;
	_ =	strace $0xD0000000  }
0x3: {  	_ = 	snop  }
0x4: {  	_ = 	snop  }
0x5: {  	_ = 	snop  }
0x6: {  	_ = 	snop  }
0x7: {  	_ = 	snop  }
__scs_overlays_trampoline_lowered:
0x8: {  	[smem:$0x3FA8] =	sst s0  }
0x9: {  	[smem:$0x3FA9] =	sst s1  }
0xa: {  	[smem:$0x3FAA] =	sst s2  }
0xb: {  	[smem:$0x3FAB] =	sst s3  }
0xc: {  	[smem:$0x3FAC] =	sst s4  }
0xd: {  	[smem:$0x3FAD] =	sst s5  }
0xe: {  	[smem:$0x3FAE] =	sst s6  }
0xf: {  	[smem:$0x3FAF] =	sst s7  }
0x10: {  	[smem:$0x3FB0] =	sst s8  }
0x11: {  	[smem:$0x3FB1] =	sst s9;
	s0 =	simm.s32 @!p0 $0x0  }
0x12: {  	s1 =	sld [smem:$0x3F97];
	s0 =	simm.s32 @p0 $0x1  }
0x13: {  	[smem:$0x3FB2] =	sst s0;
	s0 =	simm.s32 @!p1 $0x0  }
0x14: {  	s2 =	sld [smem:$0x3F96];
	s0 =	simm.s32 @p1 $0x1  }
0x15: {  	[smem:$0x3FB3] =	sst s0;
	s0 =	simm.s32 @!p2 $0x0  }
0x16: {  	s3 =	sld [smem:$0x3FDB];
	s0 =	simm.s32 @p2 $0x1  }
0x17: {  	s4 =	simm.s32 $0x1BF5;
	[smem:$0x3FB5] =	sst s0  }
0x18: {  	s0 =	sld [smem:$0x3F98];
	_ =	swait.ge [sflag:s4], $0x0  }
0x19: {  	s7 =	sld [smem:$0x3F99]  }
0x1a: {  	s8 =	sadd.s32 $0xFFFFE003, lr  }
0x1b: {  	s9 =	sadd.s32 $0xFFFFFEF7, lr;
	s5 =	simm.s32 $0xFFFFFFFF;
	p2 =	slt.u32 s8, $0xFFFFF086  }
0x1c: {  	p1 =	slt.u32 s9, $0xF7A;
	s5 =	simm.s32 @!p2 $0x0  }
0x1d: {  	s5 =	simm.s32 @p1 $0x1;
	p0 =	seq.s32 s7, s2  }
0x1e: {  	s7 =	smul.u32 @!p0 $0xF7A, s2;
	p2 =	seq.s32 @!p0 s5, $0x0  }
0x1f: {  	s9 =	smul.u32 $0xF7A, s1;
	s8 =	simm.s32 @!p0 $0x1BF5;
	p2 =	por !p2, p0  }
0x20: {  	[sflag:s8] =	ssyncset.s32 @!p0 $0xFFFFF086;
	s6 =	sadd.s32 @!p0 s3, s7;
	s7 =	simm.s32 @!p0 $0x108  }
0x21: {  	s3 =	sadd.s32 s3, s9;
	s6 =	sadd.s32 @!p0 $0x88, s6;
	s7 =	simm.s32 @p2 $0x1082  }
0x22: {  	[simem:s7], [sflag:s8] =	dma.local @!p0 [hbm:s6], $0xF7A  }
0x23: {  	s9 =	sor.u32 $0xD0000000, s2;
	s6 =	simm.s32 $0x108;
	_ =	swait.ge @!p0 [sflag:s8], $0x0  }
0x24: {  	s3 =	sadd.s32 $0x88, s3;
	s6 =	simm.s32 @!p1 $0x1082;
	[sflag:s4] =	ssyncset.s32 $0xFFFFF086  }
0x25: {  	[simem:s6], [sflag:s4] =	dma.local [hbm:s3], $0xF7A  }
0x26: {  	[smem:$0x3F99] =	sst s1;
	(tag) =	ssettag s2;
	_ =	strace s9  }
0x27: {  	s1 =	sld [smem:$0x3FA9]  }
0x28: {  	s2 =	sld [smem:$0x3FAA]  }
0x29: {  	s4 =	sld [smem:$0x3FAC]  }
0x2a: {  	p0 =	seq.s32 s5, $0x0;
	s5 =	sld [smem:$0x3FAD]  }
0x2b: {  	s6 =	sld [smem:$0x3FAE]  }
0x2c: {  	s7 =	sld [smem:$0x3FAF]  }
0x2d: {  	s3 =	simm.s32 $0x108;
	s8 =	sld [smem:$0x3FB0]  }
0x2e: {  	s3 =	simm.s32 @!p0 $0x1082;
	s9 =	sld [smem:$0x3FB1]  }
0x2f: {  	lr =	sadd.s32 s0, s3;
	s0 =	sld [smem:$0x3FA8]  }
0x30: {  	s3 =	sld [smem:$0x3FAB]  }
0x31: {  	[smem:$0x3FB4] =	sst s10  }
0x32: {  	s10 =	sld [smem:$0x3FB2];
	_ =	sdelay $0x3  }
0x33: {  	p0 =	seq.s32 s10, $0x1;
	s10 =	sld [smem:$0x3FB4];
	_ =	sdelay $0x3  }
0x34: {  	[smem:$0x3FB4] =	sst s10  }
0x35: {  	s10 =	sld [smem:$0x3FB3];
	_ =	sdelay $0x3  }
0x36: {  	p1 =	seq.s32 s10, $0x1;
	s10 =	sld [smem:$0x3FB4];
	_ =	sdelay $0x3  }
0x37: {  	[smem:$0x3FB4] =	sst s10  }
0x38: {  	s10 =	sld [smem:$0x3FB5]  }
0x39: {  	_ = 	snop;
	(pc) =	sbr.ind lr, $3  }
0x3a: {  	_ = 	snop  }
0x3b: {  	_ = 	snop  }
0x3c: {  	p2 =	seq.s32 s10, $0x1;
	s10 =	sld [smem:$0x3FB4]  }
0x3d: {  	_ =	shalt  }
0x3e: {  	_ =	shalt  }
0x3f: {  	_ =	shalt  }
0x40: {  	_ =	shalt  }
0x41: {  	_ =	shalt  }
0x42: {  	_ =	shalt  }
0x43: {  	_ =	shalt  }
0x44: {  	_ =	shalt  }
0x45: {  	_ =	shalt  }
0x46: {  	_ =	shalt  }
0x47: {  	_ =	shalt  }
0x48: {  	_ =	shalt  }
0x49: {  	_ =	shalt  }
0x4a: {  	_ =	shalt  }
0x4b: {  	_ =	shalt  }
0x4c: {  	_ =	shalt  }
0x4d: {  	_ =	shalt  }
0x4e: {  	_ =	shalt  }
0x4f: {  	_ =	shalt  }
0x50: {  	_ =	shalt  }
0x51: {  	_ =	shalt  }
0x52: {  	_ =	shalt  }
0x53: {  	_ =	shalt  }
0x54: {  	_ =	shalt  }
0x55: {  	_ =	shalt  }
0x56: {  	_ =	shalt  }
0x57: {  	_ =	shalt  }
0x58: {  	_ =	shalt  }
0x59: {  	_ =	shalt  }
0x5a: {  	_ =	shalt  }
0x5b: {  	_ =	shalt  }
0x5c: {  	_ =	shalt  }
0x5d: {  	_ =	shalt  }
0x5e: {  	_ =	shalt  }
0x5f: {  	_ =	shalt  }
0x60: {  	_ =	shalt  }
0x61: {  	_ =	shalt  }
0x62: {  	_ =	shalt  }
0x63: {  	_ =	shalt  }
0x64: {  	_ =	shalt  }
0x65: {  	_ =	shalt  }
0x66: {  	_ =	shalt  }
0x67: {  	_ =	shalt  }
0x68: {  	_ =	shalt  }
0x69: {  	_ =	shalt  }
0x6a: {  	_ =	shalt  }
0x6b: {  	_ =	shalt  }
0x6c: {  	_ =	shalt  }
0x6d: {  	_ =	shalt  }
0x6e: {  	_ =	shalt  }
0x6f: {  	_ =	shalt  }
0x70: {  	_ =	shalt  }
0x71: {  	_ =	shalt  }
0x72: {  	_ =	shalt  }
0x73: {  	_ =	shalt  }
0x74: {  	_ =	shalt  }
0x75: {  	_ =	shalt  }
0x76: {  	_ =	shalt  }
0x77: {  	_ =	shalt  }
0x78: {  	_ =	shalt  }
0x79: {  	_ =	shalt  }
0x7a: {  	_ =	shalt  }
0x7b: {  	_ =	shalt  }
0x7c: {  	_ =	shalt  }
0x7d: {  	_ =	shalt  }
0x7e: {  	_ =	shalt  }
0x7f: {  	_ =	shalt  }
0x80: {  	_ =	shalt  }
0x81: {  	_ =	shalt  }
0x82: {  	_ =	shalt  }
0x83: {  	_ =	shalt  }
0x84: {  	_ =	shalt  }
0x85: {  	_ =	shalt  }
0x86: {  	_ =	shalt  }
0x87: {  	_ =	shalt  }
.Lfunc_end0:
.L_simem_size_0:
called_computation_lowered:
.L_overlay_start_0:
0x88: {  	s2 =	sld [smem:$0x3FD9]  }
0x89: {  	s3 =	sld [smem:$0x3FFE];
	_ =	sdelay $0x1  }
0x8a: {  	s1 =	srdreg.scid  }
0x8b: {  	s0 =	sand.u32 $0x1, s1  }
0x8c: {  	s16 =	sshll.u32 s0, $0xA;
	s2 =	sadd.s32 s3, s2  }
0x8d: {  	s2 =	sadd.s32 s2, s16  }
0x8e: {  	[smem:$0x3FC0] =	sst s2  }
0x8f: {  	_ = 	snop  }
0x90: {  	(tm) =	ssettm $0x1  }
0x91: {  	s17 =	sld [smem:$0x3FFB];
	_ =	sdelay $0x3  }
0x92: {  	_ =	strace s17  }
0x93: {  	s2 =	sld [smem:$0x3FFC];
	_ =	sdelay $0x3  }
0x94: {  	_ =	strace s2  }
0x95: {  	s2 =	sld [smem:$0x3FFD];
	_ =	sdelay $0x3  }
0x96: {  	_ =	strace s2  }
0x97: {  	_ =	strace $0x8FFFFFFF  }
0x98: {  	s18 =	sld [smem:$0x3FDB];
	_ =	sdelay $0x1  }
0x99: {  	s19 =	simm.s32 $_scs_section_size  }
0x9a: {  	s4 =	simm.s32 $_size__tile_overlayer_lowered;
	s5 =	simm.s32 $_tile_overlayer_lowered  }
0x9b: {  	s22 =	simm.s32 $0x1BFF;
	s21 =	sshll.u32 s5, $0x1;
	s2 =	sadd.s32 s19, s18  }
0x9c: {  	s6 =	simm.s32 $0x0;
	s20 =	sshll.u32 s4, $0x1;
	s4 =	sadd.s32 s21, s2  }
0x9d: {  	[timem:s6], [sflag:s22] =	dma.local [hbm:s4], s20  }
0x9e: {  	_ =	swait.ge [sflag:s22], s20  }
0x9f: {  	s3 =	ssub.s32 $0x0, s20;
	[sflag:s22] =	ssyncset.done $0x0  }
0xa0: {  	[sflag:s22] =	ssyncadd.s32 s3;
	_ =	sdelay $0x1  }
0xa1: {  	s23 =	simm.s32 $0x1B8B  }
0xa2: {  	_ =	swait.ge [sflag:s23], $0x1  }
0xa3: {  	[sflag:s23] =	ssyncset.done $0x0  }
0xa4: {  	s25 =	simm.s32 $0x1B8E;
	s24 =	sld [smem:$0x3FFE];
	[sflag:s23] =	ssyncadd.s32 $0xFFFFFFFF  }
0xa5: {  	s26 =	simm.s32 $execute0_lowered;
	[smem:$0x3FD2] =	sst s25  }
0xa6: {  	s4 =	sshll.u32 s26, $0x1;
	_ =	strace $0x80000046;
	[dreg:$0x1] =	wrdreg $0xFFFFFFFF  }
0xa7: {  	s28 =	simm.s32 $_size_execute0_lowered;
	s2 =	sadd.s32 s2, s4;
	[dreg:$0x0] =	wrdreg $0x0  }
0xa8: {  	s4 =	sshll.u32 s28, $0x1;
	[dreg:$0x2] =	wrdreg s2  }
0xa9: {  	[dreg:$0x3] =	wrdreg s4  }
0xaa: {  	[dreg:$0x4] =	wrdreg $0xC0  }
0xab: {  	_ =	task [dreg:s6], $0x5FFFF  }
0xac: {  	[dreg:$0x1] =	wrdreg $0xFFFFFFFF  }
0xad: {  	[dreg:$0x0] =	wrdreg $0x60  }
0xae: {  	[dreg:$0x2] =	wrdreg s24  }
0xaf: {  	[dreg:$0x3] =	wrdreg $0x2A800  }
0xb0: {  	[dreg:$0x4] =	wrdreg $0x9  }
0xb1: {  	_ =	task.clear_ibuf [dreg:s6], $0x5FFFF;
	_ =	strace $0x90000046  }
0xb2: {  	s29 =	simm.s32 $0x9;
	_ =	strace $0x80000048  }
0xb3: {  	_ =	swait.ge [sflag:s29], $0x1  }
0xb4: {  	[sflag:s29] =	ssyncadd.s32 $0xFFFFFFFF  }
0xb5: {  	_ =	strace $0x90000048  }
0xb6: {  	_ =	sfence  }
0xb7: {  	s30 =	sld [smem:$0x0];
	_ =	sdelay $0x2  }
0xb8: {  	s31 =	sshll.u32 s1, $0xD;
	s1 =	sshrl.u32 s1, $0x2  }
0xb9: {  	s3 =	sand.u32 $0x4000, s31;
	s1 =	sadd.s32 s1, s30  }
0xba: {  	s0 =	sor.u32 s3, s0;
	s1 =	sshll.u32 s1, $0x11  }
0xbb: {  	s0 =	sor.u32 s1, s0  }
0xbc: {  	s0 =	sadd.s32 $0x8F2B, s0  }
0xbd: {  	[sflag:s0] =	ssyncadd.remote.s32 $0x1  }
0xbe: {  	_ =	sfence.sel $0xFFFF  }
0xbf: {  	[dreg:$0x0] =	wrdreg $0xFFFFFFFF;
	(pc) =	sbr.abs _section_cstart, $3  }
0xc0: {  	[dreg:$0x1] =	wrdreg $0xFFFFFFFF  }
0xc1: {  	_ =	task.clear_ibuf [dreg:s6], $0x2FFFF;
	_ =	strace $0x9FFFFFFF  }
0xc2: {  	(tm) =	ssettm $0x7FFFFFFF  }
0xc3: {  	_ =	shalt  }
tec
execute0_lowered:
.L_overlay_start_1:
0x0: {  	(tag) =	ssettag $0x1  }
0x1: {  	s1 =	srdreg.scid  }
0x2: {  	s0 =	stileid.u32;
	s4 =	rddreg [dreg:$0x0]  }
0x3: {  	s2 =	rddreg [dreg:$0x1];
	s3 =	simm.s32 $0x0;
	s10 =	simm.s32 $0x2780  }
0x4: {  	s5 =	sand.u32 $0x1, s1;
	s30 =	sshll.u32 s0, $0x1;
	s1 =	rddreg [dreg:$0x2]  }
0x5: {  	[smem:$0x7FF] =	sst s3;
	s8 =	smul.u32 $0x280, s0;
	s6 =	sor.u32 s5, s30  }
0x6: {  	s7 =	smul.u32 $0x500, s5;
	_ =	strace $0x80000047;
	s5 =	ssub.s32 $0x2, s5  }
0x7: {  	s6 =	smul.u32 $0x4F0, s6;
	s31 =	sshrl.u32 s5, $0x1;
	s12 =	sshrl.u32 s8, $0x3  }
0x8: {  	s7 =	sadd.s32 s7, s4;
	s9 =	ssub.s32 s5, s31;
	s5 =	sadd.s32 s8, s2  }
0x9: {  	s8 =	simm.s32 $0x2800;
	s6 =	sadd.s32 s6, s4;
	s11 =	sadd.s32 $0x15A00, s7  }
0xa: {  	s7 =	simm.s32 $0x1;
	s4 =	sadd.s32 $0x1E00, s6;
	s6 =	smax.u32 s9, $0x1  }
0xb: {  	v0 =	vimm.f32 $1.000000000e+00;
	v1 =	vimm.f32 $0.0e+00;
	s9 =	simm.s32 $0x80;
	s11 =	sadd.s32 s12, s11;
	s12 =	simm.s32 $0x0  }
.LBB2_1:
0xc: {  	[tilespmem:s3], [sflag:$0x1] =	stream.linear.gather [hbm4b:s4+s3], $0x2780, $0x38;
	[tilespmem:$0x2D00] =	vst v63  }
0xd: {  	_ =	swait.ge [sflag:s7], $0x2780  }
0xe: {  	[sflag:s7] =	ssyncset.done $0x0  }
0xf: {  	[sflag:s7] =	ssyncadd.s32 $0xFFFFD880  }
0x10: {  	[tilespmem:$0x2780] =	vst v0  }
0x11: {  	[tilespmem:$0x2790] =	vst v0  }
0x12: {  	[tilespmem:$0x27A0] =	vst v0  }
0x13: {  	[tilespmem:$0x27B0] =	vst v0  }
0x14: {  	[tilespmem:$0x27C0] =	vst v0  }
0x15: {  	[tilespmem:$0x27D0] =	vst v0  }
0x16: {  	[tilespmem:$0x27E0] =	vst v0  }
0x17: {  	[tilespmem:$0x27F0] =	vst v0  }
0x18: {  	[tilespmem:$0x2800] =	vst v1  }
0x19: {  	[tilespmem:$0x2810] =	vst v1  }
0x1a: {  	[tilespmem:$0x2820] =	vst v1  }
0x1b: {  	[tilespmem:$0x2830] =	vst v1  }
0x1c: {  	[tilespmem:$0x2840] =	vst v1  }
0x1d: {  	[tilespmem:$0x2850] =	vst v1  }
0x1e: {  	[tilespmem:$0x2860] =	vst v1  }
0x1f: {  	[tilespmem:$0x2870] =	vst v1  }
0x20: {  	[tilespmem:$0x2880] =	vst v1  }
0x21: {  	[tilespmem:$0x2890] =	vst v1  }
0x22: {  	[tilespmem:$0x28A0] =	vst v1  }
0x23: {  	[tilespmem:$0x28B0] =	vst v1  }
0x24: {  	[tilespmem:$0x28C0] =	vst v1  }
0x25: {  	[tilespmem:$0x28D0] =	vst v1  }
0x26: {  	[tilespmem:$0x28E0] =	vst v1  }
0x27: {  	[tilespmem:$0x28F0] =	vst v1  }
0x28: {  	[tilespmem:$0x2900] =	vst v1  }
0x29: {  	[tilespmem:$0x2910] =	vst v1  }
0x2a: {  	[tilespmem:$0x2920] =	vst v1  }
0x2b: {  	[tilespmem:$0x2930] =	vst v1  }
0x2c: {  	[tilespmem:$0x2940] =	vst v1  }
0x2d: {  	[tilespmem:$0x2950] =	vst v1  }
0x2e: {  	[tilespmem:$0x2960] =	vst v1  }
0x2f: {  	[tilespmem:$0x2970] =	vst v1  }
0x30: {  	[tilespmem:$0x2980] =	vst v1  }
0x31: {  	[tilespmem:$0x2990] =	vst v1  }
0x32: {  	[tilespmem:$0x29A0] =	vst v1  }
0x33: {  	[tilespmem:$0x29B0] =	vst v1  }
0x34: {  	[tilespmem:$0x29C0] =	vst v1  }
0x35: {  	[tilespmem:$0x29D0] =	vst v1  }
0x36: {  	[tilespmem:$0x29E0] =	vst v1  }
0x37: {  	[tilespmem:$0x29F0] =	vst v1  }
0x38: {  	[tilespmem:$0x2A00] =	vst v1  }
0x39: {  	[tilespmem:$0x2A10] =	vst v1  }
0x3a: {  	[tilespmem:$0x2A20] =	vst v1  }
0x3b: {  	[tilespmem:$0x2A30] =	vst v1  }
0x3c: {  	[tilespmem:$0x2A40] =	vst v1  }
0x3d: {  	[tilespmem:$0x2A50] =	vst v1  }
0x3e: {  	[tilespmem:$0x2A60] =	vst v1  }
0x3f: {  	[tilespmem:$0x2A70] =	vst v1  }
0x40: {  	[spmem:s5] =	stream.linear.scatter [tilespmem:s8], [sflag:$0x1], $0x280, $0x38;
	[tilespmem:$0x2D00] =	vst v63  }
0x41: {  	_ =	swait.ge [sflag:s7], $0x280  }
0x42: {  	[sflag:s7] =	ssyncset.done $0x0  }
0x43: {  	[sflag:s7] =	ssyncadd.s32 $0xFFFFFD80  }
0x44: {  	s13 =	simm.s32 $0x0;
	[bflag:$0x0] =	sbarrier.arrive $0xFFFF  }
0x45: {  	[spmem:s2] =	stream.indirect.scatter.add.f32 [tilespmem:s10], [sflag:$0x1], $0x1, s13, s9, $0xb8;
	[tilespmem:$0x2D00] =	vst v63  }
0x46: {  	_ =	swait.ge [sflag:s7], $0x80  }
0x47: {  	s13 =	simm.s32 $0x200;
	[sflag:s7] =	ssyncset.done $0x0  }
.LBB2_2:
0x48: {  	s14 =	sshra.s32 s13, $0x2;
	[sflag:s7] =	ssyncadd.s32 $0xFFFFFF80;
	p0 =	sne.s32 s13, $0x9C00  }
0x49: {  	[spmem:s2] =	stream.indirect.scatter.add.f32 [tilespmem:s10], [sflag:$0x1], $0x1, s14, s9, $0xb8;
	[tilespmem:$0x2D00] =	vst v63  }
.Ltmp0:
0x4a: {  	_ = 	snop;
	(pc) =	sbr.rel @p0 .LBB2_2-.Ltmp0, $4  }
0x4b: {  	_ = 	snop  }
0x4c: {  	s13 =	sadd.s32 $0x200, s13  }
0x4d: {  	_ =	swait.ge [sflag:s7], $0x80  }
0x4e: {  	[sflag:s7] =	ssyncset.done $0x0  }
0x4f: {  	[sflag:s7] =	ssyncadd.s32 $0xFFFFFF80  }
0x50: {  	[bflag:$0x0] =	sbarrier.arrive $0xFFFF  }
0x51: {  	[tilespmem:s8], [sflag:$0x1] =	stream.linear.gather [spmem:s5], $0x280, $0x38;
	[tilespmem:$0x2D00] =	vst v63  }
0x52: {  	s12 =	sadd.s32 $0x1, s12;
	_ =	swait.ge [sflag:s7], $0x280  }
0x53: {  	p0 =	sne.s32 s12, s6;
	[sflag:s7] =	ssyncset.done $0x0  }
.Ltmp1:
0x54: {  	[sflag:s7] =	ssyncadd.s32 $0xFFFFFD80;
	(pc) =	sbr.rel @p0 .LBB2_1-.Ltmp1, $4  }
0x55: {  	[hbm4b:s11+s3] =	stream.linear.scatter [tilespmem:s8], [sflag:$0x1], $0x280, $0x38;
	[tilespmem:$0x2D00] =	vst v63  }
0x56: {  	_ =	swait.ge [sflag:s7], $0x280  }
0x57: {  	[sflag:s7] =	ssyncset.done $0x0  }
0x58: {  	[sflag:s7] =	ssyncadd.s32 $0xFFFFFD80  }
0x59: {  	_ =	sfence.sel $0x180000  }
0x5a: {  	[bflag:$0x0] =	sbarrier.arrive $0xFFFF  }
0x5b: {  	p0 =	sne.s32 s0, $0x0;
	_ =	strace $0x90000047  }
0x5c: {  	s0 =	sadd.s32 @!p0 $0x100000, s1;
	[bflag:$0x2] =	sbarrier.arrive $0xFFFF  }
0x5d: {  	[sflag:s0] =	ssyncadd.tile.s32 @!p0 $0x1;
	_ =	shalt  }
.Lfunc_end2:
_tile_overlayer_lowered:
.L_overlay_start_2:
0x5e: {  	(tag) =	ssettag $0x2  }
0x5f: {  	s0 =	rddreg [dreg:$0x0];
	s2 =	stileid.u32  }
0x60: {  	s1 =	rddreg [dreg:$0x1];
	p0 =	sne.s32 s2, $0x0  }
0x61: {  	s3 =	rddreg [dreg:$0x2];
	[bflag:$0x3] =	sbarrier.arrive $0xFFFF;
	s2 =	simm.s32 @!p0 $0x1C01  }
0x62: {  	[timem:s3], [sflag:s2] =	dma.local @!p0 [hbm:s0], s1  }
0x63: {  	s0 =	simm.s32 @!p0 $0x1  }
0x64: {  	_ =	swait.ge @!p0 [sflag:s0], s1  }
0x65: {  	s1 =	ssub.s32 @!p0 $0x0, s1;
	[sflag:s0] =	ssyncset.done @!p0 $0x0  }
0x66: {  	[sflag:s0] =	ssyncadd.s32 @!p0 s1  }
0x67: {  	[bflag:$0x3] =	sbarrier.arrive $0xFFFF  }
0x68: {  	_ =	shalt  }

// kernel: kernel.13.cloned.1.call-start
scs
__scs_entry_jumppad:
0x0: {  	(pc) =	sbr.rel $0x88, $3  }
0x1: {  	(tag) =	ssettag $0x0;
	lr =	simm.s32 $0x1  }
0x2: {  	[smem:$0x3F99] =	sst lr;
	_ =	strace $0xD0000000  }
0x3: {  	_ = 	snop  }
0x4: {  	_ = 	snop  }
0x5: {  	_ = 	snop  }
0x6: {  	_ = 	snop  }
0x7: {  	_ = 	snop  }
__scs_overlays_trampoline_lowered:
0x8: {  	[smem:$0x3FA8] =	sst s0  }
0x9: {  	[smem:$0x3FA9] =	sst s1  }
0xa: {  	[smem:$0x3FAA] =	sst s2  }
0xb: {  	[smem:$0x3FAB] =	sst s3  }
0xc: {  	[smem:$0x3FAC] =	sst s4  }
0xd: {  	[smem:$0x3FAD] =	sst s5  }
0xe: {  	[smem:$0x3FAE] =	sst s6  }
0xf: {  	[smem:$0x3FAF] =	sst s7  }
0x10: {  	[smem:$0x3FB0] =	sst s8  }
0x11: {  	[smem:$0x3FB1] =	sst s9;
	s0 =	simm.s32 @!p0 $0x0  }
0x12: {  	s1 =	sld [smem:$0x3F97];
	s0 =	simm.s32 @p0 $0x1  }
0x13: {  	[smem:$0x3FB2] =	sst s0;
	s0 =	simm.s32 @!p1 $0x0  }
0x14: {  	s2 =	sld [smem:$0x3F96];
	s0 =	simm.s32 @p1 $0x1  }
0x15: {  	[smem:$0x3FB3] =	sst s0;
	s0 =	simm.s32 @!p2 $0x0  }
0x16: {  	s3 =	sld [smem:$0x3FDB];
	s0 =	simm.s32 @p2 $0x1  }
0x17: {  	s4 =	simm.s32 $0x1BF5;
	[smem:$0x3FB5] =	sst s0  }
0x18: {  	s0 =	sld [smem:$0x3F98];
	_ =	swait.ge [sflag:s4], $0x0  }
0x19: {  	s7 =	sld [smem:$0x3F99]  }
0x1a: {  	s8 =	sadd.s32 $0xFFFFE003, lr  }
0x1b: {  	s9 =	sadd.s32 $0xFFFFFEF7, lr;
	s5 =	simm.s32 $0xFFFFFFFF;
	p2 =	slt.u32 s8, $0xFFFFF086  }
0x1c: {  	p1 =	slt.u32 s9, $0xF7A;
	s5 =	simm.s32 @!p2 $0x0  }
0x1d: {  	s5 =	simm.s32 @p1 $0x1;
	p0 =	seq.s32 s7, s2  }
0x1e: {  	s7 =	smul.u32 @!p0 $0xF7A, s2;
	p2 =	seq.s32 @!p0 s5, $0x0  }
0x1f: {  	s9 =	smul.u32 $0xF7A, s1;
	s8 =	simm.s32 @!p0 $0x1BF5;
	p2 =	por !p2, p0  }
0x20: {  	[sflag:s8] =	ssyncset.s32 @!p0 $0xFFFFF086;
	s6 =	sadd.s32 @!p0 s3, s7;
	s7 =	simm.s32 @!p0 $0x108  }
0x21: {  	s3 =	sadd.s32 s3, s9;
	s6 =	sadd.s32 @!p0 $0x88, s6;
	s7 =	simm.s32 @p2 $0x1082  }
0x22: {  	[simem:s7], [sflag:s8] =	dma.local @!p0 [hbm:s6], $0xF7A  }
0x23: {  	s9 =	sor.u32 $0xD0000000, s2;
	s6 =	simm.s32 $0x108;
	_ =	swait.ge @!p0 [sflag:s8], $0x0  }
0x24: {  	s3 =	sadd.s32 $0x88, s3;
	s6 =	simm.s32 @!p1 $0x1082;
	[sflag:s4] =	ssyncset.s32 $0xFFFFF086  }
0x25: {  	[simem:s6], [sflag:s4] =	dma.local [hbm:s3], $0xF7A  }
0x26: {  	[smem:$0x3F99] =	sst s1;
	(tag) =	ssettag s2;
	_ =	strace s9  }
0x27: {  	s1 =	sld [smem:$0x3FA9]  }
0x28: {  	s2 =	sld [smem:$0x3FAA]  }
0x29: {  	s4 =	sld [smem:$0x3FAC]  }
0x2a: {  	p0 =	seq.s32 s5, $0x0;
	s5 =	sld [smem:$0x3FAD]  }
0x2b: {  	s6 =	sld [smem:$0x3FAE]  }
0x2c: {  	s7 =	sld [smem:$0x3FAF]  }
0x2d: {  	s3 =	simm.s32 $0x108;
	s8 =	sld [smem:$0x3FB0]  }
0x2e: {  	s3 =	simm.s32 @!p0 $0x1082;
	s9 =	sld [smem:$0x3FB1]  }
0x2f: {  	lr =	sadd.s32 s0, s3;
	s0 =	sld [smem:$0x3FA8]  }
0x30: {  	s3 =	sld [smem:$0x3FAB]  }
0x31: {  	[smem:$0x3FB4] =	sst s10  }
0x32: {  	s10 =	sld [smem:$0x3FB2];
	_ =	sdelay $0x3  }
0x33: {  	p0 =	seq.s32 s10, $0x1;
	s10 =	sld [smem:$0x3FB4];
	_ =	sdelay $0x3  }
0x34: {  	[smem:$0x3FB4] =	sst s10  }
0x35: {  	s10 =	sld [smem:$0x3FB3];
	_ =	sdelay $0x3  }
0x36: {  	p1 =	seq.s32 s10, $0x1;
	s10 =	sld [smem:$0x3FB4];
	_ =	sdelay $0x3  }
0x37: {  	[smem:$0x3FB4] =	sst s10  }
0x38: {  	s10 =	sld [smem:$0x3FB5]  }
0x39: {  	_ = 	snop;
	(pc) =	sbr.ind lr, $3  }
0x3a: {  	_ = 	snop  }
0x3b: {  	_ = 	snop  }
0x3c: {  	p2 =	seq.s32 s10, $0x1;
	s10 =	sld [smem:$0x3FB4]  }
0x3d: {  	_ =	shalt  }
0x3e: {  	_ =	shalt  }
0x3f: {  	_ =	shalt  }
0x40: {  	_ =	shalt  }
0x41: {  	_ =	shalt  }
0x42: {  	_ =	shalt  }
0x43: {  	_ =	shalt  }
0x44: {  	_ =	shalt  }
0x45: {  	_ =	shalt  }
0x46: {  	_ =	shalt  }
0x47: {  	_ =	shalt  }
0x48: {  	_ =	shalt  }
0x49: {  	_ =	shalt  }
0x4a: {  	_ =	shalt  }
0x4b: {  	_ =	shalt  }
0x4c: {  	_ =	shalt  }
0x4d: {  	_ =	shalt  }
0x4e: {  	_ =	shalt  }
0x4f: {  	_ =	shalt  }
0x50: {  	_ =	shalt  }
0x51: {  	_ =	shalt  }
0x52: {  	_ =	shalt  }
0x53: {  	_ =	shalt  }
0x54: {  	_ =	shalt  }
0x55: {  	_ =	shalt  }
0x56: {  	_ =	shalt  }
0x57: {  	_ =	shalt  }
0x58: {  	_ =	shalt  }
0x59: {  	_ =	shalt  }
0x5a: {  	_ =	shalt  }
0x5b: {  	_ =	shalt  }
0x5c: {  	_ =	shalt  }
0x5d: {  	_ =	shalt  }
0x5e: {  	_ =	shalt  }
0x5f: {  	_ =	shalt  }
0x60: {  	_ =	shalt  }
0x61: {  	_ =	shalt  }
0x62: {  	_ =	shalt  }
0x63: {  	_ =	shalt  }
0x64: {  	_ =	shalt  }
0x65: {  	_ =	shalt  }
0x66: {  	_ =	shalt  }
0x67: {  	_ =	shalt  }
0x68: {  	_ =	shalt  }
0x69: {  	_ =	shalt  }
0x6a: {  	_ =	shalt  }
0x6b: {  	_ =	shalt  }
0x6c: {  	_ =	shalt  }
0x6d: {  	_ =	shalt  }
0x6e: {  	_ =	shalt  }
0x6f: {  	_ =	shalt  }
0x70: {  	_ =	shalt  }
0x71: {  	_ =	shalt  }
0x72: {  	_ =	shalt  }
0x73: {  	_ =	shalt  }
0x74: {  	_ =	shalt  }
0x75: {  	_ =	shalt  }
0x76: {  	_ =	shalt  }
0x77: {  	_ =	shalt  }
0x78: {  	_ =	shalt  }
0x79: {  	_ =	shalt  }
0x7a: {  	_ =	shalt  }
0x7b: {  	_ =	shalt  }
0x7c: {  	_ =	shalt  }
0x7d: {  	_ =	shalt  }
0x7e: {  	_ =	shalt  }
0x7f: {  	_ =	shalt  }
0x80: {  	_ =	shalt  }
0x81: {  	_ =	shalt  }
0x82: {  	_ =	shalt  }
0x83: {  	_ =	shalt  }
0x84: {  	_ =	shalt  }
0x85: {  	_ =	shalt  }
0x86: {  	_ =	shalt  }
0x87: {  	_ =	shalt  }
.Lfunc_end0:
.L_simem_size_0:
called_computation.1_lowered:
.L_overlay_start_0:
0x88: {  	s2 =	sld [smem:$0x3FD9]  }
0x89: {  	s3 =	sld [smem:$0x3FFE];
	_ =	sdelay $0x1  }
0x8a: {  	s1 =	srdreg.scid  }
0x8b: {  	s0 =	sand.u32 $0x1, s1  }
0x8c: {  	s16 =	sshll.u32 s0, $0xA;
	s2 =	sadd.s32 s3, s2  }
0x8d: {  	s2 =	sadd.s32 s2, s16  }
0x8e: {  	[smem:$0x3FC0] =	sst s2  }
0x8f: {  	_ = 	snop  }
0x90: {  	(tm) =	ssettm $0x1  }
0x91: {  	s17 =	sld [smem:$0x3FFB];
	_ =	sdelay $0x3  }
0x92: {  	_ =	strace s17  }
0x93: {  	s2 =	sld [smem:$0x3FFC];
	_ =	sdelay $0x3  }
0x94: {  	_ =	strace s2  }
0x95: {  	s2 =	sld [smem:$0x3FFD];
	_ =	sdelay $0x3  }
0x96: {  	_ =	strace s2  }
0x97: {  	_ =	strace $0x8FFFFFFF  }
0x98: {  	s18 =	sld [smem:$0x3FDB];
	_ =	sdelay $0x1  }
0x99: {  	s19 =	simm.s32 $_scs_section_size  }
0x9a: {  	s4 =	simm.s32 $_size__tile_overlayer_lowered;
	s5 =	simm.s32 $_tile_overlayer_lowered  }
0x9b: {  	s22 =	simm.s32 $0x1BFF;
	s21 =	sshll.u32 s5, $0x1;
	s2 =	sadd.s32 s19, s18  }
0x9c: {  	s6 =	simm.s32 $0x0;
	s20 =	sshll.u32 s4, $0x1;
	s4 =	sadd.s32 s21, s2  }
0x9d: {  	[timem:s6], [sflag:s22] =	dma.local [hbm:s4], s20  }
0x9e: {  	_ =	swait.ge [sflag:s22], s20  }
0x9f: {  	s3 =	ssub.s32 $0x0, s20;
	[sflag:s22] =	ssyncset.done $0x0  }
0xa0: {  	[sflag:s22] =	ssyncadd.s32 s3;
	_ =	sdelay $0x1  }
0xa1: {  	s23 =	simm.s32 $0x1B8B  }
0xa2: {  	_ =	swait.ge [sflag:s23], $0x1  }
0xa3: {  	[sflag:s23] =	ssyncset.done $0x0  }
0xa4: {  	s25 =	simm.s32 $0x1B8E;
	s24 =	sld [smem:$0x3FFE];
	[sflag:s23] =	ssyncadd.s32 $0xFFFFFFFF  }
0xa5: {  	s26 =	simm.s32 $execute0_lowered;
	[smem:$0x3FD2] =	sst s25  }
0xa6: {  	s4 =	sshll.u32 s26, $0x1;
	_ =	strace $0x80000049;
	[dreg:$0x1] =	wrdreg $0xFFFFFFFF  }
0xa7: {  	s28 =	simm.s32 $_size_execute0_lowered;
	s2 =	sadd.s32 s2, s4;
	[dreg:$0x0] =	wrdreg $0x0  }
0xa8: {  	s4 =	sshll.u32 s28, $0x1;
	[dreg:$0x2] =	wrdreg s2  }
0xa9: {  	[dreg:$0x3] =	wrdreg s4  }
0xaa: {  	[dreg:$0x4] =	wrdreg $0xC0  }
0xab: {  	_ =	task [dreg:s6], $0x5FFFF  }
0xac: {  	[dreg:$0x1] =	wrdreg $0xFFFFFFFF  }
0xad: {  	[dreg:$0x0] =	wrdreg $0x60  }
0xae: {  	[dreg:$0x2] =	wrdreg s24  }
0xaf: {  	[dreg:$0x3] =	wrdreg $0x10E000  }
0xb0: {  	[dreg:$0x4] =	wrdreg $0x9  }
0xb1: {  	_ =	task.clear_ibuf [dreg:s6], $0x5FFFF;
	_ =	strace $0x90000049  }
0xb2: {  	s29 =	simm.s32 $0x9;
	_ =	strace $0x8000004B  }
0xb3: {  	_ =	swait.ge [sflag:s29], $0x1  }
0xb4: {  	[sflag:s29] =	ssyncadd.s32 $0xFFFFFFFF  }
0xb5: {  	_ =	strace $0x9000004B  }
0xb6: {  	_ =	sfence  }
0xb7: {  	s30 =	sld [smem:$0x0];
	_ =	sdelay $0x2  }
0xb8: {  	s31 =	sshll.u32 s1, $0xD;
	s1 =	sshrl.u32 s1, $0x2  }
0xb9: {  	s3 =	sand.u32 $0x4000, s31;
	s1 =	sadd.s32 s1, s30  }
0xba: {  	s0 =	sor.u32 s3, s0;
	s1 =	sshll.u32 s1, $0x11  }
0xbb: {  	s0 =	sor.u32 s1, s0  }
0xbc: {  	s0 =	sadd.s32 $0x8F2B, s0  }
0xbd: {  	[sflag:s0] =	ssyncadd.remote.s32 $0x1  }
0xbe: {  	_ =	sfence.sel $0xFFFF  }
0xbf: {  	[dreg:$0x0] =	wrdreg $0xFFFFFFFF;
	(pc) =	sbr.abs _section_cstart, $3  }
0xc0: {  	[dreg:$0x1] =	wrdreg $0xFFFFFFFF  }
0xc1: {  	_ =	task.clear_ibuf [dreg:s6], $0x2FFFF;
	_ =	strace $0x9FFFFFFF  }
0xc2: {  	(tm) =	ssettm $0x7FFFFFFF  }
0xc3: {  	_ =	shalt  }
tec
execute0_lowered:
.L_overlay_start_1:
0x0: {  	(tag) =	ssettag $0x1  }
0x1: {  	s1 =	srdreg.scid;
	s5 =	rddreg [dreg:$0x0]  }
0x2: {  	s0 =	stileid.u32;
	s2 =	rddreg [dreg:$0x1];
	s3 =	simm.s32 $0x0  }
0x3: {  	s13 =	simm.s32 $0x80;
	s14 =	simm.s32 $0x9E00;
	s7 =	smul.u32 $0x4F00, s0  }
0x4: {  	s6 =	sand.u32 $0x1, s1;
	s1 =	rddreg [dreg:$0x2];
	s11 =	smul.u32 $0xA000, s0  }
0x5: {  	s15 =	simm.s32 $0x1;
	[smem:$0x7FF] =	sst s3;
	s4 =	smul.u32 $0x4F000, s6  }
0x6: {  	_ =	strace $0x8000004A;
	s9 =	smul.u32 $0x14000, s6;
	s6 =	ssub.s32 $0x2, s6  }
0x7: {  	s10 =	sshrl.u32 s6, $0x1;
	s12 =	sadd.s32 $0x5000, s11;
	s16 =	sshrl.u32 s11, $0x3  }
0x8: {  	s8 =	sadd.s32 s7, s4;
	s4 =	sadd.s32 $0x52000, s5;
	s7 =	sshrl.u32 s7, $0x3  }
0x9: {  	s9 =	sadd.s32 s9, s5;
	s10 =	ssub.s32 s6, s10;
	s18 =	sshrl.u32 s12, $0x3  }
0xa: {  	s8 =	sshrl.u32 s8, $0x3;
	s7 =	sadd.s32 s7, s5;
	s17 =	sadd.s32 $0x7A000, s9  }
0xb: {  	s9 =	smax.u32 s10, $0x1;
	s10 =	simm.s32 $0x2;
	s8 =	sadd.s32 s8, s5  }
0xc: {  	s6 =	sadd.s32 $0x1E00, s7;
	s7 =	sadd.s32 s11, s2;
	s11 =	simm.s32 $0x4F00  }
0xd: {  	s16 =	sadd.s32 s16, s17;
	s17 =	sadd.s32 s18, s17;
	s18 =	simm.s32 $0x0  }
0xe: {  	v0 =	vimm.f32 $0.0e+00;
	s5 =	sadd.s32 $0x16400, s8;
	s8 =	sadd.s32 s12, s2;
	s12 =	simm.s32 $0xBE00  }
.LBB2_1:
0xf: {  	[tilespmem:s3], [sflag:$0x2] =	stream.linear.gather [hbm4b:s5+s3], $0x4F00, $0x38;
	[tilespmem:$0x1AE00] =	vst v63  }
0x10: {  	_ =	swait.ge [sflag:s10], $0x4F00  }
0x11: {  	[sflag:s10] =	ssyncset.done $0x0  }
0x12: {  	[sflag:s10] =	ssyncadd.s32 $0xFFFFB100  }
0x13: {  	[tilespmem:s11], [sflag:$0x2] =	stream.linear.gather [hbm4b:s6+s3], $0x4F00, $0x38;
	[tilespmem:$0x1AE00] =	vst v63  }
0x14: {  	_ =	swait.ge [sflag:s10], $0x4F00  }
0x15: {  	[sflag:s10] =	ssyncset.done $0x0  }
0x16: {  	s20 =	simm.s32 $0x100;
	s19 =	simm.s32 $0x0;
	[sflag:s10] =	ssyncadd.s32 $0xFFFFB100  }
.LBB2_2:
0x17: {  	p0 =	sne.s32 s20, $0x13F00;
	[tilespmem:s19+$0xBE30] =	vst v0;
	s21 =	smov.u32 s20;
	s20 =	sadd.s32 $0x100, s20  }
.Ltmp0:
0x18: {  	[tilespmem:s19+$0xBE20] =	vst v0;
	(pc) =	sbr.rel @p0 .LBB2_2-.Ltmp0, $3  }
0x19: {  	[tilespmem:s19+$0xBE00] =	vst v0  }
0x1a: {  	[tilespmem:s19+$0xBE10] =	vst v0;
	_ =	sdelay $0x1  }
0x1b: {  	s19 =	sshra.s32 s21, $0x2  }
0x1c: {  	[tilespmem:s19+$0xBE30] =	vst v0  }
0x1d: {  	[tilespmem:s19+$0xBE20] =	vst v0  }
0x1e: {  	[tilespmem:s19+$0xBE00] =	vst v0  }
0x1f: {  	[tilespmem:s19+$0xBE10] =	vst v0  }
0x20: {  	[spmem:s7] =	stream.linear.scatter [tilespmem:s12], [sflag:$0x2], $0x5000, $0x38;
	[tilespmem:$0x1AE00] =	vst v63  }
0x21: {  	_ =	swait.ge [sflag:s10], $0x5000  }
0x22: {  	[sflag:s10] =	ssyncset.done $0x0  }
0x23: {  	[sflag:s10] =	ssyncadd.s32 $0xFFFFB000  }
0x24: {  	[spmem:s8] =	stream.linear.scatter [tilespmem:s12], [sflag:$0x2], $0x5000, $0x38;
	[tilespmem:$0x1AE00] =	vst v63  }
0x25: {  	_ =	swait.ge [sflag:s10], $0x5000  }
0x26: {  	[sflag:s10] =	ssyncset.done $0x0  }
0x27: {  	[sflag:s10] =	ssyncadd.s32 $0xFFFFB000  }
0x28: {  	s30 =	simm.s32 $0x0;
	[bflag:$0x0] =	sbarrier.arrive $0xFFFF  }
0x29: {  	[tilespmem:s14], [sflag:$0x1] =	stream.indirect.gather [hbm4b:s4+s13], $0x40, s30, s13, $0xb8;
	[tilespmem:$0x1AE00] =	vst v63  }
0x2a: {  	_ =	swait.ge [sflag:s15], $0x2000  }
0x2b: {  	[sflag:s15] =	ssyncset.done $0x0  }
0x2c: {  	s31 =	simm.s32 $0x4F00;
	[sflag:s15] =	ssyncadd.s32 $0xFFFFE000  }
0x2d: {  	[spmem:s2] =	stream.indirect.scatter.add.f32 [tilespmem:s14], [sflag:$0x2], $0x40, s31, s13, $0xb8;
	[tilespmem:$0x1AE00] =	vst v63  }
0x2e: {  	_ =	swait.ge [sflag:s10], $0x2000  }
0x2f: {  	s19 =	simm.s32 $0x200;
	s20 =	simm.s32 $0x400;
	[sflag:s10] =	ssyncset.done $0x0  }
.LBB2_4:
0x30: {  	s21 =	sshra.s32 s19, $0x2  }
0x31: {  	[sflag:s10] =	ssyncadd.s32 $0xFFFFE000;
	s19 =	smov.u32 s20;
	s22 =	sadd.s32 $0x200, s20  }
0x32: {  	[tilespmem:s14], [sflag:$0x1] =	stream.indirect.gather [hbm4b:s4+s13], $0x40, s21, s13, $0xb8;
	[tilespmem:$0x1AE00] =	vst v63  }
0x33: {  	p0 =	sne.s32 s20, $0x13A00;
	_ =	swait.ge [sflag:s15], $0x2000  }
.Ltmp1:
0x34: {  	[sflag:s15] =	ssyncset.done $0x0;
	(pc) =	sbr.rel @p0 .LBB2_4-.Ltmp1, $4  }
0x35: {  	s20 =	sadd.s32 $0x4F00, s21;
	[sflag:s15] =	ssyncadd.s32 $0xFFFFE000  }
0x36: {  	[spmem:s2] =	stream.indirect.scatter.add.f32 [tilespmem:s14], [sflag:$0x2], $0x40, s20, s13, $0xb8;
	[tilespmem:$0x1AE00] =	vst v63  }
0x37: {  	_ =	swait.ge [sflag:s10], $0x2000  }
0x38: {  	s20 =	smov.u32 s22;
	[sflag:s10] =	ssyncset.done $0x0  }
0x39: {  	s19 =	sshra.s32 s19, $0x2;
	[sflag:s10] =	ssyncadd.s32 $0xFFFFE000  }
0x3a: {  	[tilespmem:s14], [sflag:$0x1] =	stream.indirect.gather [hbm4b:s4+s13], $0x40, s19, s13, $0xb8;
	[tilespmem:$0x1AE00] =	vst v63  }
0x3b: {  	_ =	swait.ge [sflag:s15], $0x2000  }
0x3c: {  	[sflag:s15] =	ssyncset.done $0x0  }
0x3d: {  	s19 =	sadd.s32 $0x4F00, s19;
	[sflag:s15] =	ssyncadd.s32 $0xFFFFE000  }
0x3e: {  	[spmem:s2] =	stream.indirect.scatter.add.f32 [tilespmem:s14], [sflag:$0x2], $0x40, s19, s13, $0xb8;
	[tilespmem:$0x1AE00] =	vst v63  }
0x3f: {  	_ =	swait.ge [sflag:s10], $0x2000  }
0x40: {  	[sflag:s10] =	ssyncset.done $0x0  }
0x41: {  	[sflag:s10] =	ssyncadd.s32 $0xFFFFE000  }
0x42: {  	[bflag:$0x0] =	sbarrier.arrive $0xFFFF  }
0x43: {  	[tilespmem:s12], [sflag:$0x2] =	stream.linear.gather [spmem:s7], $0x5000, $0x38;
	[tilespmem:$0x1AE00] =	vst v63  }
0x44: {  	_ =	swait.ge [sflag:s10], $0x5000  }
0x45: {  	[sflag:s10] =	ssyncset.done $0x0  }
0x46: {  	[sflag:s10] =	ssyncadd.s32 $0xFFFFB000  }
0x47: {  	[hbm4b:s16+s3] =	stream.linear.scatter [tilespmem:s12], [sflag:$0x2], $0x5000, $0x38;
	[tilespmem:$0x1AE00] =	vst v63  }
0x48: {  	_ =	swait.ge [sflag:s10], $0x5000  }
0x49: {  	[sflag:s10] =	ssyncset.done $0x0  }
0x4a: {  	[sflag:s10] =	ssyncadd.s32 $0xFFFFB000  }
0x4b: {  	[tilespmem:s12], [sflag:$0x2] =	stream.linear.gather [spmem:s8], $0x5000, $0x38;
	[tilespmem:$0x1AE00] =	vst v63  }
0x4c: {  	s18 =	sadd.s32 $0x1, s18;
	_ =	swait.ge [sflag:s10], $0x5000  }
0x4d: {  	p0 =	sne.s32 s18, s9;
	[sflag:s10] =	ssyncset.done $0x0  }
.Ltmp2:
0x4e: {  	[sflag:s10] =	ssyncadd.s32 $0xFFFFB000;
	(pc) =	sbr.rel @p0 .LBB2_1-.Ltmp2, $4  }
0x4f: {  	[hbm4b:s17+s3] =	stream.linear.scatter [tilespmem:s12], [sflag:$0x2], $0x5000, $0x38;
	[tilespmem:$0x1AE00] =	vst v63  }
0x50: {  	_ =	swait.ge [sflag:s10], $0x5000  }
0x51: {  	[sflag:s10] =	ssyncset.done $0x0  }
0x52: {  	[sflag:s10] =	ssyncadd.s32 $0xFFFFB000  }
0x53: {  	_ =	sfence.sel $0x180000  }
0x54: {  	[bflag:$0x0] =	sbarrier.arrive $0xFFFF  }
0x55: {  	p0 =	sne.s32 s0, $0x0;
	_ =	strace $0x9000004A  }
0x56: {  	s0 =	sadd.s32 @!p0 $0x100000, s1;
	[bflag:$0x2] =	sbarrier.arrive $0xFFFF  }
0x57: {  	[sflag:s0] =	ssyncadd.tile.s32 @!p0 $0x1;
	_ =	shalt  }
.Lfunc_end2:
_tile_overlayer_lowered:
.L_overlay_start_2:
0x58: {  	(tag) =	ssettag $0x2  }
0x59: {  	s0 =	rddreg [dreg:$0x0];
	s2 =	stileid.u32  }
0x5a: {  	s1 =	rddreg [dreg:$0x1];
	p0 =	sne.s32 s2, $0x0  }
0x5b: {  	s3 =	rddreg [dreg:$0x2];
	[bflag:$0x3] =	sbarrier.arrive $0xFFFF;
	s2 =	simm.s32 @!p0 $0x1C02  }
0x5c: {  	[timem:s3], [sflag:s2] =	dma.local @!p0 [hbm:s0], s1  }
0x5d: {  	s0 =	simm.s32 @!p0 $0x2  }
0x5e: {  	_ =	swait.ge @!p0 [sflag:s0], s1  }
0x5f: {  	s1 =	ssub.s32 @!p0 $0x0, s1;
	[sflag:s0] =	ssyncset.done @!p0 $0x0  }
0x60: {  	[sflag:s0] =	ssyncadd.s32 @!p0 s1  }
0x61: {  	[bflag:$0x3] =	sbarrier.arrive $0xFFFF  }
0x62: {  	_ =	shalt  }

// kernel: kernel.16.cloned.1.call-start
scs
__scs_entry_jumppad:
0x0: {  	(pc) =	sbr.rel $0x88, $3  }
0x1: {  	(tag) =	ssettag $0x0;
	lr =	simm.s32 $0x1  }
0x2: {  	[smem:$0x3F99] =	sst lr;
	_ =	strace $0xD0000000  }
0x3: {  	_ = 	snop  }
0x4: {  	_ = 	snop  }
0x5: {  	_ = 	snop  }
0x6: {  	_ = 	snop  }
0x7: {  	_ = 	snop  }
__scs_overlays_trampoline_lowered:
0x8: {  	[smem:$0x3FA8] =	sst s0  }
0x9: {  	[smem:$0x3FA9] =	sst s1  }
0xa: {  	[smem:$0x3FAA] =	sst s2  }
0xb: {  	[smem:$0x3FAB] =	sst s3  }
0xc: {  	[smem:$0x3FAC] =	sst s4  }
0xd: {  	[smem:$0x3FAD] =	sst s5  }
0xe: {  	[smem:$0x3FAE] =	sst s6  }
0xf: {  	[smem:$0x3FAF] =	sst s7  }
0x10: {  	[smem:$0x3FB0] =	sst s8  }
0x11: {  	[smem:$0x3FB1] =	sst s9;
	s0 =	simm.s32 @!p0 $0x0  }
0x12: {  	s1 =	sld [smem:$0x3F97];
	s0 =	simm.s32 @p0 $0x1  }
0x13: {  	[smem:$0x3FB2] =	sst s0;
	s0 =	simm.s32 @!p1 $0x0  }
0x14: {  	s2 =	sld [smem:$0x3F96];
	s0 =	simm.s32 @p1 $0x1  }
0x15: {  	[smem:$0x3FB3] =	sst s0;
	s0 =	simm.s32 @!p2 $0x0  }
0x16: {  	s3 =	sld [smem:$0x3FDB];
	s0 =	simm.s32 @p2 $0x1  }
0x17: {  	s4 =	simm.s32 $0x1BF5;
	[smem:$0x3FB5] =	sst s0  }
0x18: {  	s0 =	sld [smem:$0x3F98];
	_ =	swait.ge [sflag:s4], $0x0  }
0x19: {  	s7 =	sld [smem:$0x3F99]  }
0x1a: {  	s8 =	sadd.s32 $0xFFFFE003, lr  }
0x1b: {  	s9 =	sadd.s32 $0xFFFFFEF7, lr;
	s5 =	simm.s32 $0xFFFFFFFF;
	p2 =	slt.u32 s8, $0xFFFFF086  }
0x1c: {  	p1 =	slt.u32 s9, $0xF7A;
	s5 =	simm.s32 @!p2 $0x0  }
0x1d: {  	s5 =	simm.s32 @p1 $0x1;
	p0 =	seq.s32 s7, s2  }
0x1e: {  	s7 =	smul.u32 @!p0 $0xF7A, s2;
	p2 =	seq.s32 @!p0 s5, $0x0  }
0x1f: {  	s9 =	smul.u32 $0xF7A, s1;
	s8 =	simm.s32 @!p0 $0x1BF5;
	p2 =	por !p2, p0  }
0x20: {  	[sflag:s8] =	ssyncset.s32 @!p0 $0xFFFFF086;
	s6 =	sadd.s32 @!p0 s3, s7;
	s7 =	simm.s32 @!p0 $0x108  }
0x21: {  	s3 =	sadd.s32 s3, s9;
	s6 =	sadd.s32 @!p0 $0x88, s6;
	s7 =	simm.s32 @p2 $0x1082  }
0x22: {  	[simem:s7], [sflag:s8] =	dma.local @!p0 [hbm:s6], $0xF7A  }
0x23: {  	s9 =	sor.u32 $0xD0000000, s2;
	s6 =	simm.s32 $0x108;
	_ =	swait.ge @!p0 [sflag:s8], $0x0  }
0x24: {  	s3 =	sadd.s32 $0x88, s3;
	s6 =	simm.s32 @!p1 $0x1082;
	[sflag:s4] =	ssyncset.s32 $0xFFFFF086  }
0x25: {  	[simem:s6], [sflag:s4] =	dma.local [hbm:s3], $0xF7A  }
0x26: {  	[smem:$0x3F99] =	sst s1;
	(tag) =	ssettag s2;
	_ =	strace s9  }
0x27: {  	s1 =	sld [smem:$0x3FA9]  }
0x28: {  	s2 =	sld [smem:$0x3FAA]  }
0x29: {  	s4 =	sld [smem:$0x3FAC]  }
0x2a: {  	p0 =	seq.s32 s5, $0x0;
	s5 =	sld [smem:$0x3FAD]  }
0x2b: {  	s6 =	sld [smem:$0x3FAE]  }
0x2c: {  	s7 =	sld [smem:$0x3FAF]  }
0x2d: {  	s3 =	simm.s32 $0x108;
	s8 =	sld [smem:$0x3FB0]  }
0x2e: {  	s3 =	simm.s32 @!p0 $0x1082;
	s9 =	sld [smem:$0x3FB1]  }
0x2f: {  	lr =	sadd.s32 s0, s3;
	s0 =	sld [smem:$0x3FA8]  }
0x30: {  	s3 =	sld [smem:$0x3FAB]  }
0x31: {  	[smem:$0x3FB4] =	sst s10  }
0x32: {  	s10 =	sld [smem:$0x3FB2];
	_ =	sdelay $0x3  }
0x33: {  	p0 =	seq.s32 s10, $0x1;
	s10 =	sld [smem:$0x3FB4];
	_ =	sdelay $0x3  }
0x34: {  	[smem:$0x3FB4] =	sst s10  }
0x35: {  	s10 =	sld [smem:$0x3FB3];
	_ =	sdelay $0x3  }
0x36: {  	p1 =	seq.s32 s10, $0x1;
	s10 =	sld [smem:$0x3FB4];
	_ =	sdelay $0x3  }
0x37: {  	[smem:$0x3FB4] =	sst s10  }
0x38: {  	s10 =	sld [smem:$0x3FB5]  }
0x39: {  	_ = 	snop;
	(pc) =	sbr.ind lr, $3  }
0x3a: {  	_ = 	snop  }
0x3b: {  	_ = 	snop  }
0x3c: {  	p2 =	seq.s32 s10, $0x1;
	s10 =	sld [smem:$0x3FB4]  }
0x3d: {  	_ =	shalt  }
0x3e: {  	_ =	shalt  }
0x3f: {  	_ =	shalt  }
0x40: {  	_ =	shalt  }
0x41: {  	_ =	shalt  }
0x42: {  	_ =	shalt  }
0x43: {  	_ =	shalt  }
0x44: {  	_ =	shalt  }
0x45: {  	_ =	shalt  }
0x46: {  	_ =	shalt  }
0x47: {  	_ =	shalt  }
0x48: {  	_ =	shalt  }
0x49: {  	_ =	shalt  }
0x4a: {  	_ =	shalt  }
0x4b: {  	_ =	shalt  }
0x4c: {  	_ =	shalt  }
0x4d: {  	_ =	shalt  }
0x4e: {  	_ =	shalt  }
0x4f: {  	_ =	shalt  }
0x50: {  	_ =	shalt  }
0x51: {  	_ =	shalt  }
0x52: {  	_ =	shalt  }
0x53: {  	_ =	shalt  }
0x54: {  	_ =	shalt  }
0x55: {  	_ =	shalt  }
0x56: {  	_ =	shalt  }
0x57: {  	_ =	shalt  }
0x58: {  	_ =	shalt  }
0x59: {  	_ =	shalt  }
0x5a: {  	_ =	shalt  }
0x5b: {  	_ =	shalt  }
0x5c: {  	_ =	shalt  }
0x5d: {  	_ =	shalt  }
0x5e: {  	_ =	shalt  }
0x5f: {  	_ =	shalt  }
0x60: {  	_ =	shalt  }
0x61: {  	_ =	shalt  }
0x62: {  	_ =	shalt  }
0x63: {  	_ =	shalt  }
0x64: {  	_ =	shalt  }
0x65: {  	_ =	shalt  }
0x66: {  	_ =	shalt  }
0x67: {  	_ =	shalt  }
0x68: {  	_ =	shalt  }
0x69: {  	_ =	shalt  }
0x6a: {  	_ =	shalt  }
0x6b: {  	_ =	shalt  }
0x6c: {  	_ =	shalt  }
0x6d: {  	_ =	shalt  }
0x6e: {  	_ =	shalt  }
0x6f: {  	_ =	shalt  }
0x70: {  	_ =	shalt  }
0x71: {  	_ =	shalt  }
0x72: {  	_ =	shalt  }
0x73: {  	_ =	shalt  }
0x74: {  	_ =	shalt  }
0x75: {  	_ =	shalt  }
0x76: {  	_ =	shalt  }
0x77: {  	_ =	shalt  }
0x78: {  	_ =	shalt  }
0x79: {  	_ =	shalt  }
0x7a: {  	_ =	shalt  }
0x7b: {  	_ =	shalt  }
0x7c: {  	_ =	shalt  }
0x7d: {  	_ =	shalt  }
0x7e: {  	_ =	shalt  }
0x7f: {  	_ =	shalt  }
0x80: {  	_ =	shalt  }
0x81: {  	_ =	shalt  }
0x82: {  	_ =	shalt  }
0x83: {  	_ =	shalt  }
0x84: {  	_ =	shalt  }
0x85: {  	_ =	shalt  }
0x86: {  	_ =	shalt  }
0x87: {  	_ =	shalt  }
.Lfunc_end0:
.L_simem_size_0:
called_computation.2_lowered:
.L_overlay_start_0:
0x88: {  	s2 =	sld [smem:$0x3FD9]  }
0x89: {  	s3 =	sld [smem:$0x3FFE];
	_ =	sdelay $0x1  }
0x8a: {  	s1 =	srdreg.scid  }
0x8b: {  	s0 =	sand.u32 $0x1, s1  }
0x8c: {  	s16 =	sshll.u32 s0, $0xA;
	s2 =	sadd.s32 s3, s2  }
0x8d: {  	s2 =	sadd.s32 s2, s16  }
0x8e: {  	[smem:$0x3FC0] =	sst s2  }
0x8f: {  	_ = 	snop  }
0x90: {  	(tm) =	ssettm $0x1  }
0x91: {  	s17 =	sld [smem:$0x3FFB];
	_ =	sdelay $0x3  }
0x92: {  	_ =	strace s17  }
0x93: {  	s2 =	sld [smem:$0x3FFC];
	_ =	sdelay $0x3  }
0x94: {  	_ =	strace s2  }
0x95: {  	s2 =	sld [smem:$0x3FFD];
	_ =	sdelay $0x3  }
0x96: {  	_ =	strace s2  }
0x97: {  	_ =	strace $0x8FFFFFFF  }
0x98: {  	s18 =	sld [smem:$0x3FDB];
	_ =	sdelay $0x1  }
0x99: {  	s19 =	simm.s32 $_scs_section_size  }
0x9a: {  	s4 =	simm.s32 $_size__tile_overlayer_lowered;
	s5 =	simm.s32 $_tile_overlayer_lowered  }
0x9b: {  	s22 =	simm.s32 $0x1BFF;
	s21 =	sshll.u32 s5, $0x1;
	s2 =	sadd.s32 s19, s18  }
0x9c: {  	s6 =	simm.s32 $0x0;
	s20 =	sshll.u32 s4, $0x1;
	s4 =	sadd.s32 s21, s2  }
0x9d: {  	[timem:s6], [sflag:s22] =	dma.local [hbm:s4], s20  }
0x9e: {  	_ =	swait.ge [sflag:s22], s20  }
0x9f: {  	s3 =	ssub.s32 $0x0, s20;
	[sflag:s22] =	ssyncset.done $0x0  }
0xa0: {  	[sflag:s22] =	ssyncadd.s32 s3;
	_ =	sdelay $0x1  }
0xa1: {  	s23 =	simm.s32 $0x1B8B  }
0xa2: {  	_ =	swait.ge [sflag:s23], $0x1  }
0xa3: {  	[sflag:s23] =	ssyncset.done $0x0  }
0xa4: {  	s25 =	simm.s32 $0x1B8E;
	s24 =	sld [smem:$0x3FFE];
	[sflag:s23] =	ssyncadd.s32 $0xFFFFFFFF  }
0xa5: {  	s26 =	simm.s32 $execute0_lowered;
	[smem:$0x3FD2] =	sst s25  }
0xa6: {  	s4 =	sshll.u32 s26, $0x1;
	_ =	strace $0x8000004C;
	[dreg:$0x1] =	wrdreg $0xFFFFFFFF  }
0xa7: {  	s28 =	simm.s32 $_size_execute0_lowered;
	s2 =	sadd.s32 s2, s4;
	[dreg:$0x0] =	wrdreg $0x0  }
0xa8: {  	s4 =	sshll.u32 s28, $0x1;
	[dreg:$0x2] =	wrdreg s2  }
0xa9: {  	[dreg:$0x3] =	wrdreg s4  }
0xaa: {  	[dreg:$0x4] =	wrdreg $0xC0  }
0xab: {  	_ =	task [dreg:s6], $0x5FFFF  }
0xac: {  	[dreg:$0x1] =	wrdreg $0xFFFFFFFF  }
0xad: {  	[dreg:$0x0] =	wrdreg $0x60  }
0xae: {  	[dreg:$0x2] =	wrdreg s24  }
0xaf: {  	[dreg:$0x3] =	wrdreg $0xFE000  }
0xb0: {  	[dreg:$0x4] =	wrdreg $0x9  }
0xb1: {  	_ =	task.clear_ibuf [dreg:s6], $0x5FFFF;
	_ =	strace $0x9000004C  }
0xb2: {  	s29 =	simm.s32 $0x9;
	_ =	strace $0x8000004E  }
0xb3: {  	_ =	swait.ge [sflag:s29], $0x1  }
0xb4: {  	[sflag:s29] =	ssyncadd.s32 $0xFFFFFFFF  }
0xb5: {  	_ =	strace $0x9000004E  }
0xb6: {  	_ =	sfence  }
0xb7: {  	s30 =	sld [smem:$0x0];
	_ =	sdelay $0x2  }
0xb8: {  	s31 =	sshll.u32 s1, $0xD;
	s1 =	sshrl.u32 s1, $0x2  }
0xb9: {  	s3 =	sand.u32 $0x4000, s31;
	s1 =	sadd.s32 s1, s30  }
0xba: {  	s0 =	sor.u32 s3, s0;
	s1 =	sshll.u32 s1, $0x11  }
0xbb: {  	s0 =	sor.u32 s1, s0  }
0xbc: {  	s0 =	sadd.s32 $0x8F2B, s0  }
0xbd: {  	[sflag:s0] =	ssyncadd.remote.s32 $0x1  }
0xbe: {  	_ =	sfence.sel $0xFFFF  }
0xbf: {  	[dreg:$0x0] =	wrdreg $0xFFFFFFFF;
	(pc) =	sbr.abs _section_cstart, $3  }
0xc0: {  	[dreg:$0x1] =	wrdreg $0xFFFFFFFF  }
0xc1: {  	_ =	task.clear_ibuf [dreg:s6], $0x2FFFF;
	_ =	strace $0x9FFFFFFF  }
0xc2: {  	(tm) =	ssettm $0x7FFFFFFF  }
0xc3: {  	_ =	shalt  }
tec
execute0_lowered:
.L_overlay_start_1:
0x0: {  	(tag) =	ssettag $0x1  }
0x1: {  	s5 =	rddreg [dreg:$0x0];
	s1 =	srdreg.scid  }
0x2: {  	s0 =	stileid.u32;
	s2 =	rddreg [dreg:$0x1]  }
0x3: {  	s3 =	simm.s32 $0x0;
	s12 =	simm.s32 $0x80;
	s7 =	smul.u32 $0x4F00, s0  }
0x4: {  	s13 =	simm.s32 $0x9E00;
	s6 =	sand.u32 $0x1, s1;
	s10 =	smul.u32 $0x5000, s0  }
0x5: {  	s14 =	simm.s32 $0x1;
	s1 =	rddreg [dreg:$0x2];
	s8 =	smul.u32 $0x4F000, s6  }
0x6: {  	[smem:$0x7FF] =	sst s3;
	s9 =	smul.u32 $0xA000, s6;
	s6 =	ssub.s32 $0x2, s6  }
0x7: {  	s4 =	sadd.s32 $0xA2000, s5;
	_ =	strace $0x8000004D;
	s31 =	sshrl.u32 s6, $0x1  }
0x8: {  	s16 =	sshrl.u32 s10, $0x3;
	s8 =	sadd.s32 s7, s8;
	s7 =	sshrl.u32 s7, $0x3  }
0x9: {  	s9 =	sadd.s32 s9, s5;
	s11 =	ssub.s32 s6, s31;
	s8 =	sshrl.u32 s8, $0x3  }
0xa: {  	s7 =	sadd.s32 s7, s5;
	s15 =	sadd.s32 $0xB6000, s9;
	s9 =	simm.s32 $0x2  }
0xb: {  	s8 =	sadd.s32 s8, s5;
	s6 =	sadd.s32 $0x1E00, s7;
	s7 =	sadd.s32 s10, s2  }
0xc: {  	s10 =	simm.s32 $0x4F00;
	s15 =	sadd.s32 s16, s15;
	s16 =	simm.s32 $0x0  }
0xd: {  	v0 =	vimm.f32 $0.0e+00;
	s5 =	sadd.s32 $0x16400, s8;
	s8 =	smax.u32 s11, $0x1;
	s11 =	simm.s32 $0xAE00  }
.LBB2_1:
0xe: {  	[tilespmem:s3], [sflag:$0x2] =	stream.linear.gather [hbm4b:s5+s3], $0x4F00, $0x38;
	[tilespmem:$0x14E00] =	vst v63  }
0xf: {  	_ =	swait.ge [sflag:s9], $0x4F00  }
0x10: {  	[sflag:s9] =	ssyncset.done $0x0  }
0x11: {  	[sflag:s9] =	ssyncadd.s32 $0xFFFFB100  }
0x12: {  	[tilespmem:s10], [sflag:$0x2] =	stream.linear.gather [hbm4b:s6+s3], $0x4F00, $0x38;
	[tilespmem:$0x14E00] =	vst v63  }
0x13: {  	_ =	swait.ge [sflag:s9], $0x4F00  }
0x14: {  	[sflag:s9] =	ssyncset.done $0x0  }
0x15: {  	s17 =	simm.s32 $0x80;
	s18 =	simm.s32 $0x0;
	[sflag:s9] =	ssyncadd.s32 $0xFFFFB100  }
.LBB2_2:
0x16: {  	p0 =	sne.s32 s17, $0x13F80;
	[tilespmem:s18+$0xAE00] =	vst v0;
	s19 =	smov.u32 s17;
	s17 =	sadd.s32 $0x80, s17  }
.Ltmp0:
0x17: {  	[tilespmem:s18+$0xAE10] =	vst v0;
	(pc) =	sbr.rel @p0 .LBB2_2-.Ltmp0, $2  }
0x18: {  	_ =	sdelay $0x2  }
0x19: {  	s18 =	sshra.s32 s19, $0x2  }
0x1a: {  	[tilespmem:s18+$0xAE00] =	vst v0  }
0x1b: {  	[tilespmem:s18+$0xAE10] =	vst v0  }
0x1c: {  	[spmem:s7] =	stream.linear.scatter [tilespmem:s11], [sflag:$0x2], $0x5000, $0x38;
	[tilespmem:$0x14E00] =	vst v63  }
0x1d: {  	_ =	swait.ge [sflag:s9], $0x5000  }
0x1e: {  	[sflag:s9] =	ssyncset.done $0x0  }
0x1f: {  	[sflag:s9] =	ssyncadd.s32 $0xFFFFB000  }
0x20: {  	s17 =	simm.s32 $0x0;
	[bflag:$0x0] =	sbarrier.arrive $0xFFFF  }
0x21: {  	[tilespmem:s13], [sflag:$0x1] =	stream.indirect.gather [hbm4b:s4+s12], $0x20, s17, s12, $0xb8;
	[tilespmem:$0x14E00] =	vst v63  }
0x22: {  	_ =	swait.ge [sflag:s14], $0x1000  }
0x23: {  	[sflag:s14] =	ssyncset.done $0x0  }
0x24: {  	s31 =	simm.s32 $0x4F00;
	[sflag:s14] =	ssyncadd.s32 $0xFFFFF000  }
0x25: {  	[spmem:s2] =	stream.indirect.scatter.add.f32 [tilespmem:s13], [sflag:$0x2], $0x20, s31, s12, $0xb8;
	[tilespmem:$0x14E00] =	vst v63  }
0x26: {  	_ =	swait.ge [sflag:s9], $0x1000  }
0x27: {  	s18 =	simm.s32 $0x400;
	s17 =	simm.s32 $0x200;
	[sflag:s9] =	ssyncset.done $0x0  }
.LBB2_4:
0x28: {  	s19 =	sshra.s32 s17, $0x2  }
0x29: {  	[sflag:s9] =	ssyncadd.s32 $0xFFFFF000;
	s17 =	smov.u32 s18;
	s20 =	sadd.s32 $0x200, s18  }
0x2a: {  	[tilespmem:s13], [sflag:$0x1] =	stream.indirect.gather [hbm4b:s4+s12], $0x20, s19, s12, $0xb8;
	[tilespmem:$0x14E00] =	vst v63  }
0x2b: {  	p0 =	sne.s32 s18, $0x13A00;
	_ =	swait.ge [sflag:s14], $0x1000  }
.Ltmp1:
0x2c: {  	[sflag:s14] =	ssyncset.done $0x0;
	(pc) =	sbr.rel @p0 .LBB2_4-.Ltmp1, $4  }
0x2d: {  	s18 =	sadd.s32 $0x4F00, s19;
	[sflag:s14] =	ssyncadd.s32 $0xFFFFF000  }
0x2e: {  	[spmem:s2] =	stream.indirect.scatter.add.f32 [tilespmem:s13], [sflag:$0x2], $0x20, s18, s12, $0xb8;
	[tilespmem:$0x14E00] =	vst v63  }
0x2f: {  	_ =	swait.ge [sflag:s9], $0x1000  }
0x30: {  	s18 =	smov.u32 s20;
	[sflag:s9] =	ssyncset.done $0x0  }
0x31: {  	s17 =	sshra.s32 s17, $0x2;
	[sflag:s9] =	ssyncadd.s32 $0xFFFFF000  }
0x32: {  	[tilespmem:s13], [sflag:$0x1] =	stream.indirect.gather [hbm4b:s4+s12], $0x20, s17, s12, $0xb8;
	[tilespmem:$0x14E00] =	vst v63  }
0x33: {  	_ =	swait.ge [sflag:s14], $0x1000  }
0x34: {  	[sflag:s14] =	ssyncset.done $0x0  }
0x35: {  	s17 =	sadd.s32 $0x4F00, s17;
	[sflag:s14] =	ssyncadd.s32 $0xFFFFF000  }
0x36: {  	[spmem:s2] =	stream.indirect.scatter.add.f32 [tilespmem:s13], [sflag:$0x2], $0x20, s17, s12, $0xb8;
	[tilespmem:$0x14E00] =	vst v63  }
0x37: {  	_ =	swait.ge [sflag:s9], $0x1000  }
0x38: {  	[sflag:s9] =	ssyncset.done $0x0  }
0x39: {  	[sflag:s9] =	ssyncadd.s32 $0xFFFFF000  }
0x3a: {  	[bflag:$0x0] =	sbarrier.arrive $0xFFFF  }
0x3b: {  	[tilespmem:s11], [sflag:$0x2] =	stream.linear.gather [spmem:s7], $0x5000, $0x38;
	[tilespmem:$0x14E00] =	vst v63  }
0x3c: {  	s16 =	sadd.s32 $0x1, s16;
	_ =	swait.ge [sflag:s9], $0x5000  }
0x3d: {  	p0 =	sne.s32 s16, s8;
	[sflag:s9] =	ssyncset.done $0x0  }
.Ltmp2:
0x3e: {  	[sflag:s9] =	ssyncadd.s32 $0xFFFFB000;
	(pc) =	sbr.rel @p0 .LBB2_1-.Ltmp2, $4  }
0x3f: {  	[hbm4b:s15+s3] =	stream.linear.scatter [tilespmem:s11], [sflag:$0x2], $0x5000, $0x38;
	[tilespmem:$0x14E00] =	vst v63  }
0x40: {  	_ =	swait.ge [sflag:s9], $0x5000  }
0x41: {  	[sflag:s9] =	ssyncset.done $0x0  }
0x42: {  	[sflag:s9] =	ssyncadd.s32 $0xFFFFB000  }
0x43: {  	_ =	sfence.sel $0x180000  }
0x44: {  	[bflag:$0x0] =	sbarrier.arrive $0xFFFF  }
0x45: {  	p0 =	sne.s32 s0, $0x0;
	_ =	strace $0x9000004D  }
0x46: {  	s0 =	sadd.s32 @!p0 $0x100000, s1;
	[bflag:$0x2] =	sbarrier.arrive $0xFFFF  }
0x47: {  	[sflag:s0] =	ssyncadd.tile.s32 @!p0 $0x1;
	_ =	shalt  }
.Lfunc_end2:
_tile_overlayer_lowered:
.L_overlay_start_2:
0x48: {  	(tag) =	ssettag $0x2  }
0x49: {  	s0 =	rddreg [dreg:$0x0];
	s2 =	stileid.u32  }
0x4a: {  	s1 =	rddreg [dreg:$0x1];
	p0 =	sne.s32 s2, $0x0  }
0x4b: {  	s3 =	rddreg [dreg:$0x2];
	[bflag:$0x3] =	sbarrier.arrive $0xFFFF;
	s2 =	simm.s32 @!p0 $0x1C02  }
0x4c: {  	[timem:s3], [sflag:s2] =	dma.local @!p0 [hbm:s0], s1  }
0x4d: {  	s0 =	simm.s32 @!p0 $0x2  }
0x4e: {  	_ =	swait.ge @!p0 [sflag:s0], s1  }
0x4f: {  	s1 =	ssub.s32 @!p0 $0x0, s1;
	[sflag:s0] =	ssyncset.done @!p0 $0x0  }
0x50: {  	[sflag:s0] =	ssyncadd.s32 @!p0 s1  }
0x51: {  	[bflag:$0x3] =	sbarrier.arrive $0xFFFF  }
0x52: {  	_ =	shalt  }

// kernel: kernel.19.cloned.1.call-start
scs
__scs_entry_jumppad:
0x0: {  	(pc) =	sbr.rel $0x88, $3  }
0x1: {  	(tag) =	ssettag $0x0;
	lr =	simm.s32 $0x1  }
0x2: {  	[smem:$0x3F99] =	sst lr;
	_ =	strace $0xD0000000  }
0x3: {  	_ = 	snop  }
0x4: {  	_ = 	snop  }
0x5: {  	_ = 	snop  }
0x6: {  	_ = 	snop  }
0x7: {  	_ = 	snop  }
__scs_overlays_trampoline_lowered:
0x8: {  	[smem:$0x3FA8] =	sst s0  }
0x9: {  	[smem:$0x3FA9] =	sst s1  }
0xa: {  	[smem:$0x3FAA] =	sst s2  }
0xb: {  	[smem:$0x3FAB] =	sst s3  }
0xc: {  	[smem:$0x3FAC] =	sst s4  }
0xd: {  	[smem:$0x3FAD] =	sst s5  }
0xe: {  	[smem:$0x3FAE] =	sst s6  }
0xf: {  	[smem:$0x3FAF] =	sst s7  }
0x10: {  	[smem:$0x3FB0] =	sst s8  }
0x11: {  	[smem:$0x3FB1] =	sst s9;
	s0 =	simm.s32 @!p0 $0x0  }
0x12: {  	s1 =	sld [smem:$0x3F97];
	s0 =	simm.s32 @p0 $0x1  }
0x13: {  	[smem:$0x3FB2] =	sst s0;
	s0 =	simm.s32 @!p1 $0x0  }
0x14: {  	s2 =	sld [smem:$0x3F96];
	s0 =	simm.s32 @p1 $0x1  }
0x15: {  	[smem:$0x3FB3] =	sst s0;
	s0 =	simm.s32 @!p2 $0x0  }
0x16: {  	s3 =	sld [smem:$0x3FDB];
	s0 =	simm.s32 @p2 $0x1  }
0x17: {  	s4 =	simm.s32 $0x1BF5;
	[smem:$0x3FB5] =	sst s0  }
0x18: {  	s0 =	sld [smem:$0x3F98];
	_ =	swait.ge [sflag:s4], $0x0  }
0x19: {  	s7 =	sld [smem:$0x3F99]  }
0x1a: {  	s8 =	sadd.s32 $0xFFFFE003, lr  }
0x1b: {  	s9 =	sadd.s32 $0xFFFFFEF7, lr;
	s5 =	simm.s32 $0xFFFFFFFF;
	p2 =	slt.u32 s8, $0xFFFFF086  }
0x1c: {  	p1 =	slt.u32 s9, $0xF7A;
	s5 =	simm.s32 @!p2 $0x0  }
0x1d: {  	s5 =	simm.s32 @p1 $0x1;
	p0 =	seq.s32 s7, s2  }
0x1e: {  	s7 =	smul.u32 @!p0 $0xF7A, s2;
	p2 =	seq.s32 @!p0 s5, $0x0  }
0x1f: {  	s9 =	smul.u32 $0xF7A, s1;
	s8 =	simm.s32 @!p0 $0x1BF5;
	p2 =	por !p2, p0  }
0x20: {  	[sflag:s8] =	ssyncset.s32 @!p0 $0xFFFFF086;
	s6 =	sadd.s32 @!p0 s3, s7;
	s7 =	simm.s32 @!p0 $0x108  }
0x21: {  	s3 =	sadd.s32 s3, s9;
	s6 =	sadd.s32 @!p0 $0x88, s6;
	s7 =	simm.s32 @p2 $0x1082  }
0x22: {  	[simem:s7], [sflag:s8] =	dma.local @!p0 [hbm:s6], $0xF7A  }
0x23: {  	s9 =	sor.u32 $0xD0000000, s2;
	s6 =	simm.s32 $0x108;
	_ =	swait.ge @!p0 [sflag:s8], $0x0  }
0x24: {  	s3 =	sadd.s32 $0x88, s3;
	s6 =	simm.s32 @!p1 $0x1082;
	[sflag:s4] =	ssyncset.s32 $0xFFFFF086  }
0x25: {  	[simem:s6], [sflag:s4] =	dma.local [hbm:s3], $0xF7A  }
0x26: {  	[smem:$0x3F99] =	sst s1;
	(tag) =	ssettag s2;
	_ =	strace s9  }
0x27: {  	s1 =	sld [smem:$0x3FA9]  }
0x28: {  	s2 =	sld [smem:$0x3FAA]  }
0x29: {  	s4 =	sld [smem:$0x3FAC]  }
0x2a: {  	p0 =	seq.s32 s5, $0x0;
	s5 =	sld [smem:$0x3FAD]  }
0x2b: {  	s6 =	sld [smem:$0x3FAE]  }
0x2c: {  	s7 =	sld [smem:$0x3FAF]  }
0x2d: {  	s3 =	simm.s32 $0x108;
	s8 =	sld [smem:$0x3FB0]  }
0x2e: {  	s3 =	simm.s32 @!p0 $0x1082;
	s9 =	sld [smem:$0x3FB1]  }
0x2f: {  	lr =	sadd.s32 s0, s3;
	s0 =	sld [smem:$0x3FA8]  }
0x30: {  	s3 =	sld [smem:$0x3FAB]  }
0x31: {  	[smem:$0x3FB4] =	sst s10  }
0x32: {  	s10 =	sld [smem:$0x3FB2];
	_ =	sdelay $0x3  }
0x33: {  	p0 =	seq.s32 s10, $0x1;
	s10 =	sld [smem:$0x3FB4];
	_ =	sdelay $0x3  }
0x34: {  	[smem:$0x3FB4] =	sst s10  }
0x35: {  	s10 =	sld [smem:$0x3FB3];
	_ =	sdelay $0x3  }
0x36: {  	p1 =	seq.s32 s10, $0x1;
	s10 =	sld [smem:$0x3FB4];
	_ =	sdelay $0x3  }
0x37: {  	[smem:$0x3FB4] =	sst s10  }
0x38: {  	s10 =	sld [smem:$0x3FB5]  }
0x39: {  	_ = 	snop;
	(pc) =	sbr.ind lr, $3  }
0x3a: {  	_ = 	snop  }
0x3b: {  	_ = 	snop  }
0x3c: {  	p2 =	seq.s32 s10, $0x1;
	s10 =	sld [smem:$0x3FB4]  }
0x3d: {  	_ =	shalt  }
0x3e: {  	_ =	shalt  }
0x3f: {  	_ =	shalt  }
0x40: {  	_ =	shalt  }
0x41: {  	_ =	shalt  }
0x42: {  	_ =	shalt  }
0x43: {  	_ =	shalt  }
0x44: {  	_ =	shalt  }
0x45: {  	_ =	shalt  }
0x46: {  	_ =	shalt  }
0x47: {  	_ =	shalt  }
0x48: {  	_ =	shalt  }
0x49: {  	_ =	shalt  }
0x4a: {  	_ =	shalt  }
0x4b: {  	_ =	shalt  }
0x4c: {  	_ =	shalt  }
0x4d: {  	_ =	shalt  }
0x4e: {  	_ =	shalt  }
0x4f: {  	_ =	shalt  }
0x50: {  	_ =	shalt  }
0x51: {  	_ =	shalt  }
0x52: {  	_ =	shalt  }
0x53: {  	_ =	shalt  }
0x54: {  	_ =	shalt  }
0x55: {  	_ =	shalt  }
0x56: {  	_ =	shalt  }
0x57: {  	_ =	shalt  }
0x58: {  	_ =	shalt  }
0x59: {  	_ =	shalt  }
0x5a: {  	_ =	shalt  }
0x5b: {  	_ =	shalt  }
0x5c: {  	_ =	shalt  }
0x5d: {  	_ =	shalt  }
0x5e: {  	_ =	shalt  }
0x5f: {  	_ =	shalt  }
0x60: {  	_ =	shalt  }
0x61: {  	_ =	shalt  }
0x62: {  	_ =	shalt  }
0x63: {  	_ =	shalt  }
0x64: {  	_ =	shalt  }
0x65: {  	_ =	shalt  }
0x66: {  	_ =	shalt  }
0x67: {  	_ =	shalt  }
0x68: {  	_ =	shalt  }
0x69: {  	_ =	shalt  }
0x6a: {  	_ =	shalt  }
0x6b: {  	_ =	shalt  }
0x6c: {  	_ =	shalt  }
0x6d: {  	_ =	shalt  }
0x6e: {  	_ =	shalt  }
0x6f: {  	_ =	shalt  }
0x70: {  	_ =	shalt  }
0x71: {  	_ =	shalt  }
0x72: {  	_ =	shalt  }
0x73: {  	_ =	shalt  }
0x74: {  	_ =	shalt  }
0x75: {  	_ =	shalt  }
0x76: {  	_ =	shalt  }
0x77: {  	_ =	shalt  }
0x78: {  	_ =	shalt  }
0x79: {  	_ =	shalt  }
0x7a: {  	_ =	shalt  }
0x7b: {  	_ =	shalt  }
0x7c: {  	_ =	shalt  }
0x7d: {  	_ =	shalt  }
0x7e: {  	_ =	shalt  }
0x7f: {  	_ =	shalt  }
0x80: {  	_ =	shalt  }
0x81: {  	_ =	shalt  }
0x82: {  	_ =	shalt  }
0x83: {  	_ =	shalt  }
0x84: {  	_ =	shalt  }
0x85: {  	_ =	shalt  }
0x86: {  	_ =	shalt  }
0x87: {  	_ =	shalt  }
.Lfunc_end0:
.L_simem_size_0:
called_computation.3_lowered:
.L_overlay_start_0:
0x88: {  	s2 =	sld [smem:$0x3FD9]  }
0x89: {  	s3 =	sld [smem:$0x3FFE];
	_ =	sdelay $0x1  }
0x8a: {  	s1 =	srdreg.scid  }
0x8b: {  	s0 =	sand.u32 $0x1, s1  }
0x8c: {  	s17 =	sshll.u32 s0, $0xA;
	s2 =	sadd.s32 s3, s2  }
0x8d: {  	s2 =	sadd.s32 s2, s17  }
0x8e: {  	[smem:$0x3FC0] =	sst s2  }
0x8f: {  	_ = 	snop  }
0x90: {  	s2 =	sld [smem:$0x3FD0];
	(tm) =	ssettm $0x1  }
0x91: {  	s18 =	sld [smem:$0x3FFB];
	_ =	sdelay $0x3  }
0x92: {  	_ =	strace s18  }
0x93: {  	s3 =	sld [smem:$0x3FFC];
	_ =	sdelay $0x3  }
0x94: {  	_ =	strace s3  }
0x95: {  	s3 =	sld [smem:$0x3FFD];
	_ =	sdelay $0x3  }
0x96: {  	_ =	strace s3  }
0x97: {  	_ =	strace $0x8FFFFFFF  }
0x98: {  	s19 =	sld [smem:$0x3FDB];
	_ =	sdelay $0x1  }
0x99: {  	s4 =	simm.s32 $_scs_section_size  }
0x9a: {  	s5 =	simm.s32 $_size__tile_overlayer_lowered;
	s6 =	simm.s32 $_tile_overlayer_lowered  }
0x9b: {  	s22 =	simm.s32 $0x1BFF;
	s21 =	sshll.u32 s6, $0x1;
	s3 =	sadd.s32 s4, s19  }
0x9c: {  	s7 =	simm.s32 $0x0;
	s20 =	sshll.u32 s5, $0x1;
	s5 =	sadd.s32 s21, s3  }
0x9d: {  	[timem:s7], [sflag:s22] =	dma.local [hbm:s5], s20  }
0x9e: {  	_ =	swait.ge [sflag:s22], s20  }
0x9f: {  	s4 =	ssub.s32 $0x0, s20;
	[sflag:s22] =	ssyncset.done $0x0  }
0xa0: {  	[sflag:s22] =	ssyncadd.s32 s4;
	_ =	sdelay $0x1  }
0xa1: {  	s23 =	simm.s32 $0x1B8B  }
0xa2: {  	_ =	swait.ge [sflag:s23], $0x1  }
0xa3: {  	[sflag:s23] =	ssyncset.done $0x0  }
0xa4: {  	s25 =	simm.s32 $0x1B8E;
	s24 =	sld [smem:$0x3FFE];
	[sflag:s23] =	ssyncadd.s32 $0xFFFFFFFF  }
0xa5: {  	s26 =	simm.s32 $execute0_lowered;
	[smem:$0x3FD2] =	sst s25  }
0xa6: {  	s5 =	sshll.u32 s26, $0x1;
	_ =	strace $0x8000004F;
	[dreg:$0x1] =	wrdreg $0xFFFFFFFF  }
0xa7: {  	s28 =	simm.s32 $_size_execute0_lowered;
	s3 =	sadd.s32 s3, s5;
	[dreg:$0x0] =	wrdreg $0x0  }
0xa8: {  	s5 =	sshll.u32 s28, $0x1;
	[dreg:$0x2] =	wrdreg s3  }
0xa9: {  	[dreg:$0x3] =	wrdreg s5  }
0xaa: {  	[dreg:$0x4] =	wrdreg $0xC0  }
0xab: {  	_ =	task [dreg:s7], $0x5FFFF  }
0xac: {  	[dreg:$0x1] =	wrdreg $0xFFFFFFFF  }
0xad: {  	[dreg:$0x0] =	wrdreg $0x60  }
0xae: {  	[dreg:$0x2] =	wrdreg s2  }
0xaf: {  	[dreg:$0x3] =	wrdreg s24  }
0xb0: {  	[dreg:$0x4] =	wrdreg $0x52000  }
0xb1: {  	[dreg:$0x5] =	wrdreg $0x9  }
0xb2: {  	_ =	task.clear_ibuf [dreg:s7], $0x6FFFF;
	_ =	strace $0x9000004F  }
0xb3: {  	s29 =	simm.s32 $0x9;
	_ =	strace $0x80000051  }
0xb4: {  	_ =	swait.ge [sflag:s29], $0x1  }
0xb5: {  	[sflag:s29] =	ssyncadd.s32 $0xFFFFFFFF  }
0xb6: {  	_ =	strace $0x90000051  }
0xb7: {  	_ =	sfence  }
0xb8: {  	s30 =	sld [smem:$0x0];
	_ =	sdelay $0x2  }
0xb9: {  	s31 =	sshll.u32 s1, $0xD;
	s1 =	sshrl.u32 s1, $0x2  }
0xba: {  	s3 =	sand.u32 $0x4000, s31;
	s1 =	sadd.s32 s1, s30  }
0xbb: {  	s0 =	sor.u32 s3, s0;
	s1 =	sshll.u32 s1, $0x11  }
0xbc: {  	s0 =	sor.u32 s1, s0  }
0xbd: {  	s0 =	sadd.s32 $0x8F2B, s0  }
0xbe: {  	[sflag:s0] =	ssyncadd.remote.s32 $0x1  }
0xbf: {  	_ =	sfence.sel $0xFFFF  }
0xc0: {  	[dreg:$0x0] =	wrdreg $0xFFFFFFFF;
	(pc) =	sbr.abs _section_cstart, $3  }
0xc1: {  	[dreg:$0x1] =	wrdreg $0xFFFFFFFF  }
0xc2: {  	_ =	task.clear_ibuf [dreg:s7], $0x2FFFF;
	_ =	strace $0x9FFFFFFF  }
0xc3: {  	(tm) =	ssettm $0x7FFFFFFF  }
tec
execute0_lowered:
.L_overlay_start_1:
0x0: {  	(tag) =	ssettag $0x1  }
0x1: {  	s1 =	rddreg [dreg:$0x0];
	s2 =	srdreg.scid  }
0x2: {  	s0 =	stileid.u32;
	s5 =	rddreg [dreg:$0x1]  }
0x3: {  	s3 =	rddreg [dreg:$0x2];
	s4 =	simm.s32 $0x0;
	s11 =	simm.s32 $0x4F80  }
0x4: {  	s12 =	simm.s32 $0x80;
	s13 =	simm.s32 $0x4F00;
	s14 =	simm.s32 $0x1  }
0x5: {  	s6 =	sand.u32 $0x1, s2;
	s30 =	sshll.u32 s0, $0x1;
	s9 =	smul.u32 $0x280, s0  }
0x6: {  	s2 =	rddreg [dreg:$0x3];
	s7 =	sor.u32 s6, s30;
	s8 =	smul.u32 $0x500, s6  }
0x7: {  	[smem:$0x7FF] =	sst s4;
	s6 =	ssub.s32 $0x2, s6;
	s7 =	smul.u32 $0x4F0, s7  }
0x8: {  	_ =	strace $0x80000050;
	s31 =	sshrl.u32 s6, $0x1;
	s16 =	sshrl.u32 s9, $0x3  }
0x9: {  	s8 =	sadd.s32 s8, s5;
	s10 =	ssub.s32 s6, s31;
	s7 =	sadd.s32 s7, s5  }
0xa: {  	s15 =	sadd.s32 $0x15A00, s8;
	s8 =	smax.u32 s10, $0x1;
	s10 =	simm.s32 $0x2780  }
0xb: {  	s5 =	sadd.s32 $0xBC00, s7;
	s6 =	sadd.s32 $0x1E00, s7;
	s7 =	sadd.s32 s9, s3  }
0xc: {  	v0 =	vimm.f32 $0.0e+00;
	s9 =	simm.s32 $0x2;
	s15 =	sadd.s32 s16, s15;
	s16 =	simm.s32 $0x0  }
.LBB2_1:
0xd: {  	[tilespmem:s4], [sflag:$0x2] =	stream.linear.gather [hbm4b:s5+s4], $0x2780, $0x38;
	[tilespmem:$0x5480] =	vst v63  }
0xe: {  	_ =	swait.ge [sflag:s9], $0x2780  }
0xf: {  	[sflag:s9] =	ssyncset.done $0x0  }
0x10: {  	[sflag:s9] =	ssyncadd.s32 $0xFFFFD880  }
0x11: {  	[tilespmem:s10], [sflag:$0x2] =	stream.linear.gather [hbm4b:s6+s4], $0x2780, $0x38;
	[tilespmem:$0x5480] =	vst v63  }
0x12: {  	_ =	swait.ge [sflag:s9], $0x2780  }
0x13: {  	[sflag:s9] =	ssyncset.done $0x0  }
0x14: {  	[sflag:s9] =	ssyncadd.s32 $0xFFFFD880  }
0x15: {  	[tilespmem:$0x4F80] =	vst v0  }
0x16: {  	[tilespmem:$0x4F90] =	vst v0  }
0x17: {  	[tilespmem:$0x4FA0] =	vst v0  }
0x18: {  	[tilespmem:$0x4FB0] =	vst v0  }
0x19: {  	[tilespmem:$0x4FC0] =	vst v0  }
0x1a: {  	[tilespmem:$0x4FD0] =	vst v0  }
0x1b: {  	[tilespmem:$0x4FE0] =	vst v0  }
0x1c: {  	[tilespmem:$0x4FF0] =	vst v0  }
0x1d: {  	[tilespmem:$0x5000] =	vst v0  }
0x1e: {  	[tilespmem:$0x5010] =	vst v0  }
0x1f: {  	[tilespmem:$0x5020] =	vst v0  }
0x20: {  	[tilespmem:$0x5030] =	vst v0  }
0x21: {  	[tilespmem:$0x5040] =	vst v0  }
0x22: {  	[tilespmem:$0x5050] =	vst v0  }
0x23: {  	[tilespmem:$0x5060] =	vst v0  }
0x24: {  	[tilespmem:$0x5070] =	vst v0  }
0x25: {  	[tilespmem:$0x5080] =	vst v0  }
0x26: {  	[tilespmem:$0x5090] =	vst v0  }
0x27: {  	[tilespmem:$0x50A0] =	vst v0  }
0x28: {  	[tilespmem:$0x50B0] =	vst v0  }
0x29: {  	[tilespmem:$0x50C0] =	vst v0  }
0x2a: {  	[tilespmem:$0x50D0] =	vst v0  }
0x2b: {  	[tilespmem:$0x50E0] =	vst v0  }
0x2c: {  	[tilespmem:$0x50F0] =	vst v0  }
0x2d: {  	[tilespmem:$0x5100] =	vst v0  }
0x2e: {  	[tilespmem:$0x5110] =	vst v0  }
0x2f: {  	[tilespmem:$0x5120] =	vst v0  }
0x30: {  	[tilespmem:$0x5130] =	vst v0  }
0x31: {  	[tilespmem:$0x5140] =	vst v0  }
0x32: {  	[tilespmem:$0x5150] =	vst v0  }
0x33: {  	[tilespmem:$0x5160] =	vst v0  }
0x34: {  	[tilespmem:$0x5170] =	vst v0  }
0x35: {  	[tilespmem:$0x5180] =	vst v0  }
0x36: {  	[tilespmem:$0x5190] =	vst v0  }
0x37: {  	[tilespmem:$0x51A0] =	vst v0  }
0x38: {  	[tilespmem:$0x51B0] =	vst v0  }
0x39: {  	[tilespmem:$0x51C0] =	vst v0  }
0x3a: {  	[tilespmem:$0x51D0] =	vst v0  }
0x3b: {  	[tilespmem:$0x51E0] =	vst v0  }
0x3c: {  	[tilespmem:$0x51F0] =	vst v0  }
0x3d: {  	[spmem:s7] =	stream.linear.scatter [tilespmem:s11], [sflag:$0x2], $0x280, $0x38;
	[tilespmem:$0x5480] =	vst v63  }
0x3e: {  	_ =	swait.ge [sflag:s9], $0x280  }
0x3f: {  	[sflag:s9] =	ssyncset.done $0x0  }
0x40: {  	[sflag:s9] =	ssyncadd.s32 $0xFFFFFD80  }
0x41: {  	s17 =	simm.s32 $0x0;
	[bflag:$0x0] =	sbarrier.arrive $0xFFFF  }
0x42: {  	[tilespmem:s13], [sflag:$0x1] =	stream.indirect.gather [hbm4b:s1+s12], $0x1, s17, s12, $0xb8;
	[tilespmem:$0x5480] =	vst v63  }
0x43: {  	_ =	swait.ge [sflag:s14], $0x80  }
0x44: {  	[sflag:s14] =	ssyncset.done $0x0  }
0x45: {  	s31 =	simm.s32 $0x2780;
	[sflag:s14] =	ssyncadd.s32 $0xFFFFFF80  }
0x46: {  	[spmem:s3] =	stream.indirect.scatter.add.f32 [tilespmem:s13], [sflag:$0x2], $0x1, s31, s12, $0xb8;
	[tilespmem:$0x5480] =	vst v63  }
0x47: {  	_ =	swait.ge [sflag:s9], $0x80  }
0x48: {  	s18 =	simm.s32 $0x400;
	s17 =	simm.s32 $0x200;
	[sflag:s9] =	ssyncset.done $0x0  }
.LBB2_2:
0x49: {  	s19 =	sshra.s32 s17, $0x2  }
0x4a: {  	[sflag:s9] =	ssyncadd.s32 $0xFFFFFF80;
	s17 =	smov.u32 s18;
	s20 =	sadd.s32 $0x200, s18  }
0x4b: {  	[tilespmem:s13], [sflag:$0x1] =	stream.indirect.gather [hbm4b:s1+s12], $0x1, s19, s12, $0xb8;
	[tilespmem:$0x5480] =	vst v63  }
0x4c: {  	p0 =	sne.s32 s18, $0x9C00;
	_ =	swait.ge [sflag:s14], $0x80  }
.Ltmp0:
0x4d: {  	[sflag:s14] =	ssyncset.done $0x0;
	(pc) =	sbr.rel @p0 .LBB2_2-.Ltmp0, $4  }
0x4e: {  	s18 =	sadd.s32 $0x2780, s19;
	[sflag:s14] =	ssyncadd.s32 $0xFFFFFF80  }
0x4f: {  	[spmem:s3] =	stream.indirect.scatter.add.f32 [tilespmem:s13], [sflag:$0x2], $0x1, s18, s12, $0xb8;
	[tilespmem:$0x5480] =	vst v63  }
0x50: {  	_ =	swait.ge [sflag:s9], $0x80  }
0x51: {  	s18 =	smov.u32 s20;
	[sflag:s9] =	ssyncset.done $0x0  }
0x52: {  	s17 =	sshra.s32 s17, $0x2;
	[sflag:s9] =	ssyncadd.s32 $0xFFFFFF80  }
0x53: {  	[tilespmem:s13], [sflag:$0x1] =	stream.indirect.gather [hbm4b:s1+s12], $0x1, s17, s12, $0xb8;
	[tilespmem:$0x5480] =	vst v63  }
0x54: {  	_ =	swait.ge [sflag:s14], $0x80  }
0x55: {  	[sflag:s14] =	ssyncset.done $0x0  }
0x56: {  	s17 =	sadd.s32 $0x2780, s17;
	[sflag:s14] =	ssyncadd.s32 $0xFFFFFF80  }
0x57: {  	[spmem:s3] =	stream.indirect.scatter.add.f32 [tilespmem:s13], [sflag:$0x2], $0x1, s17, s12, $0xb8;
	[tilespmem:$0x5480] =	vst v63  }
0x58: {  	_ =	swait.ge [sflag:s9], $0x80  }
0x59: {  	[sflag:s9] =	ssyncset.done $0x0  }
0x5a: {  	[sflag:s9] =	ssyncadd.s32 $0xFFFFFF80  }
0x5b: {  	[bflag:$0x0] =	sbarrier.arrive $0xFFFF  }
0x5c: {  	[tilespmem:s11], [sflag:$0x2] =	stream.linear.gather [spmem:s7], $0x280, $0x38;
	[tilespmem:$0x5480] =	vst v63  }
0x5d: {  	s16 =	sadd.s32 $0x1, s16;
	_ =	swait.ge [sflag:s9], $0x280  }
0x5e: {  	p0 =	sne.s32 s16, s8;
	[sflag:s9] =	ssyncset.done $0x0  }
.Ltmp1:
0x5f: {  	[sflag:s9] =	ssyncadd.s32 $0xFFFFFD80;
	(pc) =	sbr.rel @p0 .LBB2_1-.Ltmp1, $4  }
0x60: {  	[hbm4b:s15+s4] =	stream.linear.scatter [tilespmem:s11], [sflag:$0x2], $0x280, $0x38;
	[tilespmem:$0x5480] =	vst v63  }
0x61: {  	_ =	swait.ge [sflag:s9], $0x280  }
0x62: {  	[sflag:s9] =	ssyncset.done $0x0  }
0x63: {  	[sflag:s9] =	ssyncadd.s32 $0xFFFFFD80  }
0x64: {  	_ =	sfence.sel $0x180000  }
0x65: {  	[bflag:$0x0] =	sbarrier.arrive $0xFFFF  }
0x66: {  	p0 =	sne.s32 s0, $0x0;
	_ =	strace $0x90000050  }
0x67: {  	s0 =	sadd.s32 @!p0 $0x100000, s2;
	[bflag:$0x2] =	sbarrier.arrive $0xFFFF  }
0x68: {  	[sflag:s0] =	ssyncadd.tile.s32 @!p0 $0x1;
	_ =	shalt  }
.Lfunc_end2:
_tile_overlayer_lowered:
.L_overlay_start_2:
0x69: {  	(tag) =	ssettag $0x2  }
0x6a: {  	s0 =	rddreg [dreg:$0x0];
	s2 =	stileid.u32  }
0x6b: {  	s1 =	rddreg [dreg:$0x1];
	p0 =	sne.s32 s2, $0x0  }
0x6c: {  	s3 =	rddreg [dreg:$0x2];
	[bflag:$0x3] =	sbarrier.arrive $0xFFFF;
	s2 =	simm.s32 @!p0 $0x1C02  }
0x6d: {  	[timem:s3], [sflag:s2] =	dma.local @!p0 [hbm:s0], s1  }
0x6e: {  	s0 =	simm.s32 @!p0 $0x2  }
0x6f: {  	_ =	swait.ge @!p0 [sflag:s0], s1  }
0x70: {  	s1 =	ssub.s32 @!p0 $0x0, s1;
	[sflag:s0] =	ssyncset.done @!p0 $0x0  }
0x71: {  	[sflag:s0] =	ssyncadd.s32 @!p0 s1  }
0x72: {  	[bflag:$0x3] =	sbarrier.arrive $0xFFFF  }
0x73: {  	_ =	shalt  }

</sc_bundles>
